<compile_context>
chip_gen: v7x
topology: tpu7x:2x2x1
jax: 0.10.2.dev20260603
libtpu: 0.0.44.dev20260713+nightly
codegen_flags: <defaults>
</compile_context>

<pallas_src>
import functools

import jax
import jax.numpy as jnp
from jax import lax
from jax.experimental import pallas as pl
from jax.experimental.pallas import tpu as pltpu
from jax.experimental.pallas import tpu_sc as plsc

SUB = 16
NCORE = 2
CHUNK = 64
KSUB = 4
SUPER = CHUNK * KSUB


def _mm_norm(x, attn, weight, block_rows):
  n, k = x.shape
  out = weight.shape[1]
  grid = n // block_rows

  def body(x_ref, attn_ref, w_ref, h_ref, nrm_ref, ssq_ref):
    i = pl.program_id(0)

    @pl.when(i == 0)
    def _():
      ssq_ref[0] = 0.0

    h_ref[...] = lax.dot_general(
        x_ref[...], w_ref[...], (((1,), (0,)), ((), ())),
        precision=lax.Precision.DEFAULT,
        preferred_element_type=jnp.float32)
    a = attn_ref[...]
    ssq_ref[0] += jnp.sum(a * a)

    @pl.when(i == grid - 1)
    def _():
      nrm_ref[0, 0] = jnp.sqrt(ssq_ref[0])

  return pl.pallas_call(
      body,
      grid=(grid,),
      in_specs=[
          pl.BlockSpec((block_rows, k), lambda i: (i, 0)),
          pl.BlockSpec((block_rows, k), lambda i: (i, 0)),
          pl.BlockSpec((k, out), lambda i: (0, 0)),
      ],
      out_specs=[
          pl.BlockSpec((block_rows, out), lambda i: (i, 0)),
          pl.BlockSpec(memory_space=pltpu.SMEM),
      ],
      out_shape=[
          jax.ShapeDtypeStruct((n, out), jnp.float32),
          jax.ShapeDtypeStruct((1, 1), jnp.float32),
      ],
      scratch_shapes=[pltpu.SMEM((1,), jnp.float32)],
  )(x, attn, weight)


def _edge_sc(src_r, dst_r, ev_r, attn_flat, h, zrows, n, out, nsuper):
  rpt = n // SUB
  mesh = plsc.VectorSubcoreMesh(core_axis_name="c", subcore_axis_name="s")

  @functools.partial(
      pl.kernel,
      out_type=jax.ShapeDtypeStruct((NCORE * SUB, n // SUB, out),
                                    jnp.float32),
      mesh=mesh,
      scratch_types=[
          pltpu.VMEM_SHARED((n, out), jnp.float32),
          pltpu.VMEM((KSUB, CHUNK), jnp.int32),
          pltpu.VMEM((KSUB, CHUNK), jnp.int32),
          pltpu.VMEM((KSUB, CHUNK), jnp.float32),
          pltpu.VMEM((KSUB, CHUNK), jnp.int32),
          pltpu.VMEM((KSUB, CHUNK), jnp.float32),
          pltpu.VMEM((SUPER,), jnp.float32),
          pltpu.VMEM((SUPER, out), jnp.float32),
          pltpu.SemaphoreType.DMA,
          pltpu.SemaphoreType.DMA,
      ],
      compiler_params=pltpu.CompilerParams(use_tc_tiling_on_sc=False),
  )
  def k(src_hbm, dst_hbm, ev_hbm, attn_hbm, h_hbm, z_hbm, out_hbm,
        acc, src_v, dst_v, ev_v, fidx_v, dv_v, vals_v, rows_v,
        sem, sem2):
    c = lax.axis_index("c")
    s = lax.axis_index("s")

    pltpu.sync_copy(z_hbm, acc.at[pl.ds(s * rpt, rpt), :])
    plsc.subcore_barrier()

    def superchunk(g, carry):
      d1 = pltpu.async_copy(src_hbm.at[c, s, g], src_v, sem)
      d2 = pltpu.async_copy(dst_hbm.at[c, s, g], dst_v, sem)
      d3 = pltpu.async_copy(ev_hbm.at[c, s, g], ev_v, sem)
      d1.wait(); d2.wait(); d3.wait()

      def fidx_body(t, _):
        j = t // (CHUNK // 16)
        o = (t % (CHUNK // 16)) * 16
        sv = src_v[j, pl.ds(o, 16)]
        dv = dst_v[j, pl.ds(o, 16)]
        fidx_v[j, pl.ds(o, 16)] = sv * n + dv
        return 0
      lax.fori_loop(0, KSUB * CHUNK // 16, fidx_body, 0)

      descs = []
      for j in range(KSUB):
        descs.append(pltpu.async_copy(
            attn_hbm.at[fidx_v.at[j]], dv_v.at[j], sem))
      for j in range(KSUB):
        descs.append(pltpu.async_copy(
            h_hbm.at[dst_v.at[j]],
            rows_v.at[pl.ds(j * CHUNK, CHUNK), :], sem))
      for d in descs:
        d.wait()

      def vals_body(t, _):
        j = t // (CHUNK // 16)
        o = (t % (CHUNK // 16)) * 16
        vals_v[pl.ds(t * 16, 16)] = (
            ev_v[j, pl.ds(o, 16)] * dv_v[j, pl.ds(o, 16)])
        return 0
      lax.fori_loop(0, KSUB * CHUNK // 16, vals_body, 0)

      def scale_body(g2, _):
        val16 = vals_v[pl.ds(g2 * 16, 16)]
        base = g2 * 16
        for lane in range(16):
          valv = jnp.broadcast_to(val16[lane], (16,))
          for f in range(out // 16):
            sl = pl.ds(f * 16, 16)
            rows_v[base + lane, sl] = rows_v[base + lane, sl] * valv
        return 0
      lax.fori_loop(0, SUPER // 16, scale_body, 0)

      sdescs = []
      for j in range(KSUB):
        sdescs.append(pltpu.async_copy(
            rows_v.at[pl.ds(j * CHUNK, CHUNK), :],
            acc.at[src_v.at[j]], sem2, add=True))
      for d in sdescs:
        d.wait()
      return carry

    lax.fori_loop(0, nsuper, superchunk, 0)
    plsc.subcore_barrier()
    pltpu.sync_copy(acc.at[pl.ds(s * rpt, rpt), :],
                    out_hbm.at[c * SUB + s])

  return k(src_r, dst_r, ev_r, attn_flat, h, zrows)


def _combine(p0, p1, block_rows):
  n, out = p0.shape
  grid = n // block_rows

  def body(a_ref, b_ref, o_ref):
    o_ref[...] = a_ref[...] + b_ref[...]

  return pl.pallas_call(
      body,
      grid=(grid,),
      in_specs=[
          pl.BlockSpec((block_rows, out), lambda i: (i, 0)),
          pl.BlockSpec((block_rows, out), lambda i: (i, 0)),
      ],
      out_specs=pl.BlockSpec((block_rows, out), lambda i: (i, 0)),
      out_shape=jax.ShapeDtypeStruct((n, out), jnp.float32),
  )(p0, p1)


def kernel(x, edge_index, edge_values, attn, weight):
  n = x.shape[0]
  out = weight.shape[1]
  e = edge_values.shape[0]

  h, nrm = _mm_norm(x.astype(jnp.float32), attn, weight, block_rows=200)

  unit = NCORE * SUB * SUPER
  e_pad = ((e + unit - 1) // unit) * unit
  nsuper = e_pad // unit
  pad = e_pad - e
  src = jnp.concatenate([edge_index[0], jnp.zeros((pad,), jnp.int32)])
  dst = jnp.concatenate([edge_index[1], jnp.zeros((pad,), jnp.int32)])
  ev = jnp.concatenate([edge_values, jnp.zeros((pad,), jnp.float32)])
  src_r = src.reshape(NCORE, SUB, nsuper, KSUB, CHUNK)
  dst_r = dst.reshape(NCORE, SUB, nsuper, KSUB, CHUNK)
  ev_r = ev.reshape(NCORE, SUB, nsuper, KSUB, CHUNK)

  attn_flat = attn.reshape(-1)
  zrows = jnp.zeros((n // SUB, out), jnp.float32)

  parts = _edge_sc(src_r, dst_r, ev_r, attn_flat, h, zrows,
                   n, out, nsuper)
  parts = parts.reshape(NCORE, n, out)
  result = _combine(parts[0], parts[1], block_rows=1000)
  return result, nrm[0, 0]

# --- scband reference (transcript-rebuilt; emitter-appended) ---
"""Pipeline reference for scband-attn-layer-39462159515865 (READ-ONLY COPY).

The authoritative reference and input builder live on the scoring server;
editing this copy changes nothing except your own understanding.
"""

import jax, jax.numpy as jnp
import numpy as np

N = 10000        # n_nodes == input_dim
E = 320000       # n_edges = N * avg_degree(32)
OUT = 128        # output_dim


def setup_inputs(seed: int = 0) -> dict:
    key = jax.random.key(seed)
    k1, k2, k3, k4, k5 = jax.random.split(key, 5)
    x = jax.random.normal(k1, (N, N), dtype=jnp.float32)
    edge_index = jax.random.randint(k2, (2, E), 0, N, dtype=jnp.int32)
    edge_values = jax.random.uniform(k3, (E,), dtype=jnp.float32)
    # learned parameters per reset_parameters():
    stdv = 1.0 / np.sqrt(OUT)
    weight = jax.random.uniform(k4, (N, OUT), minval=-stdv, maxval=stdv, dtype=jnp.float32)
    attn = jax.random.uniform(k5, (N, N), minval=0.0, maxval=1.0, dtype=jnp.float32)
    return {"x": x, "edge_index": edge_index, "edge_values": edge_values,
            "attn": attn, "weight": weight}


def reference(x, edge_index, edge_values, attn, weight):
    # x = x.float(); x = x.matmul(weight)
    h = x.astype(jnp.float32) @ weight                      # [N, OUT]
    src = edge_index[0]  # row indices of sparse G
    dst = edge_index[1]  # col indices of sparse G
    # sparse_dense_mul(G, attn): new values = G.values * attn[row, col]
    dv = attn[src, dst]                                     # gather, [E]
    vals = edge_values * dv                                 # [E]
    # torch.sparse.mm(G, h): out[i] = sum_{(i,j) in G} vals * h[j]
    msgs = vals[:, None] * jnp.take(h, dst, axis=0)         # [E, OUT]
    out = jax.ops.segment_sum(msgs, src, num_segments=N)    # scatter-add, [N, OUT]
    return out, jnp.linalg.norm(attn)

if __name__ == "__main__":
    import jax
    _d = setup_inputs()
    print(jax.jit(kernel)(*tuple(_d.values())))

</pallas_src>

<mosaic_0001>
#map = affine_map<(d0, d1) -> (0, 0, 0, 0, 0)>
#map1 = affine_map<(d0, d1) -> (0)>
#map2 = affine_map<(d0, d1) -> (0, 0)>
#map3 = affine_map<(d0, d1) -> (0, 0, 0)>
module attributes {stable_mosaic.version = 14 : i64} {
  func.func @k(%arg0: i32, %arg1: i32, %arg2: memref<2x16x40x4x64xi32, #tpu.memory_space<hbm>>, %arg3: memref<2x16x40x4x64xi32, #tpu.memory_space<hbm>>, %arg4: memref<2x16x40x4x64xf32, #tpu.memory_space<hbm>>, %arg5: memref<100000000xf32, #tpu.memory_space<hbm>>, %arg6: memref<10000x128xf32, #tpu.memory_space<hbm>>, %arg7: memref<625x128xf32, #tpu.memory_space<hbm>>, %arg8: memref<32x625x128xf32, #tpu.memory_space<hbm>>, %arg9: memref<10000x128xf32, #tpu.memory_space<vmem_shared>>, %arg10: memref<4x64xi32, #tpu.memory_space<vmem>>, %arg11: memref<4x64xi32, #tpu.memory_space<vmem>>, %arg12: memref<4x64xf32, #tpu.memory_space<vmem>>, %arg13: memref<4x64xi32, #tpu.memory_space<vmem>>, %arg14: memref<4x64xf32, #tpu.memory_space<vmem>>, %arg15: memref<256xf32, #tpu.memory_space<vmem>>, %arg16: memref<256x128xf32, #tpu.memory_space<vmem>>, %arg17: memref<!tpu.dma_semaphore, #tpu.memory_space<semaphore_mem>>, %arg18: memref<!tpu.dma_semaphore, #tpu.memory_space<semaphore_mem>>) attributes {dimension_semantics = [#tpu.dimension_semantics<core_parallel>, #tpu.dimension_semantics<subcore_parallel>], iteration_bounds = array<i64: 2, 16>, scalar_prefetch = 0 : i64, scratch_operands = 10 : i64, tpu.core_type = #tpu.core_type<sc_vector_subcore>, window_params = [{transform_indices = #map}, {transform_indices = #map}, {transform_indices = #map}, {transform_indices = #map1}, {transform_indices = #map2}, {transform_indices = #map2}, {transform_indices = #map3}]} {
    %mul3A = arith.constant 625 : i32
    %mul3A_0 = arith.muli %arg1, %mul3A : i32
    "tpu.region"() ({
      %run_scoped3A = tpu.sem_alloc : memref<!tpu.dma_semaphore, #tpu.memory_space<semaphore_mem>>
      %dma_start3A = arith.constant 0 : i32
      %dma_start3A_11 = tpu.memref_slice %arg9[%mul3A_0, %dma_start3A] : memref<10000x128xf32, #tpu.memory_space<vmem_shared>> -> memref<625x128xf32, #tpu.memory_space<vmem_shared>>
      tpu.enqueue_dma source(%arg7 : memref<625x128xf32, #tpu.memory_space<hbm>>) target(%dma_start3A_11 : memref<625x128xf32, #tpu.memory_space<vmem_shared>>) target_semaphore(%run_scoped3A : memref<!tpu.dma_semaphore, #tpu.memory_space<semaphore_mem>>)
      %dma_wait3A = arith.constant 0 : i32
      %dma_wait3A_12 = tpu.memref_slice %arg9[%mul3A_0, %dma_wait3A] : memref<10000x128xf32, #tpu.memory_space<vmem_shared>> -> memref<625x128xf32, #tpu.memory_space<vmem_shared>>
      tpu.wait_dma2 semaphore(%run_scoped3A : memref<!tpu.dma_semaphore, #tpu.memory_space<semaphore_mem>>) src(%arg7 : memref<625x128xf32, #tpu.memory_space<hbm>>) dst(%dma_wait3A_12 : memref<625x128xf32, #tpu.memory_space<vmem_shared>>)
      tpu.yield
    }) : () -> ()
    %barrier3A = arith.constant 0 : index
    tpu.barrier barrier_id(%barrier3A)
    %scan3A = arith.constant 0 : i32
    %scan3A_1 = arith.constant 0 : i32
    %scan3A_2 = arith.constant 40 : i32
    %scan3A_3 = arith.addi %scan3A_1, %scan3A_2 : i32
    %scan3A_4 = arith.constant 1 : i32
    scf.for %scan3A_11 = %scan3A_1 to %scan3A_3 step %scan3A_4  : i32 {
      %dma_start3A = arith.constant 0 : i32
      %dma_start3A_12 = arith.constant 0 : i32
      %dma_start3A_13 = tpu.memref_slice %arg2[%arg0, %arg1, %scan3A_11, %dma_start3A, %dma_start3A_12] : memref<2x16x40x4x64xi32, #tpu.memory_space<hbm>> -> memref<1x1x1x4x64xi32, #tpu.memory_space<hbm>>
      %dma_start3A_14 = tpu.memref_squeeze %dma_start3A_13 : memref<1x1x1x4x64xi32, #tpu.memory_space<hbm>> -> memref<4x64xi32, #tpu.memory_space<hbm>>
      %dma_start3A_15 = arith.constant 0 : i32
      %dma_start3A_16 = arith.constant 0 : i32
      %dma_start3A_17 = tpu.memref_slice %arg2[%arg0, %arg1, %scan3A_11, %dma_start3A_15, %dma_start3A_16] : memref<2x16x40x4x64xi32, #tpu.memory_space<hbm>> -> memref<1x1x1x4x64xi32, #tpu.memory_space<hbm>>
      %dma_start3A_18 = tpu.memref_squeeze %dma_start3A_17 : memref<1x1x1x4x64xi32, #tpu.memory_space<hbm>> -> memref<4x64xi32, #tpu.memory_space<hbm>>
      tpu.enqueue_dma source(%dma_start3A_18 : memref<4x64xi32, #tpu.memory_space<hbm>>) target(%arg10 : memref<4x64xi32, #tpu.memory_space<vmem>>) target_semaphore(%arg17 : memref<!tpu.dma_semaphore, #tpu.memory_space<semaphore_mem>>)
      %dma_start3A_19 = arith.constant 0 : i32
      %dma_start3A_20 = arith.constant 0 : i32
      %dma_start3A_21 = tpu.memref_slice %arg3[%arg0, %arg1, %scan3A_11, %dma_start3A_19, %dma_start3A_20] : memref<2x16x40x4x64xi32, #tpu.memory_space<hbm>> -> memref<1x1x1x4x64xi32, #tpu.memory_space<hbm>>
      %dma_start3A_22 = tpu.memref_squeeze %dma_start3A_21 : memref<1x1x1x4x64xi32, #tpu.memory_space<hbm>> -> memref<4x64xi32, #tpu.memory_space<hbm>>
      %dma_start3A_23 = arith.constant 0 : i32
      %dma_start3A_24 = arith.constant 0 : i32
      %dma_start3A_25 = tpu.memref_slice %arg3[%arg0, %arg1, %scan3A_11, %dma_start3A_23, %dma_start3A_24] : memref<2x16x40x4x64xi32, #tpu.memory_space<hbm>> -> memref<1x1x1x4x64xi32, #tpu.memory_space<hbm>>
      %dma_start3A_26 = tpu.memref_squeeze %dma_start3A_25 : memref<1x1x1x4x64xi32, #tpu.memory_space<hbm>> -> memref<4x64xi32, #tpu.memory_space<hbm>>
      tpu.enqueue_dma source(%dma_start3A_26 : memref<4x64xi32, #tpu.memory_space<hbm>>) target(%arg11 : memref<4x64xi32, #tpu.memory_space<vmem>>) target_semaphore(%arg17 : memref<!tpu.dma_semaphore, #tpu.memory_space<semaphore_mem>>)
      %dma_start3A_27 = arith.constant 0 : i32
      %dma_start3A_28 = arith.constant 0 : i32
      %dma_start3A_29 = tpu.memref_slice %arg4[%arg0, %arg1, %scan3A_11, %dma_start3A_27, %dma_start3A_28] : memref<2x16x40x4x64xf32, #tpu.memory_space<hbm>> -> memref<1x1x1x4x64xf32, #tpu.memory_space<hbm>>
      %dma_start3A_30 = tpu.memref_squeeze %dma_start3A_29 : memref<1x1x1x4x64xf32, #tpu.memory_space<hbm>> -> memref<4x64xf32, #tpu.memory_space<hbm>>
      %dma_start3A_31 = arith.constant 0 : i32
      %dma_start3A_32 = arith.constant 0 : i32
      %dma_start3A_33 = tpu.memref_slice %arg4[%arg0, %arg1, %scan3A_11, %dma_start3A_31, %dma_start3A_32] : memref<2x16x40x4x64xf32, #tpu.memory_space<hbm>> -> memref<1x1x1x4x64xf32, #tpu.memory_space<hbm>>
      %dma_start3A_34 = tpu.memref_squeeze %dma_start3A_33 : memref<1x1x1x4x64xf32, #tpu.memory_space<hbm>> -> memref<4x64xf32, #tpu.memory_space<hbm>>
      tpu.enqueue_dma source(%dma_start3A_34 : memref<4x64xf32, #tpu.memory_space<hbm>>) target(%arg12 : memref<4x64xf32, #tpu.memory_space<vmem>>) target_semaphore(%arg17 : memref<!tpu.dma_semaphore, #tpu.memory_space<semaphore_mem>>)
      %dma_wait3A = arith.constant 0 : i32
      %dma_wait3A_35 = arith.constant 0 : i32
      %dma_wait3A_36 = tpu.memref_slice %arg2[%arg0, %arg1, %scan3A_11, %dma_wait3A, %dma_wait3A_35] : memref<2x16x40x4x64xi32, #tpu.memory_space<hbm>> -> memref<1x1x1x4x64xi32, #tpu.memory_space<hbm>>
      %dma_wait3A_37 = tpu.memref_squeeze %dma_wait3A_36 : memref<1x1x1x4x64xi32, #tpu.memory_space<hbm>> -> memref<4x64xi32, #tpu.memory_space<hbm>>
      %dma_wait3A_38 = arith.constant 0 : i32
      %dma_wait3A_39 = arith.constant 0 : i32
      %dma_wait3A_40 = tpu.memref_slice %arg2[%arg0, %arg1, %scan3A_11, %dma_wait3A_38, %dma_wait3A_39] : memref<2x16x40x4x64xi32, #tpu.memory_space<hbm>> -> memref<1x1x1x4x64xi32, #tpu.memory_space<hbm>>
      %dma_wait3A_41 = tpu.memref_squeeze %dma_wait3A_40 : memref<1x1x1x4x64xi32, #tpu.memory_space<hbm>> -> memref<4x64xi32, #tpu.memory_space<hbm>>
      tpu.wait_dma2 semaphore(%arg17 : memref<!tpu.dma_semaphore, #tpu.memory_space<semaphore_mem>>) src(%dma_wait3A_41 : memref<4x64xi32, #tpu.memory_space<hbm>>) dst(%arg10 : memref<4x64xi32, #tpu.memory_space<vmem>>)
      %dma_wait3A_42 = arith.constant 0 : i32
      %dma_wait3A_43 = arith.constant 0 : i32
      %dma_wait3A_44 = tpu.memref_slice %arg3[%arg0, %arg1, %scan3A_11, %dma_wait3A_42, %dma_wait3A_43] : memref<2x16x40x4x64xi32, #tpu.memory_space<hbm>> -> memref<1x1x1x4x64xi32, #tpu.memory_space<hbm>>
      %dma_wait3A_45 = tpu.memref_squeeze %dma_wait3A_44 : memref<1x1x1x4x64xi32, #tpu.memory_space<hbm>> -> memref<4x64xi32, #tpu.memory_space<hbm>>
      %dma_wait3A_46 = arith.constant 0 : i32
      %dma_wait3A_47 = arith.constant 0 : i32
      %dma_wait3A_48 = tpu.memref_slice %arg3[%arg0, %arg1, %scan3A_11, %dma_wait3A_46, %dma_wait3A_47] : memref<2x16x40x4x64xi32, #tpu.memory_space<hbm>> -> memref<1x1x1x4x64xi32, #tpu.memory_space<hbm>>
      %dma_wait3A_49 = tpu.memref_squeeze %dma_wait3A_48 : memref<1x1x1x4x64xi32, #tpu.memory_space<hbm>> -> memref<4x64xi32, #tpu.memory_space<hbm>>
      tpu.wait_dma2 semaphore(%arg17 : memref<!tpu.dma_semaphore, #tpu.memory_space<semaphore_mem>>) src(%dma_wait3A_49 : memref<4x64xi32, #tpu.memory_space<hbm>>) dst(%arg11 : memref<4x64xi32, #tpu.memory_space<vmem>>)
      %dma_wait3A_50 = arith.constant 0 : i32
      %dma_wait3A_51 = arith.constant 0 : i32
      %dma_wait3A_52 = tpu.memref_slice %arg4[%arg0, %arg1, %scan3A_11, %dma_wait3A_50, %dma_wait3A_51] : memref<2x16x40x4x64xf32, #tpu.memory_space<hbm>> -> memref<1x1x1x4x64xf32, #tpu.memory_space<hbm>>
      %dma_wait3A_53 = tpu.memref_squeeze %dma_wait3A_52 : memref<1x1x1x4x64xf32, #tpu.memory_space<hbm>> -> memref<4x64xf32, #tpu.memory_space<hbm>>
      %dma_wait3A_54 = arith.constant 0 : i32
      %dma_wait3A_55 = arith.constant 0 : i32
      %dma_wait3A_56 = tpu.memref_slice %arg4[%arg0, %arg1, %scan3A_11, %dma_wait3A_54, %dma_wait3A_55] : memref<2x16x40x4x64xf32, #tpu.memory_space<hbm>> -> memref<1x1x1x4x64xf32, #tpu.memory_space<hbm>>
      %dma_wait3A_57 = tpu.memref_squeeze %dma_wait3A_56 : memref<1x1x1x4x64xf32, #tpu.memory_space<hbm>> -> memref<4x64xf32, #tpu.memory_space<hbm>>
      tpu.wait_dma2 semaphore(%arg17 : memref<!tpu.dma_semaphore, #tpu.memory_space<semaphore_mem>>) src(%dma_wait3A_57 : memref<4x64xf32, #tpu.memory_space<hbm>>) dst(%arg12 : memref<4x64xf32, #tpu.memory_space<vmem>>)
      %scan3A_58 = arith.constant 0 : i32
      %scan3A_59 = arith.constant 0 : i32
      %scan3A_60 = arith.constant 16 : i32
      %scan3A_61 = arith.addi %scan3A_59, %scan3A_60 : i32
      %scan3A_62 = arith.constant 1 : i32
      %scan3A_63 = scf.for %scan3A_319 = %scan3A_59 to %scan3A_61 step %scan3A_62 iter_args(%scan3A_320 = %scan3A_58) -> (i32)  : i32 {
        %jit3A = arith.constant 4 : i32
        %div3A = arith.divsi %scan3A_319, %jit3A : i32
        %sign3A = arith.constant 0 : i32
        %sign3A_321 = arith.cmpi sgt, %scan3A_319, %sign3A : i32
        %sign3A_322 = arith.extui %sign3A_321 : i1 to i32
        %sign3A_323 = arith.constant 0 : i32
        %sign3A_324 = arith.cmpi slt, %scan3A_319, %sign3A_323 : i32
        %sign3A_325 = arith.extui %sign3A_324 : i1 to i32
        %sign3A_326 = arith.subi %sign3A_322, %sign3A_325 : i32
        %sign3A_327 = arith.constant 0 : i32
        %sign3A_328 = arith.cmpi sgt, %jit3A, %sign3A_327 : i32
        %sign3A_329 = arith.extui %sign3A_328 : i1 to i32
        %sign3A_330 = arith.constant 0 : i32
        %sign3A_331 = arith.cmpi slt, %jit3A, %sign3A_330 : i32
        %sign3A_332 = arith.extui %sign3A_331 : i1 to i32
        %sign3A_333 = arith.subi %sign3A_329, %sign3A_332 : i32
        %ne3A = arith.cmpi ne, %sign3A_326, %sign3A_333 : i32
        %rem3A = arith.remsi %scan3A_319, %jit3A : i32
        %ne3A_334 = arith.constant 0 : i32
        %ne3A_335 = arith.cmpi ne, %rem3A, %ne3A_334 : i32
        %and3A = arith.andi %ne3A, %ne3A_335 : i1
        %sub3A = arith.constant 1 : i32
        %sub3A_336 = arith.subi %div3A, %sub3A : i32
        %select_n3A = arith.select %and3A, %sub3A_336, %div3A : i32
        %jit3A_337 = arith.constant 4 : i32
        %eq3A = arith.constant 0 : i32
        %eq3A_338 = arith.cmpi eq, %jit3A_337, %eq3A : i32
        %jit3A_339 = arith.constant 1 : i32
        %select_n3A_340 = arith.select %eq3A_338, %jit3A_339, %jit3A_337 : i32
        %rem3A_341 = arith.remsi %scan3A_319, %select_n3A_340 : i32
        %ne3A_342 = arith.constant 0 : i32
        %ne3A_343 = arith.cmpi ne, %rem3A_341, %ne3A_342 : i32
        %lt3A = arith.constant 0 : i32
        %lt3A_344 = arith.cmpi slt, %rem3A_341, %lt3A : i32
        %lt3A_345 = arith.constant 0 : i32
        %lt3A_346 = arith.cmpi slt, %select_n3A_340, %lt3A_345 : i32
        %ne3A_347 = arith.xori %lt3A_344, %lt3A_346 : i1
        %and3A_348 = arith.andi %ne3A_347, %ne3A_343 : i1
        %add3A_349 = arith.addi %rem3A_341, %select_n3A_340 : i32
        %select_n3A_350 = arith.select %and3A_348, %add3A_349, %rem3A_341 : i32
        %mul3A_351 = arith.constant 16 : i32
        %mul3A_352 = arith.muli %select_n3A_350, %mul3A_351 : i32
        %get3A = arith.index_cast %select_n3A : i32 to index
        %get3A_353 = arith.index_cast %mul3A_352 : i32 to index
        %get3A_354 = tpu.vector_load %arg10[%get3A, %get3A_353] {strides = array<i32>} : memref<4x64xi32, #tpu.memory_space<vmem>>, vector<1x16xi32>,
        %get3A_355 = vector.shape_cast %get3A_354 : vector<1x16xi32> to vector<16xi32>
        %get3A_356 = arith.index_cast %select_n3A : i32 to index
        %get3A_357 = arith.index_cast %mul3A_352 : i32 to index
        %get3A_358 = tpu.vector_load %arg11[%get3A_356, %get3A_357] {strides = array<i32>} : memref<4x64xi32, #tpu.memory_space<vmem>>, vector<1x16xi32>,
        %get3A_359 = vector.shape_cast %get3A_358 : vector<1x16xi32> to vector<16xi32>
        %mul3A_360 = arith.constant 10000 : i32
        %mul3A_361 = vector.broadcast %mul3A_360 : i32 to vector<16xi32>
        %mul3A_362 = arith.muli %get3A_355, %mul3A_361 : vector<16xi32>
        %add3A_363 = arith.addi %mul3A_362, %get3A_359 : vector<16xi32>
        %swap3A = arith.index_cast %select_n3A : i32 to index
        %swap3A_364 = arith.index_cast %mul3A_352 : i32 to index
        %swap3A_365 = tpu.vector_load %arg13[%swap3A, %swap3A_364] {strides = array<i32>} : memref<4x64xi32, #tpu.memory_space<vmem>>, vector<1x16xi32>,
        %swap3A_366 = vector.shape_cast %swap3A_365 : vector<1x16xi32> to vector<16xi32>
        %swap3A_367 = vector.shape_cast %add3A_363 : vector<16xi32> to vector<1x16xi32>
        tpu.vector_store %arg13[%swap3A, %swap3A_364], %swap3A_367 {strides = array<i32>} : memref<4x64xi32, #tpu.memory_space<vmem>>, vector<1x16xi32>,
        %scan3A_368 = arith.constant 0 : i32
        scf.yield %scan3A_368 : i32
      }
      %scan3A_64 = arith.constant 16 : i32
      %dma_start3A_65 = arith.constant 0 : i32
      %dma_start3A_66 = arith.constant 0 : i32
      %dma_start3A_67 = arith.constant 0 : i32
      %dma_start3A_68 = tpu.memref_slice %arg14[%dma_start3A_66, %dma_start3A_67] : memref<4x64xf32, #tpu.memory_space<vmem>> -> memref<1x64xf32, #tpu.memory_space<vmem>>
      %dma_start3A_69 = tpu.memref_squeeze %dma_start3A_68 : memref<1x64xf32, #tpu.memory_space<vmem>> -> memref<64xf32, #tpu.memory_space<vmem>>
      %dma_start3A_70 = arith.constant 0 : i32
      %dma_start3A_71 = tpu.memref_slice %arg13[%dma_start3A_65, %dma_start3A_70] : memref<4x64xi32, #tpu.memory_space<vmem>> -> memref<1x64xi32, #tpu.memory_space<vmem>>
      %dma_start3A_72 = tpu.memref_squeeze %dma_start3A_71 : memref<1x64xi32, #tpu.memory_space<vmem>> -> memref<64xi32, #tpu.memory_space<vmem>>
      %dma_start3A_73 = arith.constant 0 : i32
      %dma_start3A_74 = tpu.memref_slice %arg5[%dma_start3A_73] : memref<100000000xf32, #tpu.memory_space<hbm>> -> memref<100000000xf32, #tpu.memory_space<hbm>>
      tpu.enqueue_indirect_dma source(%dma_start3A_74 : memref<100000000xf32, #tpu.memory_space<hbm>>) target(%dma_start3A_69 : memref<64xf32, #tpu.memory_space<vmem>>) offsets(%dma_start3A_72 : memref<64xi32, #tpu.memory_space<vmem>>) semaphore(%arg17 : memref<!tpu.dma_semaphore, #tpu.memory_space<semaphore_mem>>)
      %dma_start3A_75 = arith.constant 1 : i32
      %dma_start3A_76 = arith.constant 1 : i32
      %dma_start3A_77 = arith.constant 0 : i32
      %dma_start3A_78 = tpu.memref_slice %arg14[%dma_start3A_76, %dma_start3A_77] : memref<4x64xf32, #tpu.memory_space<vmem>> -> memref<1x64xf32, #tpu.memory_space<vmem>>
      %dma_start3A_79 = tpu.memref_squeeze %dma_start3A_78 : memref<1x64xf32, #tpu.memory_space<vmem>> -> memref<64xf32, #tpu.memory_space<vmem>>
      %dma_start3A_80 = arith.constant 0 : i32
      %dma_start3A_81 = tpu.memref_slice %arg13[%dma_start3A_75, %dma_start3A_80] : memref<4x64xi32, #tpu.memory_space<vmem>> -> memref<1x64xi32, #tpu.memory_space<vmem>>
      %dma_start3A_82 = tpu.memref_squeeze %dma_start3A_81 : memref<1x64xi32, #tpu.memory_space<vmem>> -> memref<64xi32, #tpu.memory_space<vmem>>
      %dma_start3A_83 = arith.constant 0 : i32
      %dma_start3A_84 = tpu.memref_slice %arg5[%dma_start3A_83] : memref<100000000xf32, #tpu.memory_space<hbm>> -> memref<100000000xf32, #tpu.memory_space<hbm>>
      tpu.enqueue_indirect_dma source(%dma_start3A_84 : memref<100000000xf32, #tpu.memory_space<hbm>>) target(%dma_start3A_79 : memref<64xf32, #tpu.memory_space<vmem>>) offsets(%dma_start3A_82 : memref<64xi32, #tpu.memory_space<vmem>>) semaphore(%arg17 : memref<!tpu.dma_semaphore, #tpu.memory_space<semaphore_mem>>)
      %dma_start3A_85 = arith.constant 2 : i32
      %dma_start3A_86 = arith.constant 2 : i32
      %dma_start3A_87 = arith.constant 0 : i32
      %dma_start3A_88 = tpu.memref_slice %arg14[%dma_start3A_86, %dma_start3A_87] : memref<4x64xf32, #tpu.memory_space<vmem>> -> memref<1x64xf32, #tpu.memory_space<vmem>>
      %dma_start3A_89 = tpu.memref_squeeze %dma_start3A_88 : memref<1x64xf32, #tpu.memory_space<vmem>> -> memref<64xf32, #tpu.memory_space<vmem>>
      %dma_start3A_90 = arith.constant 0 : i32
      %dma_start3A_91 = tpu.memref_slice %arg13[%dma_start3A_85, %dma_start3A_90] : memref<4x64xi32, #tpu.memory_space<vmem>> -> memref<1x64xi32, #tpu.memory_space<vmem>>
      %dma_start3A_92 = tpu.memref_squeeze %dma_start3A_91 : memref<1x64xi32, #tpu.memory_space<vmem>> -> memref<64xi32, #tpu.memory_space<vmem>>
      %dma_start3A_93 = arith.constant 0 : i32
      %dma_start3A_94 = tpu.memref_slice %arg5[%dma_start3A_93] : memref<100000000xf32, #tpu.memory_space<hbm>> -> memref<100000000xf32, #tpu.memory_space<hbm>>
      tpu.enqueue_indirect_dma source(%dma_start3A_94 : memref<100000000xf32, #tpu.memory_space<hbm>>) target(%dma_start3A_89 : memref<64xf32, #tpu.memory_space<vmem>>) offsets(%dma_start3A_92 : memref<64xi32, #tpu.memory_space<vmem>>) semaphore(%arg17 : memref<!tpu.dma_semaphore, #tpu.memory_space<semaphore_mem>>)
      %dma_start3A_95 = arith.constant 3 : i32
      %dma_start3A_96 = arith.constant 3 : i32
      %dma_start3A_97 = arith.constant 0 : i32
      %dma_start3A_98 = tpu.memref_slice %arg14[%dma_start3A_96, %dma_start3A_97] : memref<4x64xf32, #tpu.memory_space<vmem>> -> memref<1x64xf32, #tpu.memory_space<vmem>>
      %dma_start3A_99 = tpu.memref_squeeze %dma_start3A_98 : memref<1x64xf32, #tpu.memory_space<vmem>> -> memref<64xf32, #tpu.memory_space<vmem>>
      %dma_start3A_100 = arith.constant 0 : i32
      %dma_start3A_101 = tpu.memref_slice %arg13[%dma_start3A_95, %dma_start3A_100] : memref<4x64xi32, #tpu.memory_space<vmem>> -> memref<1x64xi32, #tpu.memory_space<vmem>>
      %dma_start3A_102 = tpu.memref_squeeze %dma_start3A_101 : memref<1x64xi32, #tpu.memory_space<vmem>> -> memref<64xi32, #tpu.memory_space<vmem>>
      %dma_start3A_103 = arith.constant 0 : i32
      %dma_start3A_104 = tpu.memref_slice %arg5[%dma_start3A_103] : memref<100000000xf32, #tpu.memory_space<hbm>> -> memref<100000000xf32, #tpu.memory_space<hbm>>
      tpu.enqueue_indirect_dma source(%dma_start3A_104 : memref<100000000xf32, #tpu.memory_space<hbm>>) target(%dma_start3A_99 : memref<64xf32, #tpu.memory_space<vmem>>) offsets(%dma_start3A_102 : memref<64xi32, #tpu.memory_space<vmem>>) semaphore(%arg17 : memref<!tpu.dma_semaphore, #tpu.memory_space<semaphore_mem>>)
      %dma_start3A_105 = arith.constant 0 : i32
      %dma_start3A_106 = arith.constant 0 : i32
      %dma_start3A_107 = arith.constant 0 : i32
      %dma_start3A_108 = tpu.memref_slice %arg16[%dma_start3A_106, %dma_start3A_107] : memref<256x128xf32, #tpu.memory_space<vmem>> -> memref<64x128xf32, #tpu.memory_space<vmem>>
      %dma_start3A_109 = arith.constant 0 : i32
      %dma_start3A_110 = tpu.memref_slice %arg11[%dma_start3A_105, %dma_start3A_109] : memref<4x64xi32, #tpu.memory_space<vmem>> -> memref<1x64xi32, #tpu.memory_space<vmem>>
      %dma_start3A_111 = tpu.memref_squeeze %dma_start3A_110 : memref<1x64xi32, #tpu.memory_space<vmem>> -> memref<64xi32, #tpu.memory_space<vmem>>
      %dma_start3A_112 = arith.constant 0 : i32
      %dma_start3A_113 = arith.constant 0 : i32
      %dma_start3A_114 = tpu.memref_slice %arg6[%dma_start3A_112, %dma_start3A_113] : memref<10000x128xf32, #tpu.memory_space<hbm>> -> memref<10000x128xf32, #tpu.memory_space<hbm>>
      tpu.enqueue_indirect_dma source(%dma_start3A_114 : memref<10000x128xf32, #tpu.memory_space<hbm>>) target(%dma_start3A_108 : memref<64x128xf32, #tpu.memory_space<vmem>>) offsets(%dma_start3A_111 : memref<64xi32, #tpu.memory_space<vmem>>) semaphore(%arg17 : memref<!tpu.dma_semaphore, #tpu.memory_space<semaphore_mem>>)
      %dma_start3A_115 = arith.constant 1 : i32
      %dma_start3A_116 = arith.constant 64 : i32
      %dma_start3A_117 = arith.constant 0 : i32
      %dma_start3A_118 = tpu.memref_slice %arg16[%dma_start3A_116, %dma_start3A_117] : memref<256x128xf32, #tpu.memory_space<vmem>> -> memref<64x128xf32, #tpu.memory_space<vmem>>
      %dma_start3A_119 = arith.constant 0 : i32
      %dma_start3A_120 = tpu.memref_slice %arg11[%dma_start3A_115, %dma_start3A_119] : memref<4x64xi32, #tpu.memory_space<vmem>> -> memref<1x64xi32, #tpu.memory_space<vmem>>
      %dma_start3A_121 = tpu.memref_squeeze %dma_start3A_120 : memref<1x64xi32, #tpu.memory_space<vmem>> -> memref<64xi32, #tpu.memory_space<vmem>>
      %dma_start3A_122 = arith.constant 0 : i32
      %dma_start3A_123 = arith.constant 0 : i32
      %dma_start3A_124 = tpu.memref_slice %arg6[%dma_start3A_122, %dma_start3A_123] : memref<10000x128xf32, #tpu.memory_space<hbm>> -> memref<10000x128xf32, #tpu.memory_space<hbm>>
      tpu.enqueue_indirect_dma source(%dma_start3A_124 : memref<10000x128xf32, #tpu.memory_space<hbm>>) target(%dma_start3A_118 : memref<64x128xf32, #tpu.memory_space<vmem>>) offsets(%dma_start3A_121 : memref<64xi32, #tpu.memory_space<vmem>>) semaphore(%arg17 : memref<!tpu.dma_semaphore, #tpu.memory_space<semaphore_mem>>)
      %dma_start3A_125 = arith.constant 2 : i32
      %dma_start3A_126 = arith.constant 128 : i32
      %dma_start3A_127 = arith.constant 0 : i32
      %dma_start3A_128 = tpu.memref_slice %arg16[%dma_start3A_126, %dma_start3A_127] : memref<256x128xf32, #tpu.memory_space<vmem>> -> memref<64x128xf32, #tpu.memory_space<vmem>>
      %dma_start3A_129 = arith.constant 0 : i32
      %dma_start3A_130 = tpu.memref_slice %arg11[%dma_start3A_125, %dma_start3A_129] : memref<4x64xi32, #tpu.memory_space<vmem>> -> memref<1x64xi32, #tpu.memory_space<vmem>>
      %dma_start3A_131 = tpu.memref_squeeze %dma_start3A_130 : memref<1x64xi32, #tpu.memory_space<vmem>> -> memref<64xi32, #tpu.memory_space<vmem>>
      %dma_start3A_132 = arith.constant 0 : i32
      %dma_start3A_133 = arith.constant 0 : i32
      %dma_start3A_134 = tpu.memref_slice %arg6[%dma_start3A_132, %dma_start3A_133] : memref<10000x128xf32, #tpu.memory_space<hbm>> -> memref<10000x128xf32, #tpu.memory_space<hbm>>
      tpu.enqueue_indirect_dma source(%dma_start3A_134 : memref<10000x128xf32, #tpu.memory_space<hbm>>) target(%dma_start3A_128 : memref<64x128xf32, #tpu.memory_space<vmem>>) offsets(%dma_start3A_131 : memref<64xi32, #tpu.memory_space<vmem>>) semaphore(%arg17 : memref<!tpu.dma_semaphore, #tpu.memory_space<semaphore_mem>>)
      %dma_start3A_135 = arith.constant 3 : i32
      %dma_start3A_136 = arith.constant 192 : i32
      %dma_start3A_137 = arith.constant 0 : i32
      %dma_start3A_138 = tpu.memref_slice %arg16[%dma_start3A_136, %dma_start3A_137] : memref<256x128xf32, #tpu.memory_space<vmem>> -> memref<64x128xf32, #tpu.memory_space<vmem>>
      %dma_start3A_139 = arith.constant 0 : i32
      %dma_start3A_140 = tpu.memref_slice %arg11[%dma_start3A_135, %dma_start3A_139] : memref<4x64xi32, #tpu.memory_space<vmem>> -> memref<1x64xi32, #tpu.memory_space<vmem>>
      %dma_start3A_141 = tpu.memref_squeeze %dma_start3A_140 : memref<1x64xi32, #tpu.memory_space<vmem>> -> memref<64xi32, #tpu.memory_space<vmem>>
      %dma_start3A_142 = arith.constant 0 : i32
      %dma_start3A_143 = arith.constant 0 : i32
      %dma_start3A_144 = tpu.memref_slice %arg6[%dma_start3A_142, %dma_start3A_143] : memref<10000x128xf32, #tpu.memory_space<hbm>> -> memref<10000x128xf32, #tpu.memory_space<hbm>>
      tpu.enqueue_indirect_dma source(%dma_start3A_144 : memref<10000x128xf32, #tpu.memory_space<hbm>>) target(%dma_start3A_138 : memref<64x128xf32, #tpu.memory_space<vmem>>) offsets(%dma_start3A_141 : memref<64xi32, #tpu.memory_space<vmem>>) semaphore(%arg17 : memref<!tpu.dma_semaphore, #tpu.memory_space<semaphore_mem>>)
      %dma_wait3A_145 = arith.constant 0 : i32
      %dma_wait3A_146 = arith.constant 0 : i32
      %dma_wait3A_147 = arith.constant 0 : i32
      %dma_wait3A_148 = tpu.memref_slice %arg14[%dma_wait3A_146, %dma_wait3A_147] : memref<4x64xf32, #tpu.memory_space<vmem>> -> memref<1x64xf32, #tpu.memory_space<vmem>>
      %dma_wait3A_149 = tpu.memref_squeeze %dma_wait3A_148 : memref<1x64xf32, #tpu.memory_space<vmem>> -> memref<64xf32, #tpu.memory_space<vmem>>
      %dma_wait3A_150 = arith.constant 0 : i32
      %dma_wait3A_151 = tpu.memref_slice %arg13[%dma_wait3A_145, %dma_wait3A_150] : memref<4x64xi32, #tpu.memory_space<vmem>> -> memref<1x64xi32, #tpu.memory_space<vmem>>
      %dma_wait3A_152 = tpu.memref_squeeze %dma_wait3A_151 : memref<1x64xi32, #tpu.memory_space<vmem>> -> memref<64xi32, #tpu.memory_space<vmem>>
      %dma_wait3A_153 = arith.constant 0 : i32
      %dma_wait3A_154 = tpu.memref_slice %arg5[%dma_wait3A_153] : memref<100000000xf32, #tpu.memory_space<hbm>> -> memref<100000000xf32, #tpu.memory_space<hbm>>
      tpu.wait_indirect_dma semaphore(%arg17 : memref<!tpu.dma_semaphore, #tpu.memory_space<semaphore_mem>>) src(%dma_wait3A_154 : memref<100000000xf32, #tpu.memory_space<hbm>>) dst(%dma_wait3A_149 : memref<64xf32, #tpu.memory_space<vmem>>)
      %dma_wait3A_155 = arith.constant 1 : i32
      %dma_wait3A_156 = arith.constant 1 : i32
      %dma_wait3A_157 = arith.constant 0 : i32
      %dma_wait3A_158 = tpu.memref_slice %arg14[%dma_wait3A_156, %dma_wait3A_157] : memref<4x64xf32, #tpu.memory_space<vmem>> -> memref<1x64xf32, #tpu.memory_space<vmem>>
      %dma_wait3A_159 = tpu.memref_squeeze %dma_wait3A_158 : memref<1x64xf32, #tpu.memory_space<vmem>> -> memref<64xf32, #tpu.memory_space<vmem>>
      %dma_wait3A_160 = arith.constant 0 : i32
      %dma_wait3A_161 = tpu.memref_slice %arg13[%dma_wait3A_155, %dma_wait3A_160] : memref<4x64xi32, #tpu.memory_space<vmem>> -> memref<1x64xi32, #tpu.memory_space<vmem>>
      %dma_wait3A_162 = tpu.memref_squeeze %dma_wait3A_161 : memref<1x64xi32, #tpu.memory_space<vmem>> -> memref<64xi32, #tpu.memory_space<vmem>>
      %dma_wait3A_163 = arith.constant 0 : i32
      %dma_wait3A_164 = tpu.memref_slice %arg5[%dma_wait3A_163] : memref<100000000xf32, #tpu.memory_space<hbm>> -> memref<100000000xf32, #tpu.memory_space<hbm>>
      tpu.wait_indirect_dma semaphore(%arg17 : memref<!tpu.dma_semaphore, #tpu.memory_space<semaphore_mem>>) src(%dma_wait3A_164 : memref<100000000xf32, #tpu.memory_space<hbm>>) dst(%dma_wait3A_159 : memref<64xf32, #tpu.memory_space<vmem>>)
      %dma_wait3A_165 = arith.constant 2 : i32
      %dma_wait3A_166 = arith.constant 2 : i32
      %dma_wait3A_167 = arith.constant 0 : i32
      %dma_wait3A_168 = tpu.memref_slice %arg14[%dma_wait3A_166, %dma_wait3A_167] : memref<4x64xf32, #tpu.memory_space<vmem>> -> memref<1x64xf32, #tpu.memory_space<vmem>>
      %dma_wait3A_169 = tpu.memref_squeeze %dma_wait3A_168 : memref<1x64xf32, #tpu.memory_space<vmem>> -> memref<64xf32, #tpu.memory_space<vmem>>
      %dma_wait3A_170 = arith.constant 0 : i32
      %dma_wait3A_171 = tpu.memref_slice %arg13[%dma_wait3A_165, %dma_wait3A_170] : memref<4x64xi32, #tpu.memory_space<vmem>> -> memref<1x64xi32, #tpu.memory_space<vmem>>
      %dma_wait3A_172 = tpu.memref_squeeze %dma_wait3A_171 : memref<1x64xi32, #tpu.memory_space<vmem>> -> memref<64xi32, #tpu.memory_space<vmem>>
      %dma_wait3A_173 = arith.constant 0 : i32
      %dma_wait3A_174 = tpu.memref_slice %arg5[%dma_wait3A_173] : memref<100000000xf32, #tpu.memory_space<hbm>> -> memref<100000000xf32, #tpu.memory_space<hbm>>
      tpu.wait_indirect_dma semaphore(%arg17 : memref<!tpu.dma_semaphore, #tpu.memory_space<semaphore_mem>>) src(%dma_wait3A_174 : memref<100000000xf32, #tpu.memory_space<hbm>>) dst(%dma_wait3A_169 : memref<64xf32, #tpu.memory_space<vmem>>)
      %dma_wait3A_175 = arith.constant 3 : i32
      %dma_wait3A_176 = arith.constant 3 : i32
      %dma_wait3A_177 = arith.constant 0 : i32
      %dma_wait3A_178 = tpu.memref_slice %arg14[%dma_wait3A_176, %dma_wait3A_177] : memref<4x64xf32, #tpu.memory_space<vmem>> -> memref<1x64xf32, #tpu.memory_space<vmem>>
      %dma_wait3A_179 = tpu.memref_squeeze %dma_wait3A_178 : memref<1x64xf32, #tpu.memory_space<vmem>> -> memref<64xf32, #tpu.memory_space<vmem>>
      %dma_wait3A_180 = arith.constant 0 : i32
      %dma_wait3A_181 = tpu.memref_slice %arg13[%dma_wait3A_175, %dma_wait3A_180] : memref<4x64xi32, #tpu.memory_space<vmem>> -> memref<1x64xi32, #tpu.memory_space<vmem>>
      %dma_wait3A_182 = tpu.memref_squeeze %dma_wait3A_181 : memref<1x64xi32, #tpu.memory_space<vmem>> -> memref<64xi32, #tpu.memory_space<vmem>>
      %dma_wait3A_183 = arith.constant 0 : i32
      %dma_wait3A_184 = tpu.memref_slice %arg5[%dma_wait3A_183] : memref<100000000xf32, #tpu.memory_space<hbm>> -> memref<100000000xf32, #tpu.memory_space<hbm>>
      tpu.wait_indirect_dma semaphore(%arg17 : memref<!tpu.dma_semaphore, #tpu.memory_space<semaphore_mem>>) src(%dma_wait3A_184 : memref<100000000xf32, #tpu.memory_space<hbm>>) dst(%dma_wait3A_179 : memref<64xf32, #tpu.memory_space<vmem>>)
      %dma_wait3A_185 = arith.constant 0 : i32
      %dma_wait3A_186 = arith.constant 0 : i32
      %dma_wait3A_187 = arith.constant 0 : i32
      %dma_wait3A_188 = tpu.memref_slice %arg16[%dma_wait3A_186, %dma_wait3A_187] : memref<256x128xf32, #tpu.memory_space<vmem>> -> memref<64x128xf32, #tpu.memory_space<vmem>>
      %dma_wait3A_189 = arith.constant 0 : i32
      %dma_wait3A_190 = tpu.memref_slice %arg11[%dma_wait3A_185, %dma_wait3A_189] : memref<4x64xi32, #tpu.memory_space<vmem>> -> memref<1x64xi32, #tpu.memory_space<vmem>>
      %dma_wait3A_191 = tpu.memref_squeeze %dma_wait3A_190 : memref<1x64xi32, #tpu.memory_space<vmem>> -> memref<64xi32, #tpu.memory_space<vmem>>
      %dma_wait3A_192 = arith.constant 0 : i32
      %dma_wait3A_193 = arith.constant 0 : i32
      %dma_wait3A_194 = tpu.memref_slice %arg6[%dma_wait3A_192, %dma_wait3A_193] : memref<10000x128xf32, #tpu.memory_space<hbm>> -> memref<10000x128xf32, #tpu.memory_space<hbm>>
      tpu.wait_indirect_dma semaphore(%arg17 : memref<!tpu.dma_semaphore, #tpu.memory_space<semaphore_mem>>) src(%dma_wait3A_194 : memref<10000x128xf32, #tpu.memory_space<hbm>>) dst(%dma_wait3A_188 : memref<64x128xf32, #tpu.memory_space<vmem>>)
      %dma_wait3A_195 = arith.constant 1 : i32
      %dma_wait3A_196 = arith.constant 64 : i32
      %dma_wait3A_197 = arith.constant 0 : i32
      %dma_wait3A_198 = tpu.memref_slice %arg16[%dma_wait3A_196, %dma_wait3A_197] : memref<256x128xf32, #tpu.memory_space<vmem>> -> memref<64x128xf32, #tpu.memory_space<vmem>>
      %dma_wait3A_199 = arith.constant 0 : i32
      %dma_wait3A_200 = tpu.memref_slice %arg11[%dma_wait3A_195, %dma_wait3A_199] : memref<4x64xi32, #tpu.memory_space<vmem>> -> memref<1x64xi32, #tpu.memory_space<vmem>>
      %dma_wait3A_201 = tpu.memref_squeeze %dma_wait3A_200 : memref<1x64xi32, #tpu.memory_space<vmem>> -> memref<64xi32, #tpu.memory_space<vmem>>
      %dma_wait3A_202 = arith.constant 0 : i32
      %dma_wait3A_203 = arith.constant 0 : i32
      %dma_wait3A_204 = tpu.memref_slice %arg6[%dma_wait3A_202, %dma_wait3A_203] : memref<10000x128xf32, #tpu.memory_space<hbm>> -> memref<10000x128xf32, #tpu.memory_space<hbm>>
      tpu.wait_indirect_dma semaphore(%arg17 : memref<!tpu.dma_semaphore, #tpu.memory_space<semaphore_mem>>) src(%dma_wait3A_204 : memref<10000x128xf32, #tpu.memory_space<hbm>>) dst(%dma_wait3A_198 : memref<64x128xf32, #tpu.memory_space<vmem>>)
      %dma_wait3A_205 = arith.constant 2 : i32
      %dma_wait3A_206 = arith.constant 128 : i32
      %dma_wait3A_207 = arith.constant 0 : i32
      %dma_wait3A_208 = tpu.memref_slice %arg16[%dma_wait3A_206, %dma_wait3A_207] : memref<256x128xf32, #tpu.memory_space<vmem>> -> memref<64x128xf32, #tpu.memory_space<vmem>>
      %dma_wait3A_209 = arith.constant 0 : i32
      %dma_wait3A_210 = tpu.memref_slice %arg11[%dma_wait3A_205, %dma_wait3A_209] : memref<4x64xi32, #tpu.memory_space<vmem>> -> memref<1x64xi32, #tpu.memory_space<vmem>>
      %dma_wait3A_211 = tpu.memref_squeeze %dma_wait3A_210 : memref<1x64xi32, #tpu.memory_space<vmem>> -> memref<64xi32, #tpu.memory_space<vmem>>
      %dma_wait3A_212 = arith.constant 0 : i32
      %dma_wait3A_213 = arith.constant 0 : i32
      %dma_wait3A_214 = tpu.memref_slice %arg6[%dma_wait3A_212, %dma_wait3A_213] : memref<10000x128xf32, #tpu.memory_space<hbm>> -> memref<10000x128xf32, #tpu.memory_space<hbm>>
      tpu.wait_indirect_dma semaphore(%arg17 : memref<!tpu.dma_semaphore, #tpu.memory_space<semaphore_mem>>) src(%dma_wait3A_214 : memref<10000x128xf32, #tpu.memory_space<hbm>>) dst(%dma_wait3A_208 : memref<64x128xf32, #tpu.memory_space<vmem>>)
      %dma_wait3A_215 = arith.constant 3 : i32
      %dma_wait3A_216 = arith.constant 192 : i32
      %dma_wait3A_217 = arith.constant 0 : i32
      %dma_wait3A_218 = tpu.memref_slice %arg16[%dma_wait3A_216, %dma_wait3A_217] : memref<256x128xf32, #tpu.memory_space<vmem>> -> memref<64x128xf32, #tpu.memory_space<vmem>>
      %dma_wait3A_219 = arith.constant 0 : i32
      %dma_wait3A_220 = tpu.memref_slice %arg11[%dma_wait3A_215, %dma_wait3A_219] : memref<4x64xi32, #tpu.memory_space<vmem>> -> memref<1x64xi32, #tpu.memory_space<vmem>>
      %dma_wait3A_221 = tpu.memref_squeeze %dma_wait3A_220 : memref<1x64xi32, #tpu.memory_space<vmem>> -> memref<64xi32, #tpu.memory_space<vmem>>
      %dma_wait3A_222 = arith.constant 0 : i32
      %dma_wait3A_223 = arith.constant 0 : i32
      %dma_wait3A_224 = tpu.memref_slice %arg6[%dma_wait3A_222, %dma_wait3A_223] : memref<10000x128xf32, #tpu.memory_space<hbm>> -> memref<10000x128xf32, #tpu.memory_space<hbm>>
      tpu.wait_indirect_dma semaphore(%arg17 : memref<!tpu.dma_semaphore, #tpu.memory_space<semaphore_mem>>) src(%dma_wait3A_224 : memref<10000x128xf32, #tpu.memory_space<hbm>>) dst(%dma_wait3A_218 : memref<64x128xf32, #tpu.memory_space<vmem>>)
      %scan3A_225 = arith.constant 0 : i32
      %scan3A_226 = arith.constant 0 : i32
      %scan3A_227 = arith.constant 16 : i32
      %scan3A_228 = arith.addi %scan3A_226, %scan3A_227 : i32
      %scan3A_229 = arith.constant 1 : i32
      %scan3A_230 = scf.for %scan3A_319 = %scan3A_226 to %scan3A_228 step %scan3A_229 iter_args(%scan3A_320 = %scan3A_225) -> (i32)  : i32 {
        %jit3A = arith.constant 4 : i32
        %div3A = arith.divsi %scan3A_319, %jit3A : i32
        %sign3A = arith.constant 0 : i32
        %sign3A_321 = arith.cmpi sgt, %scan3A_319, %sign3A : i32
        %sign3A_322 = arith.extui %sign3A_321 : i1 to i32
        %sign3A_323 = arith.constant 0 : i32
        %sign3A_324 = arith.cmpi slt, %scan3A_319, %sign3A_323 : i32
        %sign3A_325 = arith.extui %sign3A_324 : i1 to i32
        %sign3A_326 = arith.subi %sign3A_322, %sign3A_325 : i32
        %sign3A_327 = arith.constant 0 : i32
        %sign3A_328 = arith.cmpi sgt, %jit3A, %sign3A_327 : i32
        %sign3A_329 = arith.extui %sign3A_328 : i1 to i32
        %sign3A_330 = arith.constant 0 : i32
        %sign3A_331 = arith.cmpi slt, %jit3A, %sign3A_330 : i32
        %sign3A_332 = arith.extui %sign3A_331 : i1 to i32
        %sign3A_333 = arith.subi %sign3A_329, %sign3A_332 : i32
        %ne3A = arith.cmpi ne, %sign3A_326, %sign3A_333 : i32
        %rem3A = arith.remsi %scan3A_319, %jit3A : i32
        %ne3A_334 = arith.constant 0 : i32
        %ne3A_335 = arith.cmpi ne, %rem3A, %ne3A_334 : i32
        %and3A = arith.andi %ne3A, %ne3A_335 : i1
        %sub3A = arith.constant 1 : i32
        %sub3A_336 = arith.subi %div3A, %sub3A : i32
        %select_n3A = arith.select %and3A, %sub3A_336, %div3A : i32
        %jit3A_337 = arith.constant 4 : i32
        %eq3A = arith.constant 0 : i32
        %eq3A_338 = arith.cmpi eq, %jit3A_337, %eq3A : i32
        %jit3A_339 = arith.constant 1 : i32
        %select_n3A_340 = arith.select %eq3A_338, %jit3A_339, %jit3A_337 : i32
        %rem3A_341 = arith.remsi %scan3A_319, %select_n3A_340 : i32
        %ne3A_342 = arith.constant 0 : i32
        %ne3A_343 = arith.cmpi ne, %rem3A_341, %ne3A_342 : i32
        %lt3A = arith.constant 0 : i32
        %lt3A_344 = arith.cmpi slt, %rem3A_341, %lt3A : i32
        %lt3A_345 = arith.constant 0 : i32
        %lt3A_346 = arith.cmpi slt, %select_n3A_340, %lt3A_345 : i32
        %ne3A_347 = arith.xori %lt3A_344, %lt3A_346 : i1
        %and3A_348 = arith.andi %ne3A_347, %ne3A_343 : i1
        %add3A_349 = arith.addi %rem3A_341, %select_n3A_340 : i32
        %select_n3A_350 = arith.select %and3A_348, %add3A_349, %rem3A_341 : i32
        %mul3A_351 = arith.constant 16 : i32
        %mul3A_352 = arith.muli %select_n3A_350, %mul3A_351 : i32
        %get3A = arith.index_cast %select_n3A : i32 to index
        %get3A_353 = arith.index_cast %mul3A_352 : i32 to index
        %get3A_354 = tpu.vector_load %arg12[%get3A, %get3A_353] {strides = array<i32>} : memref<4x64xf32, #tpu.memory_space<vmem>>, vector<1x16xf32>,
        %get3A_355 = vector.shape_cast %get3A_354 : vector<1x16xf32> to vector<16xf32>
        %get3A_356 = arith.index_cast %select_n3A : i32 to index
        %get3A_357 = arith.index_cast %mul3A_352 : i32 to index
        %get3A_358 = tpu.vector_load %arg14[%get3A_356, %get3A_357] {strides = array<i32>} : memref<4x64xf32, #tpu.memory_space<vmem>>, vector<1x16xf32>,
        %get3A_359 = vector.shape_cast %get3A_358 : vector<1x16xf32> to vector<16xf32>
        %mul3A_360 = arith.mulf %get3A_355, %get3A_359 : vector<16xf32>
        %mul3A_361 = arith.constant 16 : i32
        %mul3A_362 = arith.muli %scan3A_319, %mul3A_361 : i32
        %swap3A = arith.index_cast %mul3A_362 : i32 to index
        %swap3A_363 = tpu.vector_load %arg15[%swap3A] {strides = array<i32>} : memref<256xf32, #tpu.memory_space<vmem>>, vector<16xf32>,
        %swap3A_364 = vector.shape_cast %swap3A_363 : vector<16xf32> to vector<16xf32>
        %swap3A_365 = vector.shape_cast %mul3A_360 : vector<16xf32> to vector<16xf32>
        tpu.vector_store %arg15[%swap3A], %swap3A_365 {strides = array<i32>} : memref<256xf32, #tpu.memory_space<vmem>>, vector<16xf32>,
        %scan3A_366 = arith.constant 0 : i32
        scf.yield %scan3A_366 : i32
      }
      %scan3A_231 = arith.constant 16 : i32
      %scan3A_232 = arith.constant 0 : i32
      %scan3A_233 = arith.constant 0 : i32
      %scan3A_234 = arith.constant 16 : i32
      %scan3A_235 = arith.addi %scan3A_233, %scan3A_234 : i32
      %scan3A_236 = arith.constant 1 : i32
      %scan3A_237 = scf.for %scan3A_319 = %scan3A_233 to %scan3A_235 step %scan3A_236 iter_args(%scan3A_320 = %scan3A_232) -> (i32)  : i32 {
        %mul3A_321 = arith.constant 16 : i32
        %mul3A_322 = arith.muli %scan3A_319, %mul3A_321 : i32
        %get3A = arith.index_cast %mul3A_322 : i32 to index
        %get3A_323 = tpu.vector_load %arg15[%get3A] {strides = array<i32>} : memref<256xf32, #tpu.memory_space<vmem>>, vector<16xf32>,
        %get3A_324 = vector.shape_cast %get3A_323 : vector<16xf32> to vector<16xf32>
        %mul3A_325 = arith.constant 16 : i32
        %mul3A_326 = arith.muli %scan3A_319, %mul3A_325 : i32
        %slice3A = vector.extract_strided_slice %get3A_324 {offsets = [0], sizes = [1], strides = [1]} : vector<16xf32> to vector<1xf32>
        %squeeze3A = vector.extract %slice3A[0] : f32 from vector<1xf32>
        %broadcast_in_dim3A = vector.broadcast %squeeze3A : f32 to vector<16xf32>
        %add3A_327 = arith.constant 0 : i32
        %add3A_328 = arith.addi %mul3A_326, %add3A_327 : i32
        %get3A_329 = arith.index_cast %add3A_328 : i32 to index
        %get3A_330 = arith.constant 0 : index
        %get3A_331 = tpu.vector_load %arg16[%get3A_329, %get3A_330] {strides = array<i32>} : memref<256x128xf32, #tpu.memory_space<vmem>>, vector<1x16xf32>,
        %get3A_332 = vector.shape_cast %get3A_331 : vector<1x16xf32> to vector<16xf32>
        %mul3A_333 = arith.mulf %get3A_332, %broadcast_in_dim3A : vector<16xf32>
        %add3A_334 = arith.constant 0 : i32
        %add3A_335 = arith.addi %mul3A_326, %add3A_334 : i32
        %swap3A = arith.index_cast %add3A_335 : i32 to index
        %swap3A_336 = arith.constant 0 : index
        %swap3A_337 = tpu.vector_load %arg16[%swap3A, %swap3A_336] {strides = array<i32>} : memref<256x128xf32, #tpu.memory_space<vmem>>, vector<1x16xf32>,
        %swap3A_338 = vector.shape_cast %swap3A_337 : vector<1x16xf32> to vector<16xf32>
        %swap3A_339 = vector.shape_cast %mul3A_333 : vector<16xf32> to vector<1x16xf32>
        tpu.vector_store %arg16[%swap3A, %swap3A_336], %swap3A_339 {strides = array<i32>} : memref<256x128xf32, #tpu.memory_space<vmem>>, vector<1x16xf32>,
        %add3A_340 = arith.constant 0 : i32
        %add3A_341 = arith.addi %mul3A_326, %add3A_340 : i32
        %get3A_342 = arith.index_cast %add3A_341 : i32 to index
        %get3A_343 = arith.constant 16 : index
        %get3A_344 = tpu.vector_load %arg16[%get3A_342, %get3A_343] {strides = array<i32>} : memref<256x128xf32, #tpu.memory_space<vmem>>, vector<1x16xf32>,
        %get3A_345 = vector.shape_cast %get3A_344 : vector<1x16xf32> to vector<16xf32>
        %mul3A_346 = arith.mulf %get3A_345, %broadcast_in_dim3A : vector<16xf32>
        %add3A_347 = arith.constant 0 : i32
        %add3A_348 = arith.addi %mul3A_326, %add3A_347 : i32
        %swap3A_349 = arith.index_cast %add3A_348 : i32 to index
        %swap3A_350 = arith.constant 16 : index
        %swap3A_351 = tpu.vector_load %arg16[%swap3A_349, %swap3A_350] {strides = array<i32>} : memref<256x128xf32, #tpu.memory_space<vmem>>, vector<1x16xf32>,
        %swap3A_352 = vector.shape_cast %swap3A_351 : vector<1x16xf32> to vector<16xf32>
        %swap3A_353 = vector.shape_cast %mul3A_346 : vector<16xf32> to vector<1x16xf32>
        tpu.vector_store %arg16[%swap3A_349, %swap3A_350], %swap3A_353 {strides = array<i32>} : memref<256x128xf32, #tpu.memory_space<vmem>>, vector<1x16xf32>,
        %add3A_354 = arith.constant 0 : i32
        %add3A_355 = arith.addi %mul3A_326, %add3A_354 : i32
        %get3A_356 = arith.index_cast %add3A_355 : i32 to index
        %get3A_357 = arith.constant 32 : index
        %get3A_358 = tpu.vector_load %arg16[%get3A_356, %get3A_357] {strides = array<i32>} : memref<256x128xf32, #tpu.memory_space<vmem>>, vector<1x16xf32>,
        %get3A_359 = vector.shape_cast %get3A_358 : vector<1x16xf32> to vector<16xf32>
        %mul3A_360 = arith.mulf %get3A_359, %broadcast_in_dim3A : vector<16xf32>
        %add3A_361 = arith.constant 0 : i32
        %add3A_362 = arith.addi %mul3A_326, %add3A_361 : i32
        %swap3A_363 = arith.index_cast %add3A_362 : i32 to index
        %swap3A_364 = arith.constant 32 : index
        %swap3A_365 = tpu.vector_load %arg16[%swap3A_363, %swap3A_364] {strides = array<i32>} : memref<256x128xf32, #tpu.memory_space<vmem>>, vector<1x16xf32>,
        %swap3A_366 = vector.shape_cast %swap3A_365 : vector<1x16xf32> to vector<16xf32>
        %swap3A_367 = vector.shape_cast %mul3A_360 : vector<16xf32> to vector<1x16xf32>
        tpu.vector_store %arg16[%swap3A_363, %swap3A_364], %swap3A_367 {strides = array<i32>} : memref<256x128xf32, #tpu.memory_space<vmem>>, vector<1x16xf32>,
        %add3A_368 = arith.constant 0 : i32
        %add3A_369 = arith.addi %mul3A_326, %add3A_368 : i32
        %get3A_370 = arith.index_cast %add3A_369 : i32 to index
        %get3A_371 = arith.constant 48 : index
        %get3A_372 = tpu.vector_load %arg16[%get3A_370, %get3A_371] {strides = array<i32>} : memref<256x128xf32, #tpu.memory_space<vmem>>, vector<1x16xf32>,
        %get3A_373 = vector.shape_cast %get3A_372 : vector<1x16xf32> to vector<16xf32>
        %mul3A_374 = arith.mulf %get3A_373, %broadcast_in_dim3A : vector<16xf32>
        %add3A_375 = arith.constant 0 : i32
        %add3A_376 = arith.addi %mul3A_326, %add3A_375 : i32
        %swap3A_377 = arith.index_cast %add3A_376 : i32 to index
        %swap3A_378 = arith.constant 48 : index
        %swap3A_379 = tpu.vector_load %arg16[%swap3A_377, %swap3A_378] {strides = array<i32>} : memref<256x128xf32, #tpu.memory_space<vmem>>, vector<1x16xf32>,
        %swap3A_380 = vector.shape_cast %swap3A_379 : vector<1x16xf32> to vector<16xf32>
        %swap3A_381 = vector.shape_cast %mul3A_374 : vector<16xf32> to vector<1x16xf32>
        tpu.vector_store %arg16[%swap3A_377, %swap3A_378], %swap3A_381 {strides = array<i32>} : memref<256x128xf32, #tpu.memory_space<vmem>>, vector<1x16xf32>,
        %add3A_382 = arith.constant 0 : i32
        %add3A_383 = arith.addi %mul3A_326, %add3A_382 : i32
        %get3A_384 = arith.index_cast %add3A_383 : i32 to index
        %get3A_385 = arith.constant 64 : index
        %get3A_386 = tpu.vector_load %arg16[%get3A_384, %get3A_385] {strides = array<i32>} : memref<256x128xf32, #tpu.memory_space<vmem>>, vector<1x16xf32>,
        %get3A_387 = vector.shape_cast %get3A_386 : vector<1x16xf32> to vector<16xf32>
        %mul3A_388 = arith.mulf %get3A_387, %broadcast_in_dim3A : vector<16xf32>
        %add3A_389 = arith.constant 0 : i32
        %add3A_390 = arith.addi %mul3A_326, %add3A_389 : i32
        %swap3A_391 = arith.index_cast %add3A_390 : i32 to index
        %swap3A_392 = arith.constant 64 : index
        %swap3A_393 = tpu.vector_load %arg16[%swap3A_391, %swap3A_392] {strides = array<i32>} : memref<256x128xf32, #tpu.memory_space<vmem>>, vector<1x16xf32>,
        %swap3A_394 = vector.shape_cast %swap3A_393 : vector<1x16xf32> to vector<16xf32>
        %swap3A_395 = vector.shape_cast %mul3A_388 : vector<16xf32> to vector<1x16xf32>
        tpu.vector_store %arg16[%swap3A_391, %swap3A_392], %swap3A_395 {strides = array<i32>} : memref<256x128xf32, #tpu.memory_space<vmem>>, vector<1x16xf32>,
        %add3A_396 = arith.constant 0 : i32
        %add3A_397 = arith.addi %mul3A_326, %add3A_396 : i32
        %get3A_398 = arith.index_cast %add3A_397 : i32 to index
        %get3A_399 = arith.constant 80 : index
        %get3A_400 = tpu.vector_load %arg16[%get3A_398, %get3A_399] {strides = array<i32>} : memref<256x128xf32, #tpu.memory_space<vmem>>, vector<1x16xf32>,
        %get3A_401 = vector.shape_cast %get3A_400 : vector<1x16xf32> to vector<16xf32>
        %mul3A_402 = arith.mulf %get3A_401, %broadcast_in_dim3A : vector<16xf32>
        %add3A_403 = arith.constant 0 : i32
        %add3A_404 = arith.addi %mul3A_326, %add3A_403 : i32
        %swap3A_405 = arith.index_cast %add3A_404 : i32 to index
        %swap3A_406 = arith.constant 80 : index
        %swap3A_407 = tpu.vector_load %arg16[%swap3A_405, %swap3A_406] {strides = array<i32>} : memref<256x128xf32, #tpu.memory_space<vmem>>, vector<1x16xf32>,
        %swap3A_408 = vector.shape_cast %swap3A_407 : vector<1x16xf32> to vector<16xf32>
        %swap3A_409 = vector.shape_cast %mul3A_402 : vector<16xf32> to vector<1x16xf32>
        tpu.vector_store %arg16[%swap3A_405, %swap3A_406], %swap3A_409 {strides = array<i32>} : memref<256x128xf32, #tpu.memory_space<vmem>>, vector<1x16xf32>,
        %add3A_410 = arith.constant 0 : i32
        %add3A_411 = arith.addi %mul3A_326, %add3A_410 : i32
        %get3A_412 = arith.index_cast %add3A_411 : i32 to index
        %get3A_413 = arith.constant 96 : index
        %get3A_414 = tpu.vector_load %arg16[%get3A_412, %get3A_413] {strides = array<i32>} : memref<256x128xf32, #tpu.memory_space<vmem>>, vector<1x16xf32>,
        %get3A_415 = vector.shape_cast %get3A_414 : vector<1x16xf32> to vector<16xf32>
        %mul3A_416 = arith.mulf %get3A_415, %broadcast_in_dim3A : vector<16xf32>
        %add3A_417 = arith.constant 0 : i32
        %add3A_418 = arith.addi %mul3A_326, %add3A_417 : i32
        %swap3A_419 = arith.index_cast %add3A_418 : i32 to index
        %swap3A_420 = arith.constant 96 : index
        %swap3A_421 = tpu.vector_load %arg16[%swap3A_419, %swap3A_420] {strides = array<i32>} : memref<256x128xf32, #tpu.memory_space<vmem>>, vector<1x16xf32>,
        %swap3A_422 = vector.shape_cast %swap3A_421 : vector<1x16xf32> to vector<16xf32>
        %swap3A_423 = vector.shape_cast %mul3A_416 : vector<16xf32> to vector<1x16xf32>
        tpu.vector_store %arg16[%swap3A_419, %swap3A_420], %swap3A_423 {strides = array<i32>} : memref<256x128xf32, #tpu.memory_space<vmem>>, vector<1x16xf32>,
        %add3A_424 = arith.constant 0 : i32
        %add3A_425 = arith.addi %mul3A_326, %add3A_424 : i32
        %get3A_426 = arith.index_cast %add3A_425 : i32 to index
        %get3A_427 = arith.constant 112 : index
        %get3A_428 = tpu.vector_load %arg16[%get3A_426, %get3A_427] {strides = array<i32>} : memref<256x128xf32, #tpu.memory_space<vmem>>, vector<1x16xf32>,
        %get3A_429 = vector.shape_cast %get3A_428 : vector<1x16xf32> to vector<16xf32>
        %mul3A_430 = arith.mulf %get3A_429, %broadcast_in_dim3A : vector<16xf32>
        %add3A_431 = arith.constant 0 : i32
        %add3A_432 = arith.addi %mul3A_326, %add3A_431 : i32
        %swap3A_433 = arith.index_cast %add3A_432 : i32 to index
        %swap3A_434 = arith.constant 112 : index
        %swap3A_435 = tpu.vector_load %arg16[%swap3A_433, %swap3A_434] {strides = array<i32>} : memref<256x128xf32, #tpu.memory_space<vmem>>, vector<1x16xf32>,
        %swap3A_436 = vector.shape_cast %swap3A_435 : vector<1x16xf32> to vector<16xf32>
        %swap3A_437 = vector.shape_cast %mul3A_430 : vector<16xf32> to vector<1x16xf32>
        tpu.vector_store %arg16[%swap3A_433, %swap3A_434], %swap3A_437 {strides = array<i32>} : memref<256x128xf32, #tpu.memory_space<vmem>>, vector<1x16xf32>,
        %slice3A_438 = vector.extract_strided_slice %get3A_324 {offsets = [1], sizes = [1], strides = [1]} : vector<16xf32> to vector<1xf32>
        %squeeze3A_439 = vector.extract %slice3A_438[0] : f32 from vector<1xf32>
        %broadcast_in_dim3A_440 = vector.broadcast %squeeze3A_439 : f32 to vector<16xf32>
        %add3A_441 = arith.constant 1 : i32
        %add3A_442 = arith.addi %mul3A_326, %add3A_441 : i32
        %get3A_443 = arith.index_cast %add3A_442 : i32 to index
        %get3A_444 = arith.constant 0 : index
        %get3A_445 = tpu.vector_load %arg16[%get3A_443, %get3A_444] {strides = array<i32>} : memref<256x128xf32, #tpu.memory_space<vmem>>, vector<1x16xf32>,
        %get3A_446 = vector.shape_cast %get3A_445 : vector<1x16xf32> to vector<16xf32>
        %mul3A_447 = arith.mulf %get3A_446, %broadcast_in_dim3A_440 : vector<16xf32>
        %add3A_448 = arith.constant 1 : i32
        %add3A_449 = arith.addi %mul3A_326, %add3A_448 : i32
        %swap3A_450 = arith.index_cast %add3A_449 : i32 to index
        %swap3A_451 = arith.constant 0 : index
        %swap3A_452 = tpu.vector_load %arg16[%swap3A_450, %swap3A_451] {strides = array<i32>} : memref<256x128xf32, #tpu.memory_space<vmem>>, vector<1x16xf32>,
        %swap3A_453 = vector.shape_cast %swap3A_452 : vector<1x16xf32> to vector<16xf32>
        %swap3A_454 = vector.shape_cast %mul3A_447 : vector<16xf32> to vector<1x16xf32>
        tpu.vector_store %arg16[%swap3A_450, %swap3A_451], %swap3A_454 {strides = array<i32>} : memref<256x128xf32, #tpu.memory_space<vmem>>, vector<1x16xf32>,
        %add3A_455 = arith.constant 1 : i32
        %add3A_456 = arith.addi %mul3A_326, %add3A_455 : i32
        %get3A_457 = arith.index_cast %add3A_456 : i32 to index
        %get3A_458 = arith.constant 16 : index
        %get3A_459 = tpu.vector_load %arg16[%get3A_457, %get3A_458] {strides = array<i32>} : memref<256x128xf32, #tpu.memory_space<vmem>>, vector<1x16xf32>,
        %get3A_460 = vector.shape_cast %get3A_459 : vector<1x16xf32> to vector<16xf32>
        %mul3A_461 = arith.mulf %get3A_460, %broadcast_in_dim3A_440 : vector<16xf32>
        %add3A_462 = arith.constant 1 : i32
        %add3A_463 = arith.addi %mul3A_326, %add3A_462 : i32
        %swap3A_464 = arith.index_cast %add3A_463 : i32 to index
        %swap3A_465 = arith.constant 16 : index
        %swap3A_466 = tpu.vector_load %arg16[%swap3A_464, %swap3A_465] {strides = array<i32>} : memref<256x128xf32, #tpu.memory_space<vmem>>, vector<1x16xf32>,
        %swap3A_467 = vector.shape_cast %swap3A_466 : vector<1x16xf32> to vector<16xf32>
        %swap3A_468 = vector.shape_cast %mul3A_461 : vector<16xf32> to vector<1x16xf32>
        tpu.vector_store %arg16[%swap3A_464, %swap3A_465], %swap3A_468 {strides = array<i32>} : memref<256x128xf32, #tpu.memory_space<vmem>>, vector<1x16xf32>,
        %add3A_469 = arith.constant 1 : i32
        %add3A_470 = arith.addi %mul3A_326, %add3A_469 : i32
        %get3A_471 = arith.index_cast %add3A_470 : i32 to index
        %get3A_472 = arith.constant 32 : index
        %get3A_473 = tpu.vector_load %arg16[%get3A_471, %get3A_472] {strides = array<i32>} : memref<256x128xf32, #tpu.memory_space<vmem>>, vector<1x16xf32>,
        %get3A_474 = vector.shape_cast %get3A_473 : vector<1x16xf32> to vector<16xf32>
        %mul3A_475 = arith.mulf %get3A_474, %broadcast_in_dim3A_440 : vector<16xf32>
        %add3A_476 = arith.constant 1 : i32
        %add3A_477 = arith.addi %mul3A_326, %add3A_476 : i32
        %swap3A_478 = arith.index_cast %add3A_477 : i32 to index
        %swap3A_479 = arith.constant 32 : index
        %swap3A_480 = tpu.vector_load %arg16[%swap3A_478, %swap3A_479] {strides = array<i32>} : memref<256x128xf32, #tpu.memory_space<vmem>>, vector<1x16xf32>,
        %swap3A_481 = vector.shape_cast %swap3A_480 : vector<1x16xf32> to vector<16xf32>
        %swap3A_482 = vector.shape_cast %mul3A_475 : vector<16xf32> to vector<1x16xf32>
        tpu.vector_store %arg16[%swap3A_478, %swap3A_479], %swap3A_482 {strides = array<i32>} : memref<256x128xf32, #tpu.memory_space<vmem>>, vector<1x16xf32>,
        %add3A_483 = arith.constant 1 : i32
        %add3A_484 = arith.addi %mul3A_326, %add3A_483 : i32
        %get3A_485 = arith.index_cast %add3A_484 : i32 to index
        %get3A_486 = arith.constant 48 : index
        %get3A_487 = tpu.vector_load %arg16[%get3A_485, %get3A_486] {strides = array<i32>} : memref<256x128xf32, #tpu.memory_space<vmem>>, vector<1x16xf32>,
        %get3A_488 = vector.shape_cast %get3A_487 : vector<1x16xf32> to vector<16xf32>
        %mul3A_489 = arith.mulf %get3A_488, %broadcast_in_dim3A_440 : vector<16xf32>
        %add3A_490 = arith.constant 1 : i32
        %add3A_491 = arith.addi %mul3A_326, %add3A_490 : i32
        %swap3A_492 = arith.index_cast %add3A_491 : i32 to index
        %swap3A_493 = arith.constant 48 : index
        %swap3A_494 = tpu.vector_load %arg16[%swap3A_492, %swap3A_493] {strides = array<i32>} : memref<256x128xf32, #tpu.memory_space<vmem>>, vector<1x16xf32>,
        %swap3A_495 = vector.shape_cast %swap3A_494 : vector<1x16xf32> to vector<16xf32>
        %swap3A_496 = vector.shape_cast %mul3A_489 : vector<16xf32> to vector<1x16xf32>
        tpu.vector_store %arg16[%swap3A_492, %swap3A_493], %swap3A_496 {strides = array<i32>} : memref<256x128xf32, #tpu.memory_space<vmem>>, vector<1x16xf32>,
        %add3A_497 = arith.constant 1 : i32
        %add3A_498 = arith.addi %mul3A_326, %add3A_497 : i32
        %get3A_499 = arith.index_cast %add3A_498 : i32 to index
        %get3A_500 = arith.constant 64 : index
        %get3A_501 = tpu.vector_load %arg16[%get3A_499, %get3A_500] {strides = array<i32>} : memref<256x128xf32, #tpu.memory_space<vmem>>, vector<1x16xf32>,
        %get3A_502 = vector.shape_cast %get3A_501 : vector<1x16xf32> to vector<16xf32>
        %mul3A_503 = arith.mulf %get3A_502, %broadcast_in_dim3A_440 : vector<16xf32>
        %add3A_504 = arith.constant 1 : i32
        %add3A_505 = arith.addi %mul3A_326, %add3A_504 : i32
        %swap3A_506 = arith.index_cast %add3A_505 : i32 to index
        %swap3A_507 = arith.constant 64 : index
        %swap3A_508 = tpu.vector_load %arg16[%swap3A_506, %swap3A_507] {strides = array<i32>} : memref<256x128xf32, #tpu.memory_space<vmem>>, vector<1x16xf32>,
        %swap3A_509 = vector.shape_cast %swap3A_508 : vector<1x16xf32> to vector<16xf32>
        %swap3A_510 = vector.shape_cast %mul3A_503 : vector<16xf32> to vector<1x16xf32>
        tpu.vector_store %arg16[%swap3A_506, %swap3A_507], %swap3A_510 {strides = array<i32>} : memref<256x128xf32, #tpu.memory_space<vmem>>, vector<1x16xf32>,
        %add3A_511 = arith.constant 1 : i32
        %add3A_512 = arith.addi %mul3A_326, %add3A_511 : i32
        %get3A_513 = arith.index_cast %add3A_512 : i32 to index
        %get3A_514 = arith.constant 80 : index
        %get3A_515 = tpu.vector_load %arg16[%get3A_513, %get3A_514] {strides = array<i32>} : memref<256x128xf32, #tpu.memory_space<vmem>>, vector<1x16xf32>,
        %get3A_516 = vector.shape_cast %get3A_515 : vector<1x16xf32> to vector<16xf32>
        %mul3A_517 = arith.mulf %get3A_516, %broadcast_in_dim3A_440 : vector<16xf32>
        %add3A_518 = arith.constant 1 : i32
        %add3A_519 = arith.addi %mul3A_326, %add3A_518 : i32
        %swap3A_520 = arith.index_cast %add3A_519 : i32 to index
        %swap3A_521 = arith.constant 80 : index
        %swap3A_522 = tpu.vector_load %arg16[%swap3A_520, %swap3A_521] {strides = array<i32>} : memref<256x128xf32, #tpu.memory_space<vmem>>, vector<1x16xf32>,
        %swap3A_523 = vector.shape_cast %swap3A_522 : vector<1x16xf32> to vector<16xf32>
        %swap3A_524 = vector.shape_cast %mul3A_517 : vector<16xf32> to vector<1x16xf32>
        tpu.vector_store %arg16[%swap3A_520, %swap3A_521], %swap3A_524 {strides = array<i32>} : memref<256x128xf32, #tpu.memory_space<vmem>>, vector<1x16xf32>,
        %add3A_525 = arith.constant 1 : i32
        %add3A_526 = arith.addi %mul3A_326, %add3A_525 : i32
        %get3A_527 = arith.index_cast %add3A_526 : i32 to index
        %get3A_528 = arith.constant 96 : index
        %get3A_529 = tpu.vector_load %arg16[%get3A_527, %get3A_528] {strides = array<i32>} : memref<256x128xf32, #tpu.memory_space<vmem>>, vector<1x16xf32>,
        %get3A_530 = vector.shape_cast %get3A_529 : vector<1x16xf32> to vector<16xf32>
        %mul3A_531 = arith.mulf %get3A_530, %broadcast_in_dim3A_440 : vector<16xf32>
        %add3A_532 = arith.constant 1 : i32
        %add3A_533 = arith.addi %mul3A_326, %add3A_532 : i32
        %swap3A_534 = arith.index_cast %add3A_533 : i32 to index
        %swap3A_535 = arith.constant 96 : index
        %swap3A_536 = tpu.vector_load %arg16[%swap3A_534, %swap3A_535] {strides = array<i32>} : memref<256x128xf32, #tpu.memory_space<vmem>>, vector<1x16xf32>,
        %swap3A_537 = vector.shape_cast %swap3A_536 : vector<1x16xf32> to vector<16xf32>
        %swap3A_538 = vector.shape_cast %mul3A_531 : vector<16xf32> to vector<1x16xf32>
        tpu.vector_store %arg16[%swap3A_534, %swap3A_535], %swap3A_538 {strides = array<i32>} : memref<256x128xf32, #tpu.memory_space<vmem>>, vector<1x16xf32>,
        %add3A_539 = arith.constant 1 : i32
        %add3A_540 = arith.addi %mul3A_326, %add3A_539 : i32
        %get3A_541 = arith.index_cast %add3A_540 : i32 to index
        %get3A_542 = arith.constant 112 : index
        %get3A_543 = tpu.vector_load %arg16[%get3A_541, %get3A_542] {strides = array<i32>} : memref<256x128xf32, #tpu.memory_space<vmem>>, vector<1x16xf32>,
        %get3A_544 = vector.shape_cast %get3A_543 : vector<1x16xf32> to vector<16xf32>
        %mul3A_545 = arith.mulf %get3A_544, %broadcast_in_dim3A_440 : vector<16xf32>
        %add3A_546 = arith.constant 1 : i32
        %add3A_547 = arith.addi %mul3A_326, %add3A_546 : i32
        %swap3A_548 = arith.index_cast %add3A_547 : i32 to index
        %swap3A_549 = arith.constant 112 : index
        %swap3A_550 = tpu.vector_load %arg16[%swap3A_548, %swap3A_549] {strides = array<i32>} : memref<256x128xf32, #tpu.memory_space<vmem>>, vector<1x16xf32>,
        %swap3A_551 = vector.shape_cast %swap3A_550 : vector<1x16xf32> to vector<16xf32>
        %swap3A_552 = vector.shape_cast %mul3A_545 : vector<16xf32> to vector<1x16xf32>
        tpu.vector_store %arg16[%swap3A_548, %swap3A_549], %swap3A_552 {strides = array<i32>} : memref<256x128xf32, #tpu.memory_space<vmem>>, vector<1x16xf32>,
        %slice3A_553 = vector.extract_strided_slice %get3A_324 {offsets = [2], sizes = [1], strides = [1]} : vector<16xf32> to vector<1xf32>
        %squeeze3A_554 = vector.extract %slice3A_553[0] : f32 from vector<1xf32>
        %broadcast_in_dim3A_555 = vector.broadcast %squeeze3A_554 : f32 to vector<16xf32>
        %add3A_556 = arith.constant 2 : i32
        %add3A_557 = arith.addi %mul3A_326, %add3A_556 : i32
        %get3A_558 = arith.index_cast %add3A_557 : i32 to index
        %get3A_559 = arith.constant 0 : index
        %get3A_560 = tpu.vector_load %arg16[%get3A_558, %get3A_559] {strides = array<i32>} : memref<256x128xf32, #tpu.memory_space<vmem>>, vector<1x16xf32>,
        %get3A_561 = vector.shape_cast %get3A_560 : vector<1x16xf32> to vector<16xf32>
        %mul3A_562 = arith.mulf %get3A_561, %broadcast_in_dim3A_555 : vector<16xf32>
        %add3A_563 = arith.constant 2 : i32
        %add3A_564 = arith.addi %mul3A_326, %add3A_563 : i32
        %swap3A_565 = arith.index_cast %add3A_564 : i32 to index
        %swap3A_566 = arith.constant 0 : index
        %swap3A_567 = tpu.vector_load %arg16[%swap3A_565, %swap3A_566] {strides = array<i32>} : memref<256x128xf32, #tpu.memory_space<vmem>>, vector<1x16xf32>,
        %swap3A_568 = vector.shape_cast %swap3A_567 : vector<1x16xf32> to vector<16xf32>
        %swap3A_569 = vector.shape_cast %mul3A_562 : vector<16xf32> to vector<1x16xf32>
        tpu.vector_store %arg16[%swap3A_565, %swap3A_566], %swap3A_569 {strides = array<i32>} : memref<256x128xf32, #tpu.memory_space<vmem>>, vector<1x16xf32>,
        %add3A_570 = arith.constant 2 : i32
        %add3A_571 = arith.addi %mul3A_326, %add3A_570 : i32
        %get3A_572 = arith.index_cast %add3A_571 : i32 to index
        %get3A_573 = arith.constant 16 : index
        %get3A_574 = tpu.vector_load %arg16[%get3A_572, %get3A_573] {strides = array<i32>} : memref<256x128xf32, #tpu.memory_space<vmem>>, vector<1x16xf32>,
        %get3A_575 = vector.shape_cast %get3A_574 : vector<1x16xf32> to vector<16xf32>
        %mul3A_576 = arith.mulf %get3A_575, %broadcast_in_dim3A_555 : vector<16xf32>
        %add3A_577 = arith.constant 2 : i32
        %add3A_578 = arith.addi %mul3A_326, %add3A_577 : i32
        %swap3A_579 = arith.index_cast %add3A_578 : i32 to index
        %swap3A_580 = arith.constant 16 : index
        %swap3A_581 = tpu.vector_load %arg16[%swap3A_579, %swap3A_580] {strides = array<i32>} : memref<256x128xf32, #tpu.memory_space<vmem>>, vector<1x16xf32>,
        %swap3A_582 = vector.shape_cast %swap3A_581 : vector<1x16xf32> to vector<16xf32>
        %swap3A_583 = vector.shape_cast %mul3A_576 : vector<16xf32> to vector<1x16xf32>
        tpu.vector_store %arg16[%swap3A_579, %swap3A_580], %swap3A_583 {strides = array<i32>} : memref<256x128xf32, #tpu.memory_space<vmem>>, vector<1x16xf32>,
        %add3A_584 = arith.constant 2 : i32
        %add3A_585 = arith.addi %mul3A_326, %add3A_584 : i32
        %get3A_586 = arith.index_cast %add3A_585 : i32 to index
        %get3A_587 = arith.constant 32 : index
        %get3A_588 = tpu.vector_load %arg16[%get3A_586, %get3A_587] {strides = array<i32>} : memref<256x128xf32, #tpu.memory_space<vmem>>, vector<1x16xf32>,
        %get3A_589 = vector.shape_cast %get3A_588 : vector<1x16xf32> to vector<16xf32>
        %mul3A_590 = arith.mulf %get3A_589, %broadcast_in_dim3A_555 : vector<16xf32>
        %add3A_591 = arith.constant 2 : i32
        %add3A_592 = arith.addi %mul3A_326, %add3A_591 : i32
        %swap3A_593 = arith.index_cast %add3A_592 : i32 to index
        %swap3A_594 = arith.constant 32 : index
        %swap3A_595 = tpu.vector_load %arg16[%swap3A_593, %swap3A_594] {strides = array<i32>} : memref<256x128xf32, #tpu.memory_space<vmem>>, vector<1x16xf32>,
        %swap3A_596 = vector.shape_cast %swap3A_595 : vector<1x16xf32> to vector<16xf32>
        %swap3A_597 = vector.shape_cast %mul3A_590 : vector<16xf32> to vector<1x16xf32>
        tpu.vector_store %arg16[%swap3A_593, %swap3A_594], %swap3A_597 {strides = array<i32>} : memref<256x128xf32, #tpu.memory_space<vmem>>, vector<1x16xf32>,
        %add3A_598 = arith.constant 2 : i32
        %add3A_599 = arith.addi %mul3A_326, %add3A_598 : i32
        %get3A_600 = arith.index_cast %add3A_599 : i32 to index
        %get3A_601 = arith.constant 48 : index
        %get3A_602 = tpu.vector_load %arg16[%get3A_600, %get3A_601] {strides = array<i32>} : memref<256x128xf32, #tpu.memory_space<vmem>>, vector<1x16xf32>,
        %get3A_603 = vector.shape_cast %get3A_602 : vector<1x16xf32> to vector<16xf32>
        %mul3A_604 = arith.mulf %get3A_603, %broadcast_in_dim3A_555 : vector<16xf32>
        %add3A_605 = arith.constant 2 : i32
        %add3A_606 = arith.addi %mul3A_326, %add3A_605 : i32
        %swap3A_607 = arith.index_cast %add3A_606 : i32 to index
        %swap3A_608 = arith.constant 48 : index
        %swap3A_609 = tpu.vector_load %arg16[%swap3A_607, %swap3A_608] {strides = array<i32>} : memref<256x128xf32, #tpu.memory_space<vmem>>, vector<1x16xf32>,
        %swap3A_610 = vector.shape_cast %swap3A_609 : vector<1x16xf32> to vector<16xf32>
        %swap3A_611 = vector.shape_cast %mul3A_604 : vector<16xf32> to vector<1x16xf32>
        tpu.vector_store %arg16[%swap3A_607, %swap3A_608], %swap3A_611 {strides = array<i32>} : memref<256x128xf32, #tpu.memory_space<vmem>>, vector<1x16xf32>,
        %add3A_612 = arith.constant 2 : i32
        %add3A_613 = arith.addi %mul3A_326, %add3A_612 : i32
        %get3A_614 = arith.index_cast %add3A_613 : i32 to index
        %get3A_615 = arith.constant 64 : index
        %get3A_616 = tpu.vector_load %arg16[%get3A_614, %get3A_615] {strides = array<i32>} : memref<256x128xf32, #tpu.memory_space<vmem>>, vector<1x16xf32>,
        %get3A_617 = vector.shape_cast %get3A_616 : vector<1x16xf32> to vector<16xf32>
        %mul3A_618 = arith.mulf %get3A_617, %broadcast_in_dim3A_555 : vector<16xf32>
        %add3A_619 = arith.constant 2 : i32
        %add3A_620 = arith.addi %mul3A_326, %add3A_619 : i32
        %swap3A_621 = arith.index_cast %add3A_620 : i32 to index
        %swap3A_622 = arith.constant 64 : index
        %swap3A_623 = tpu.vector_load %arg16[%swap3A_621, %swap3A_622] {strides = array<i32>} : memref<256x128xf32, #tpu.memory_space<vmem>>, vector<1x16xf32>,
        %swap3A_624 = vector.shape_cast %swap3A_623 : vector<1x16xf32> to vector<16xf32>
        %swap3A_625 = vector.shape_cast %mul3A_618 : vector<16xf32> to vector<1x16xf32>
        tpu.vector_store %arg16[%swap3A_621, %swap3A_622], %swap3A_625 {strides = array<i32>} : memref<256x128xf32, #tpu.memory_space<vmem>>, vector<1x16xf32>,
        %add3A_626 = arith.constant 2 : i32
        %add3A_627 = arith.addi %mul3A_326, %add3A_626 : i32
        %get3A_628 = arith.index_cast %add3A_627 : i32 to index
        %get3A_629 = arith.constant 80 : index
        %get3A_630 = tpu.vector_load %arg16[%get3A_628, %get3A_629] {strides = array<i32>} : memref<256x128xf32, #tpu.memory_space<vmem>>, vector<1x16xf32>,
        %get3A_631 = vector.shape_cast %get3A_630 : vector<1x16xf32> to vector<16xf32>
        %mul3A_632 = arith.mulf %get3A_631, %broadcast_in_dim3A_555 : vector<16xf32>
        %add3A_633 = arith.constant 2 : i32
        %add3A_634 = arith.addi %mul3A_326, %add3A_633 : i32
        %swap3A_635 = arith.index_cast %add3A_634 : i32 to index
        %swap3A_636 = arith.constant 80 : index
        %swap3A_637 = tpu.vector_load %arg16[%swap3A_635, %swap3A_636] {strides = array<i32>} : memref<256x128xf32, #tpu.memory_space<vmem>>, vector<1x16xf32>,
        %swap3A_638 = vector.shape_cast %swap3A_637 : vector<1x16xf32> to vector<16xf32>
        %swap3A_639 = vector.shape_cast %mul3A_632 : vector<16xf32> to vector<1x16xf32>
        tpu.vector_store %arg16[%swap3A_635, %swap3A_636], %swap3A_639 {strides = array<i32>} : memref<256x128xf32, #tpu.memory_space<vmem>>, vector<1x16xf32>,
        %add3A_640 = arith.constant 2 : i32
        %add3A_641 = arith.addi %mul3A_326, %add3A_640 : i32
        %get3A_642 = arith.index_cast %add3A_641 : i32 to index
        %get3A_643 = arith.constant 96 : index
        %get3A_644 = tpu.vector_load %arg16[%get3A_642, %get3A_643] {strides = array<i32>} : memref<256x128xf32, #tpu.memory_space<vmem>>, vector<1x16xf32>,
        %get3A_645 = vector.shape_cast %get3A_644 : vector<1x16xf32> to vector<16xf32>
        %mul3A_646 = arith.mulf %get3A_645, %broadcast_in_dim3A_555 : vector<16xf32>
        %add3A_647 = arith.constant 2 : i32
        %add3A_648 = arith.addi %mul3A_326, %add3A_647 : i32
        %swap3A_649 = arith.index_cast %add3A_648 : i32 to index
        %swap3A_650 = arith.constant 96 : index
        %swap3A_651 = tpu.vector_load %arg16[%swap3A_649, %swap3A_650] {strides = array<i32>} : memref<256x128xf32, #tpu.memory_space<vmem>>, vector<1x16xf32>,
        %swap3A_652 = vector.shape_cast %swap3A_651 : vector<1x16xf32> to vector<16xf32>
        %swap3A_653 = vector.shape_cast %mul3A_646 : vector<16xf32> to vector<1x16xf32>
        tpu.vector_store %arg16[%swap3A_649, %swap3A_650], %swap3A_653 {strides = array<i32>} : memref<256x128xf32, #tpu.memory_space<vmem>>, vector<1x16xf32>,
        %add3A_654 = arith.constant 2 : i32
        %add3A_655 = arith.addi %mul3A_326, %add3A_654 : i32
        %get3A_656 = arith.index_cast %add3A_655 : i32 to index
        %get3A_657 = arith.constant 112 : index
        %get3A_658 = tpu.vector_load %arg16[%get3A_656, %get3A_657] {strides = array<i32>} : memref<256x128xf32, #tpu.memory_space<vmem>>, vector<1x16xf32>,
        %get3A_659 = vector.shape_cast %get3A_658 : vector<1x16xf32> to vector<16xf32>
        %mul3A_660 = arith.mulf %get3A_659, %broadcast_in_dim3A_555 : vector<16xf32>
        %add3A_661 = arith.constant 2 : i32
        %add3A_662 = arith.addi %mul3A_326, %add3A_661 : i32
        %swap3A_663 = arith.index_cast %add3A_662 : i32 to index
        %swap3A_664 = arith.constant 112 : index
        %swap3A_665 = tpu.vector_load %arg16[%swap3A_663, %swap3A_664] {strides = array<i32>} : memref<256x128xf32, #tpu.memory_space<vmem>>, vector<1x16xf32>,
        %swap3A_666 = vector.shape_cast %swap3A_665 : vector<1x16xf32> to vector<16xf32>
        %swap3A_667 = vector.shape_cast %mul3A_660 : vector<16xf32> to vector<1x16xf32>
        tpu.vector_store %arg16[%swap3A_663, %swap3A_664], %swap3A_667 {strides = array<i32>} : memref<256x128xf32, #tpu.memory_space<vmem>>, vector<1x16xf32>,
        %slice3A_668 = vector.extract_strided_slice %get3A_324 {offsets = [3], sizes = [1], strides = [1]} : vector<16xf32> to vector<1xf32>
        %squeeze3A_669 = vector.extract %slice3A_668[0] : f32 from vector<1xf32>
        %broadcast_in_dim3A_670 = vector.broadcast %squeeze3A_669 : f32 to vector<16xf32>
        %add3A_671 = arith.constant 3 : i32
        %add3A_672 = arith.addi %mul3A_326, %add3A_671 : i32
        %get3A_673 = arith.index_cast %add3A_672 : i32 to index
        %get3A_674 = arith.constant 0 : index
        %get3A_675 = tpu.vector_load %arg16[%get3A_673, %get3A_674] {strides = array<i32>} : memref<256x128xf32, #tpu.memory_space<vmem>>, vector<1x16xf32>,
        %get3A_676 = vector.shape_cast %get3A_675 : vector<1x16xf32> to vector<16xf32>
        %mul3A_677 = arith.mulf %get3A_676, %broadcast_in_dim3A_670 : vector<16xf32>
        %add3A_678 = arith.constant 3 : i32
        %add3A_679 = arith.addi %mul3A_326, %add3A_678 : i32
        %swap3A_680 = arith.index_cast %add3A_679 : i32 to index
        %swap3A_681 = arith.constant 0 : index
        %swap3A_682 = tpu.vector_load %arg16[%swap3A_680, %swap3A_681] {strides = array<i32>} : memref<256x128xf32, #tpu.memory_space<vmem>>, vector<1x16xf32>,
        %swap3A_683 = vector.shape_cast %swap3A_682 : vector<1x16xf32> to vector<16xf32>
        %swap3A_684 = vector.shape_cast %mul3A_677 : vector<16xf32> to vector<1x16xf32>
        tpu.vector_store %arg16[%swap3A_680, %swap3A_681], %swap3A_684 {strides = array<i32>} : memref<256x128xf32, #tpu.memory_space<vmem>>, vector<1x16xf32>,
        %add3A_685 = arith.constant 3 : i32
        %add3A_686 = arith.addi %mul3A_326, %add3A_685 : i32
        %get3A_687 = arith.index_cast %add3A_686 : i32 to index
        %get3A_688 = arith.constant 16 : index
        %get3A_689 = tpu.vector_load %arg16[%get3A_687, %get3A_688] {strides = array<i32>} : memref<256x128xf32, #tpu.memory_space<vmem>>, vector<1x16xf32>,
        %get3A_690 = vector.shape_cast %get3A_689 : vector<1x16xf32> to vector<16xf32>
        %mul3A_691 = arith.mulf %get3A_690, %broadcast_in_dim3A_670 : vector<16xf32>
        %add3A_692 = arith.constant 3 : i32
        %add3A_693 = arith.addi %mul3A_326, %add3A_692 : i32
        %swap3A_694 = arith.index_cast %add3A_693 : i32 to index
        %swap3A_695 = arith.constant 16 : index
        %swap3A_696 = tpu.vector_load %arg16[%swap3A_694, %swap3A_695] {strides = array<i32>} : memref<256x128xf32, #tpu.memory_space<vmem>>, vector<1x16xf32>,
        %swap3A_697 = vector.shape_cast %swap3A_696 : vector<1x16xf32> to vector<16xf32>
        %swap3A_698 = vector.shape_cast %mul3A_691 : vector<16xf32> to vector<1x16xf32>
        tpu.vector_store %arg16[%swap3A_694, %swap3A_695], %swap3A_698 {strides = array<i32>} : memref<256x128xf32, #tpu.memory_space<vmem>>, vector<1x16xf32>,
        %add3A_699 = arith.constant 3 : i32
        %add3A_700 = arith.addi %mul3A_326, %add3A_699 : i32
        %get3A_701 = arith.index_cast %add3A_700 : i32 to index
        %get3A_702 = arith.constant 32 : index
        %get3A_703 = tpu.vector_load %arg16[%get3A_701, %get3A_702] {strides = array<i32>} : memref<256x128xf32, #tpu.memory_space<vmem>>, vector<1x16xf32>,
        %get3A_704 = vector.shape_cast %get3A_703 : vector<1x16xf32> to vector<16xf32>
        %mul3A_705 = arith.mulf %get3A_704, %broadcast_in_dim3A_670 : vector<16xf32>
        %add3A_706 = arith.constant 3 : i32
        %add3A_707 = arith.addi %mul3A_326, %add3A_706 : i32
        %swap3A_708 = arith.index_cast %add3A_707 : i32 to index
        %swap3A_709 = arith.constant 32 : index
        %swap3A_710 = tpu.vector_load %arg16[%swap3A_708, %swap3A_709] {strides = array<i32>} : memref<256x128xf32, #tpu.memory_space<vmem>>, vector<1x16xf32>,
        %swap3A_711 = vector.shape_cast %swap3A_710 : vector<1x16xf32> to vector<16xf32>
        %swap3A_712 = vector.shape_cast %mul3A_705 : vector<16xf32> to vector<1x16xf32>
        tpu.vector_store %arg16[%swap3A_708, %swap3A_709], %swap3A_712 {strides = array<i32>} : memref<256x128xf32, #tpu.memory_space<vmem>>, vector<1x16xf32>,
        %add3A_713 = arith.constant 3 : i32
        %add3A_714 = arith.addi %mul3A_326, %add3A_713 : i32
        %get3A_715 = arith.index_cast %add3A_714 : i32 to index
        %get3A_716 = arith.constant 48 : index
        %get3A_717 = tpu.vector_load %arg16[%get3A_715, %get3A_716] {strides = array<i32>} : memref<256x128xf32, #tpu.memory_space<vmem>>, vector<1x16xf32>,
        %get3A_718 = vector.shape_cast %get3A_717 : vector<1x16xf32> to vector<16xf32>
        %mul3A_719 = arith.mulf %get3A_718, %broadcast_in_dim3A_670 : vector<16xf32>
        %add3A_720 = arith.constant 3 : i32
        %add3A_721 = arith.addi %mul3A_326, %add3A_720 : i32
        %swap3A_722 = arith.index_cast %add3A_721 : i32 to index
        %swap3A_723 = arith.constant 48 : index
        %swap3A_724 = tpu.vector_load %arg16[%swap3A_722, %swap3A_723] {strides = array<i32>} : memref<256x128xf32, #tpu.memory_space<vmem>>, vector<1x16xf32>,
        %swap3A_725 = vector.shape_cast %swap3A_724 : vector<1x16xf32> to vector<16xf32>
        %swap3A_726 = vector.shape_cast %mul3A_719 : vector<16xf32> to vector<1x16xf32>
        tpu.vector_store %arg16[%swap3A_722, %swap3A_723], %swap3A_726 {strides = array<i32>} : memref<256x128xf32, #tpu.memory_space<vmem>>, vector<1x16xf32>,
        %add3A_727 = arith.constant 3 : i32
        %add3A_728 = arith.addi %mul3A_326, %add3A_727 : i32
        %get3A_729 = arith.index_cast %add3A_728 : i32 to index
        %get3A_730 = arith.constant 64 : index
        %get3A_731 = tpu.vector_load %arg16[%get3A_729, %get3A_730] {strides = array<i32>} : memref<256x128xf32, #tpu.memory_space<vmem>>, vector<1x16xf32>,
        %get3A_732 = vector.shape_cast %get3A_731 : vector<1x16xf32> to vector<16xf32>
        %mul3A_733 = arith.mulf %get3A_732, %broadcast_in_dim3A_670 : vector<16xf32>
        %add3A_734 = arith.constant 3 : i32
        %add3A_735 = arith.addi %mul3A_326, %add3A_734 : i32
        %swap3A_736 = arith.index_cast %add3A_735 : i32 to index
        %swap3A_737 = arith.constant 64 : index
        %swap3A_738 = tpu.vector_load %arg16[%swap3A_736, %swap3A_737] {strides = array<i32>} : memref<256x128xf32, #tpu.memory_space<vmem>>, vector<1x16xf32>,
        %swap3A_739 = vector.shape_cast %swap3A_738 : vector<1x16xf32> to vector<16xf32>
        %swap3A_740 = vector.shape_cast %mul3A_733 : vector<16xf32> to vector<1x16xf32>
        tpu.vector_store %arg16[%swap3A_736, %swap3A_737], %swap3A_740 {strides = array<i32>} : memref<256x128xf32, #tpu.memory_space<vmem>>, vector<1x16xf32>,
        %add3A_741 = arith.constant 3 : i32
        %add3A_742 = arith.addi %mul3A_326, %add3A_741 : i32
        %get3A_743 = arith.index_cast %add3A_742 : i32 to index
        %get3A_744 = arith.constant 80 : index
        %get3A_745 = tpu.vector_load %arg16[%get3A_743, %get3A_744] {strides = array<i32>} : memref<256x128xf32, #tpu.memory_space<vmem>>, vector<1x16xf32>,
        %get3A_746 = vector.shape_cast %get3A_745 : vector<1x16xf32> to vector<16xf32>
        %mul3A_747 = arith.mulf %get3A_746, %broadcast_in_dim3A_670 : vector<16xf32>
        %add3A_748 = arith.constant 3 : i32
        %add3A_749 = arith.addi %mul3A_326, %add3A_748 : i32
        %swap3A_750 = arith.index_cast %add3A_749 : i32 to index
        %swap3A_751 = arith.constant 80 : index
        %swap3A_752 = tpu.vector_load %arg16[%swap3A_750, %swap3A_751] {strides = array<i32>} : memref<256x128xf32, #tpu.memory_space<vmem>>, vector<1x16xf32>,
        %swap3A_753 = vector.shape_cast %swap3A_752 : vector<1x16xf32> to vector<16xf32>
        %swap3A_754 = vector.shape_cast %mul3A_747 : vector<16xf32> to vector<1x16xf32>
        tpu.vector_store %arg16[%swap3A_750, %swap3A_751], %swap3A_754 {strides = array<i32>} : memref<256x128xf32, #tpu.memory_space<vmem>>, vector<1x16xf32>,
        %add3A_755 = arith.constant 3 : i32
        %add3A_756 = arith.addi %mul3A_326, %add3A_755 : i32
        %get3A_757 = arith.index_cast %add3A_756 : i32 to index
        %get3A_758 = arith.constant 96 : index
        %get3A_759 = tpu.vector_load %arg16[%get3A_757, %get3A_758] {strides = array<i32>} : memref<256x128xf32, #tpu.memory_space<vmem>>, vector<1x16xf32>,
        %get3A_760 = vector.shape_cast %get3A_759 : vector<1x16xf32> to vector<16xf32>
        %mul3A_761 = arith.mulf %get3A_760, %broadcast_in_dim3A_670 : vector<16xf32>
        %add3A_762 = arith.constant 3 : i32
        %add3A_763 = arith.addi %mul3A_326, %add3A_762 : i32
        %swap3A_764 = arith.index_cast %add3A_763 : i32 to index
        %swap3A_765 = arith.constant 96 : index
        %swap3A_766 = tpu.vector_load %arg16[%swap3A_764, %swap3A_765] {strides = array<i32>} : memref<256x128xf32, #tpu.memory_space<vmem>>, vector<1x16xf32>,
        %swap3A_767 = vector.shape_cast %swap3A_766 : vector<1x16xf32> to vector<16xf32>
        %swap3A_768 = vector.shape_cast %mul3A_761 : vector<16xf32> to vector<1x16xf32>
        tpu.vector_store %arg16[%swap3A_764, %swap3A_765], %swap3A_768 {strides = array<i32>} : memref<256x128xf32, #tpu.memory_space<vmem>>, vector<1x16xf32>,
        %add3A_769 = arith.constant 3 : i32
        %add3A_770 = arith.addi %mul3A_326, %add3A_769 : i32
        %get3A_771 = arith.index_cast %add3A_770 : i32 to index
        %get3A_772 = arith.constant 112 : index
        %get3A_773 = tpu.vector_load %arg16[%get3A_771, %get3A_772] {strides = array<i32>} : memref<256x128xf32, #tpu.memory_space<vmem>>, vector<1x16xf32>,
        %get3A_774 = vector.shape_cast %get3A_773 : vector<1x16xf32> to vector<16xf32>
        %mul3A_775 = arith.mulf %get3A_774, %broadcast_in_dim3A_670 : vector<16xf32>
        %add3A_776 = arith.constant 3 : i32
        %add3A_777 = arith.addi %mul3A_326, %add3A_776 : i32
        %swap3A_778 = arith.index_cast %add3A_777 : i32 to index
        %swap3A_779 = arith.constant 112 : index
        %swap3A_780 = tpu.vector_load %arg16[%swap3A_778, %swap3A_779] {strides = array<i32>} : memref<256x128xf32, #tpu.memory_space<vmem>>, vector<1x16xf32>,
        %swap3A_781 = vector.shape_cast %swap3A_780 : vector<1x16xf32> to vector<16xf32>
        %swap3A_782 = vector.shape_cast %mul3A_775 : vector<16xf32> to vector<1x16xf32>
        tpu.vector_store %arg16[%swap3A_778, %swap3A_779], %swap3A_782 {strides = array<i32>} : memref<256x128xf32, #tpu.memory_space<vmem>>, vector<1x16xf32>,
        %slice3A_783 = vector.extract_strided_slice %get3A_324 {offsets = [4], sizes = [1], strides = [1]} : vector<16xf32> to vector<1xf32>
        %squeeze3A_784 = vector.extract %slice3A_783[0] : f32 from vector<1xf32>
        %broadcast_in_dim3A_785 = vector.broadcast %squeeze3A_784 : f32 to vector<16xf32>
        %add3A_786 = arith.constant 4 : i32
        %add3A_787 = arith.addi %mul3A_326, %add3A_786 : i32
        %get3A_788 = arith.index_cast %add3A_787 : i32 to index
        %get3A_789 = arith.constant 0 : index
        %get3A_790 = tpu.vector_load %arg16[%get3A_788, %get3A_789] {strides = array<i32>} : memref<256x128xf32, #tpu.memory_space<vmem>>, vector<1x16xf32>,
        %get3A_791 = vector.shape_cast %get3A_790 : vector<1x16xf32> to vector<16xf32>
        %mul3A_792 = arith.mulf %get3A_791, %broadcast_in_dim3A_785 : vector<16xf32>
        %add3A_793 = arith.constant 4 : i32
        %add3A_794 = arith.addi %mul3A_326, %add3A_793 : i32
        %swap3A_795 = arith.index_cast %add3A_794 : i32 to index
        %swap3A_796 = arith.constant 0 : index
        %swap3A_797 = tpu.vector_load %arg16[%swap3A_795, %swap3A_796] {strides = array<i32>} : memref<256x128xf32, #tpu.memory_space<vmem>>, vector<1x16xf32>,
        %swap3A_798 = vector.shape_cast %swap3A_797 : vector<1x16xf32> to vector<16xf32>
        %swap3A_799 = vector.shape_cast %mul3A_792 : vector<16xf32> to vector<1x16xf32>
        tpu.vector_store %arg16[%swap3A_795, %swap3A_796], %swap3A_799 {strides = array<i32>} : memref<256x128xf32, #tpu.memory_space<vmem>>, vector<1x16xf32>,
        %add3A_800 = arith.constant 4 : i32
        %add3A_801 = arith.addi %mul3A_326, %add3A_800 : i32
        %get3A_802 = arith.index_cast %add3A_801 : i32 to index
        %get3A_803 = arith.constant 16 : index
        %get3A_804 = tpu.vector_load %arg16[%get3A_802, %get3A_803] {strides = array<i32>} : memref<256x128xf32, #tpu.memory_space<vmem>>, vector<1x16xf32>,
        %get3A_805 = vector.shape_cast %get3A_804 : vector<1x16xf32> to vector<16xf32>
        %mul3A_806 = arith.mulf %get3A_805, %broadcast_in_dim3A_785 : vector<16xf32>
        %add3A_807 = arith.constant 4 : i32
        %add3A_808 = arith.addi %mul3A_326, %add3A_807 : i32
        %swap3A_809 = arith.index_cast %add3A_808 : i32 to index
        %swap3A_810 = arith.constant 16 : index
        %swap3A_811 = tpu.vector_load %arg16[%swap3A_809, %swap3A_810] {strides = array<i32>} : memref<256x128xf32, #tpu.memory_space<vmem>>, vector<1x16xf32>,
        %swap3A_812 = vector.shape_cast %swap3A_811 : vector<1x16xf32> to vector<16xf32>
        %swap3A_813 = vector.shape_cast %mul3A_806 : vector<16xf32> to vector<1x16xf32>
        tpu.vector_store %arg16[%swap3A_809, %swap3A_810], %swap3A_813 {strides = array<i32>} : memref<256x128xf32, #tpu.memory_space<vmem>>, vector<1x16xf32>,
        %add3A_814 = arith.constant 4 : i32
        %add3A_815 = arith.addi %mul3A_326, %add3A_814 : i32
        %get3A_816 = arith.index_cast %add3A_815 : i32 to index
        %get3A_817 = arith.constant 32 : index
        %get3A_818 = tpu.vector_load %arg16[%get3A_816, %get3A_817] {strides = array<i32>} : memref<256x128xf32, #tpu.memory_space<vmem>>, vector<1x16xf32>,
        %get3A_819 = vector.shape_cast %get3A_818 : vector<1x16xf32> to vector<16xf32>
        %mul3A_820 = arith.mulf %get3A_819, %broadcast_in_dim3A_785 : vector<16xf32>
        %add3A_821 = arith.constant 4 : i32
        %add3A_822 = arith.addi %mul3A_326, %add3A_821 : i32
        %swap3A_823 = arith.index_cast %add3A_822 : i32 to index
        %swap3A_824 = arith.constant 32 : index
        %swap3A_825 = tpu.vector_load %arg16[%swap3A_823, %swap3A_824] {strides = array<i32>} : memref<256x128xf32, #tpu.memory_space<vmem>>, vector<1x16xf32>,
        %swap3A_826 = vector.shape_cast %swap3A_825 : vector<1x16xf32> to vector<16xf32>
        %swap3A_827 = vector.shape_cast %mul3A_820 : vector<16xf32> to vector<1x16xf32>
        tpu.vector_store %arg16[%swap3A_823, %swap3A_824], %swap3A_827 {strides = array<i32>} : memref<256x128xf32, #tpu.memory_space<vmem>>, vector<1x16xf32>,
        %add3A_828 = arith.constant 4 : i32
        %add3A_829 = arith.addi %mul3A_326, %add3A_828 : i32
        %get3A_830 = arith.index_cast %add3A_829 : i32 to index
        %get3A_831 = arith.constant 48 : index
        %get3A_832 = tpu.vector_load %arg16[%get3A_830, %get3A_831] {strides = array<i32>} : memref<256x128xf32, #tpu.memory_space<vmem>>, vector<1x16xf32>,
        %get3A_833 = vector.shape_cast %get3A_832 : vector<1x16xf32> to vector<16xf32>
        %mul3A_834 = arith.mulf %get3A_833, %broadcast_in_dim3A_785 : vector<16xf32>
        %add3A_835 = arith.constant 4 : i32
        %add3A_836 = arith.addi %mul3A_326, %add3A_835 : i32
        %swap3A_837 = arith.index_cast %add3A_836 : i32 to index
        %swap3A_838 = arith.constant 48 : index
        %swap3A_839 = tpu.vector_load %arg16[%swap3A_837, %swap3A_838] {strides = array<i32>} : memref<256x128xf32, #tpu.memory_space<vmem>>, vector<1x16xf32>,
        %swap3A_840 = vector.shape_cast %swap3A_839 : vector<1x16xf32> to vector<16xf32>
        %swap3A_841 = vector.shape_cast %mul3A_834 : vector<16xf32> to vector<1x16xf32>
        tpu.vector_store %arg16[%swap3A_837, %swap3A_838], %swap3A_841 {strides = array<i32>} : memref<256x128xf32, #tpu.memory_space<vmem>>, vector<1x16xf32>,
        %add3A_842 = arith.constant 4 : i32
        %add3A_843 = arith.addi %mul3A_326, %add3A_842 : i32
        %get3A_844 = arith.index_cast %add3A_843 : i32 to index
        %get3A_845 = arith.constant 64 : index
        %get3A_846 = tpu.vector_load %arg16[%get3A_844, %get3A_845] {strides = array<i32>} : memref<256x128xf32, #tpu.memory_space<vmem>>, vector<1x16xf32>,
        %get3A_847 = vector.shape_cast %get3A_846 : vector<1x16xf32> to vector<16xf32>
        %mul3A_848 = arith.mulf %get3A_847, %broadcast_in_dim3A_785 : vector<16xf32>
        %add3A_849 = arith.constant 4 : i32
        %add3A_850 = arith.addi %mul3A_326, %add3A_849 : i32
        %swap3A_851 = arith.index_cast %add3A_850 : i32 to index
        %swap3A_852 = arith.constant 64 : index
        %swap3A_853 = tpu.vector_load %arg16[%swap3A_851, %swap3A_852] {strides = array<i32>} : memref<256x128xf32, #tpu.memory_space<vmem>>, vector<1x16xf32>,
        %swap3A_854 = vector.shape_cast %swap3A_853 : vector<1x16xf32> to vector<16xf32>
        %swap3A_855 = vector.shape_cast %mul3A_848 : vector<16xf32> to vector<1x16xf32>
        tpu.vector_store %arg16[%swap3A_851, %swap3A_852], %swap3A_855 {strides = array<i32>} : memref<256x128xf32, #tpu.memory_space<vmem>>, vector<1x16xf32>,
        %add3A_856 = arith.constant 4 : i32
        %add3A_857 = arith.addi %mul3A_326, %add3A_856 : i32
        %get3A_858 = arith.index_cast %add3A_857 : i32 to index
        %get3A_859 = arith.constant 80 : index
        %get3A_860 = tpu.vector_load %arg16[%get3A_858, %get3A_859] {strides = array<i32>} : memref<256x128xf32, #tpu.memory_space<vmem>>, vector<1x16xf32>,
        %get3A_861 = vector.shape_cast %get3A_860 : vector<1x16xf32> to vector<16xf32>
        %mul3A_862 = arith.mulf %get3A_861, %broadcast_in_dim3A_785 : vector<16xf32>
        %add3A_863 = arith.constant 4 : i32
        %add3A_864 = arith.addi %mul3A_326, %add3A_863 : i32
        %swap3A_865 = arith.index_cast %add3A_864 : i32 to index
        %swap3A_866 = arith.constant 80 : index
        %swap3A_867 = tpu.vector_load %arg16[%swap3A_865, %swap3A_866] {strides = array<i32>} : memref<256x128xf32, #tpu.memory_space<vmem>>, vector<1x16xf32>,
        %swap3A_868 = vector.shape_cast %swap3A_867 : vector<1x16xf32> to vector<16xf32>
        %swap3A_869 = vector.shape_cast %mul3A_862 : vector<16xf32> to vector<1x16xf32>
        tpu.vector_store %arg16[%swap3A_865, %swap3A_866], %swap3A_869 {strides = array<i32>} : memref<256x128xf32, #tpu.memory_space<vmem>>, vector<1x16xf32>,
        %add3A_870 = arith.constant 4 : i32
        %add3A_871 = arith.addi %mul3A_326, %add3A_870 : i32
        %get3A_872 = arith.index_cast %add3A_871 : i32 to index
        %get3A_873 = arith.constant 96 : index
        %get3A_874 = tpu.vector_load %arg16[%get3A_872, %get3A_873] {strides = array<i32>} : memref<256x128xf32, #tpu.memory_space<vmem>>, vector<1x16xf32>,
        %get3A_875 = vector.shape_cast %get3A_874 : vector<1x16xf32> to vector<16xf32>
        %mul3A_876 = arith.mulf %get3A_875, %broadcast_in_dim3A_785 : vector<16xf32>
        %add3A_877 = arith.constant 4 : i32
        %add3A_878 = arith.addi %mul3A_326, %add3A_877 : i32
        %swap3A_879 = arith.index_cast %add3A_878 : i32 to index
        %swap3A_880 = arith.constant 96 : index
        %swap3A_881 = tpu.vector_load %arg16[%swap3A_879, %swap3A_880] {strides = array<i32>} : memref<256x128xf32, #tpu.memory_space<vmem>>, vector<1x16xf32>,
        %swap3A_882 = vector.shape_cast %swap3A_881 : vector<1x16xf32> to vector<16xf32>
        %swap3A_883 = vector.shape_cast %mul3A_876 : vector<16xf32> to vector<1x16xf32>
        tpu.vector_store %arg16[%swap3A_879, %swap3A_880], %swap3A_883 {strides = array<i32>} : memref<256x128xf32, #tpu.memory_space<vmem>>, vector<1x16xf32>,
        %add3A_884 = arith.constant 4 : i32
        %add3A_885 = arith.addi %mul3A_326, %add3A_884 : i32
        %get3A_886 = arith.index_cast %add3A_885 : i32 to index
        %get3A_887 = arith.constant 112 : index
        %get3A_888 = tpu.vector_load %arg16[%get3A_886, %get3A_887] {strides = array<i32>} : memref<256x128xf32, #tpu.memory_space<vmem>>, vector<1x16xf32>,
        %get3A_889 = vector.shape_cast %get3A_888 : vector<1x16xf32> to vector<16xf32>
        %mul3A_890 = arith.mulf %get3A_889, %broadcast_in_dim3A_785 : vector<16xf32>
        %add3A_891 = arith.constant 4 : i32
        %add3A_892 = arith.addi %mul3A_326, %add3A_891 : i32
        %swap3A_893 = arith.index_cast %add3A_892 : i32 to index
        %swap3A_894 = arith.constant 112 : index
        %swap3A_895 = tpu.vector_load %arg16[%swap3A_893, %swap3A_894] {strides = array<i32>} : memref<256x128xf32, #tpu.memory_space<vmem>>, vector<1x16xf32>,
        %swap3A_896 = vector.shape_cast %swap3A_895 : vector<1x16xf32> to vector<16xf32>
        %swap3A_897 = vector.shape_cast %mul3A_890 : vector<16xf32> to vector<1x16xf32>
        tpu.vector_store %arg16[%swap3A_893, %swap3A_894], %swap3A_897 {strides = array<i32>} : memref<256x128xf32, #tpu.memory_space<vmem>>, vector<1x16xf32>,
        %slice3A_898 = vector.extract_strided_slice %get3A_324 {offsets = [5], sizes = [1], strides = [1]} : vector<16xf32> to vector<1xf32>
        %squeeze3A_899 = vector.extract %slice3A_898[0] : f32 from vector<1xf32>
        %broadcast_in_dim3A_900 = vector.broadcast %squeeze3A_899 : f32 to vector<16xf32>
        %add3A_901 = arith.constant 5 : i32
        %add3A_902 = arith.addi %mul3A_326, %add3A_901 : i32
        %get3A_903 = arith.index_cast %add3A_902 : i32 to index
        %get3A_904 = arith.constant 0 : index
        %get3A_905 = tpu.vector_load %arg16[%get3A_903, %get3A_904] {strides = array<i32>} : memref<256x128xf32, #tpu.memory_space<vmem>>, vector<1x16xf32>,
        %get3A_906 = vector.shape_cast %get3A_905 : vector<1x16xf32> to vector<16xf32>
        %mul3A_907 = arith.mulf %get3A_906, %broadcast_in_dim3A_900 : vector<16xf32>
        %add3A_908 = arith.constant 5 : i32
        %add3A_909 = arith.addi %mul3A_326, %add3A_908 : i32
        %swap3A_910 = arith.index_cast %add3A_909 : i32 to index
        %swap3A_911 = arith.constant 0 : index
        %swap3A_912 = tpu.vector_load %arg16[%swap3A_910, %swap3A_911] {strides = array<i32>} : memref<256x128xf32, #tpu.memory_space<vmem>>, vector<1x16xf32>,
        %swap3A_913 = vector.shape_cast %swap3A_912 : vector<1x16xf32> to vector<16xf32>
        %swap3A_914 = vector.shape_cast %mul3A_907 : vector<16xf32> to vector<1x16xf32>
        tpu.vector_store %arg16[%swap3A_910, %swap3A_911], %swap3A_914 {strides = array<i32>} : memref<256x128xf32, #tpu.memory_space<vmem>>, vector<1x16xf32>,
        %add3A_915 = arith.constant 5 : i32
        %add3A_916 = arith.addi %mul3A_326, %add3A_915 : i32
        %get3A_917 = arith.index_cast %add3A_916 : i32 to index
        %get3A_918 = arith.constant 16 : index
        %get3A_919 = tpu.vector_load %arg16[%get3A_917, %get3A_918] {strides = array<i32>} : memref<256x128xf32, #tpu.memory_space<vmem>>, vector<1x16xf32>,
        %get3A_920 = vector.shape_cast %get3A_919 : vector<1x16xf32> to vector<16xf32>
        %mul3A_921 = arith.mulf %get3A_920, %broadcast_in_dim3A_900 : vector<16xf32>
        %add3A_922 = arith.constant 5 : i32
        %add3A_923 = arith.addi %mul3A_326, %add3A_922 : i32
        %swap3A_924 = arith.index_cast %add3A_923 : i32 to index
        %swap3A_925 = arith.constant 16 : index
        %swap3A_926 = tpu.vector_load %arg16[%swap3A_924, %swap3A_925] {strides = array<i32>} : memref<256x128xf32, #tpu.memory_space<vmem>>, vector<1x16xf32>,
        %swap3A_927 = vector.shape_cast %swap3A_926 : vector<1x16xf32> to vector<16xf32>
        %swap3A_928 = vector.shape_cast %mul3A_921 : vector<16xf32> to vector<1x16xf32>
        tpu.vector_store %arg16[%swap3A_924, %swap3A_925], %swap3A_928 {strides = array<i32>} : memref<256x128xf32, #tpu.memory_space<vmem>>, vector<1x16xf32>,
        %add3A_929 = arith.constant 5 : i32
        %add3A_930 = arith.addi %mul3A_326, %add3A_929 : i32
        %get3A_931 = arith.index_cast %add3A_930 : i32 to index
        %get3A_932 = arith.constant 32 : index
        %get3A_933 = tpu.vector_load %arg16[%get3A_931, %get3A_932] {strides = array<i32>} : memref<256x128xf32, #tpu.memory_space<vmem>>, vector<1x16xf32>,
        %get3A_934 = vector.shape_cast %get3A_933 : vector<1x16xf32> to vector<16xf32>
        %mul3A_935 = arith.mulf %get3A_934, %broadcast_in_dim3A_900 : vector<16xf32>
        %add3A_936 = arith.constant 5 : i32
        %add3A_937 = arith.addi %mul3A_326, %add3A_936 : i32
        %swap3A_938 = arith.index_cast %add3A_937 : i32 to index
        %swap3A_939 = arith.constant 32 : index
        %swap3A_940 = tpu.vector_load %arg16[%swap3A_938, %swap3A_939] {strides = array<i32>} : memref<256x128xf32, #tpu.memory_space<vmem>>, vector<1x16xf32>,
        %swap3A_941 = vector.shape_cast %swap3A_940 : vector<1x16xf32> to vector<16xf32>
        %swap3A_942 = vector.shape_cast %mul3A_935 : vector<16xf32> to vector<1x16xf32>
        tpu.vector_store %arg16[%swap3A_938, %swap3A_939], %swap3A_942 {strides = array<i32>} : memref<256x128xf32, #tpu.memory_space<vmem>>, vector<1x16xf32>,
        %add3A_943 = arith.constant 5 : i32
        %add3A_944 = arith.addi %mul3A_326, %add3A_943 : i32
        %get3A_945 = arith.index_cast %add3A_944 : i32 to index
        %get3A_946 = arith.constant 48 : index
        %get3A_947 = tpu.vector_load %arg16[%get3A_945, %get3A_946] {strides = array<i32>} : memref<256x128xf32, #tpu.memory_space<vmem>>, vector<1x16xf32>,
        %get3A_948 = vector.shape_cast %get3A_947 : vector<1x16xf32> to vector<16xf32>
        %mul3A_949 = arith.mulf %get3A_948, %broadcast_in_dim3A_900 : vector<16xf32>
        %add3A_950 = arith.constant 5 : i32
        %add3A_951 = arith.addi %mul3A_326, %add3A_950 : i32
        %swap3A_952 = arith.index_cast %add3A_951 : i32 to index
        %swap3A_953 = arith.constant 48 : index
        %swap3A_954 = tpu.vector_load %arg16[%swap3A_952, %swap3A_953] {strides = array<i32>} : memref<256x128xf32, #tpu.memory_space<vmem>>, vector<1x16xf32>,
        %swap3A_955 = vector.shape_cast %swap3A_954 : vector<1x16xf32> to vector<16xf32>
        %swap3A_956 = vector.shape_cast %mul3A_949 : vector<16xf32> to vector<1x16xf32>
        tpu.vector_store %arg16[%swap3A_952, %swap3A_953], %swap3A_956 {strides = array<i32>} : memref<256x128xf32, #tpu.memory_space<vmem>>, vector<1x16xf32>,
        %add3A_957 = arith.constant 5 : i32
        %add3A_958 = arith.addi %mul3A_326, %add3A_957 : i32
        %get3A_959 = arith.index_cast %add3A_958 : i32 to index
        %get3A_960 = arith.constant 64 : index
        %get3A_961 = tpu.vector_load %arg16[%get3A_959, %get3A_960] {strides = array<i32>} : memref<256x128xf32, #tpu.memory_space<vmem>>, vector<1x16xf32>,
        %get3A_962 = vector.shape_cast %get3A_961 : vector<1x16xf32> to vector<16xf32>
        %mul3A_963 = arith.mulf %get3A_962, %broadcast_in_dim3A_900 : vector<16xf32>
        %add3A_964 = arith.constant 5 : i32
        %add3A_965 = arith.addi %mul3A_326, %add3A_964 : i32
        %swap3A_966 = arith.index_cast %add3A_965 : i32 to index
        %swap3A_967 = arith.constant 64 : index
        %swap3A_968 = tpu.vector_load %arg16[%swap3A_966, %swap3A_967] {strides = array<i32>} : memref<256x128xf32, #tpu.memory_space<vmem>>, vector<1x16xf32>,
        %swap3A_969 = vector.shape_cast %swap3A_968 : vector<1x16xf32> to vector<16xf32>
        %swap3A_970 = vector.shape_cast %mul3A_963 : vector<16xf32> to vector<1x16xf32>
        tpu.vector_store %arg16[%swap3A_966, %swap3A_967], %swap3A_970 {strides = array<i32>} : memref<256x128xf32, #tpu.memory_space<vmem>>, vector<1x16xf32>,
        %add3A_971 = arith.constant 5 : i32
        %add3A_972 = arith.addi %mul3A_326, %add3A_971 : i32
        %get3A_973 = arith.index_cast %add3A_972 : i32 to index
        %get3A_974 = arith.constant 80 : index
        %get3A_975 = tpu.vector_load %arg16[%get3A_973, %get3A_974] {strides = array<i32>} : memref<256x128xf32, #tpu.memory_space<vmem>>, vector<1x16xf32>,
        %get3A_976 = vector.shape_cast %get3A_975 : vector<1x16xf32> to vector<16xf32>
        %mul3A_977 = arith.mulf %get3A_976, %broadcast_in_dim3A_900 : vector<16xf32>
        %add3A_978 = arith.constant 5 : i32
        %add3A_979 = arith.addi %mul3A_326, %add3A_978 : i32
        %swap3A_980 = arith.index_cast %add3A_979 : i32 to index
        %swap3A_981 = arith.constant 80 : index
        %swap3A_982 = tpu.vector_load %arg16[%swap3A_980, %swap3A_981] {strides = array<i32>} : memref<256x128xf32, #tpu.memory_space<vmem>>, vector<1x16xf32>,
        %swap3A_983 = vector.shape_cast %swap3A_982 : vector<1x16xf32> to vector<16xf32>
        %swap3A_984 = vector.shape_cast %mul3A_977 : vector<16xf32> to vector<1x16xf32>
        tpu.vector_store %arg16[%swap3A_980, %swap3A_981], %swap3A_984 {strides = array<i32>} : memref<256x128xf32, #tpu.memory_space<vmem>>, vector<1x16xf32>,
        %add3A_985 = arith.constant 5 : i32
        %add3A_986 = arith.addi %mul3A_326, %add3A_985 : i32
        %get3A_987 = arith.index_cast %add3A_986 : i32 to index
        %get3A_988 = arith.constant 96 : index
        %get3A_989 = tpu.vector_load %arg16[%get3A_987, %get3A_988] {strides = array<i32>} : memref<256x128xf32, #tpu.memory_space<vmem>>, vector<1x16xf32>,
        %get3A_990 = vector.shape_cast %get3A_989 : vector<1x16xf32> to vector<16xf32>
        %mul3A_991 = arith.mulf %get3A_990, %broadcast_in_dim3A_900 : vector<16xf32>
        %add3A_992 = arith.constant 5 : i32
        %add3A_993 = arith.addi %mul3A_326, %add3A_992 : i32
        %swap3A_994 = arith.index_cast %add3A_993 : i32 to index
        %swap3A_995 = arith.constant 96 : index
        %swap3A_996 = tpu.vector_load %arg16[%swap3A_994, %swap3A_995] {strides = array<i32>} : memref<256x128xf32, #tpu.memory_space<vmem>>, vector<1x16xf32>,
        %swap3A_997 = vector.shape_cast %swap3A_996 : vector<1x16xf32> to vector<16xf32>
        %swap3A_998 = vector.shape_cast %mul3A_991 : vector<16xf32> to vector<1x16xf32>
        tpu.vector_store %arg16[%swap3A_994, %swap3A_995], %swap3A_998 {strides = array<i32>} : memref<256x128xf32, #tpu.memory_space<vmem>>, vector<1x16xf32>,
        %add3A_999 = arith.constant 5 : i32
        %add3A_1000 = arith.addi %mul3A_326, %add3A_999 : i32
        %get3A_1001 = arith.index_cast %add3A_1000 : i32 to index
        %get3A_1002 = arith.constant 112 : index
        %get3A_1003 = tpu.vector_load %arg16[%get3A_1001, %get3A_1002] {strides = array<i32>} : memref<256x128xf32, #tpu.memory_space<vmem>>, vector<1x16xf32>,
        %get3A_1004 = vector.shape_cast %get3A_1003 : vector<1x16xf32> to vector<16xf32>
        %mul3A_1005 = arith.mulf %get3A_1004, %broadcast_in_dim3A_900 : vector<16xf32>
        %add3A_1006 = arith.constant 5 : i32
        %add3A_1007 = arith.addi %mul3A_326, %add3A_1006 : i32
        %swap3A_1008 = arith.index_cast %add3A_1007 : i32 to index
        %swap3A_1009 = arith.constant 112 : index
        %swap3A_1010 = tpu.vector_load %arg16[%swap3A_1008, %swap3A_1009] {strides = array<i32>} : memref<256x128xf32, #tpu.memory_space<vmem>>, vector<1x16xf32>,
        %swap3A_1011 = vector.shape_cast %swap3A_1010 : vector<1x16xf32> to vector<16xf32>
        %swap3A_1012 = vector.shape_cast %mul3A_1005 : vector<16xf32> to vector<1x16xf32>
        tpu.vector_store %arg16[%swap3A_1008, %swap3A_1009], %swap3A_1012 {strides = array<i32>} : memref<256x128xf32, #tpu.memory_space<vmem>>, vector<1x16xf32>,
        %slice3A_1013 = vector.extract_strided_slice %get3A_324 {offsets = [6], sizes = [1], strides = [1]} : vector<16xf32> to vector<1xf32>
        %squeeze3A_1014 = vector.extract %slice3A_1013[0] : f32 from vector<1xf32>
        %broadcast_in_dim3A_1015 = vector.broadcast %squeeze3A_1014 : f32 to vector<16xf32>
        %add3A_1016 = arith.constant 6 : i32
        %add3A_1017 = arith.addi %mul3A_326, %add3A_1016 : i32
        %get3A_1018 = arith.index_cast %add3A_1017 : i32 to index
        %get3A_1019 = arith.constant 0 : index
        %get3A_1020 = tpu.vector_load %arg16[%get3A_1018, %get3A_1019] {strides = array<i32>} : memref<256x128xf32, #tpu.memory_space<vmem>>, vector<1x16xf32>,
        %get3A_1021 = vector.shape_cast %get3A_1020 : vector<1x16xf32> to vector<16xf32>
        %mul3A_1022 = arith.mulf %get3A_1021, %broadcast_in_dim3A_1015 : vector<16xf32>
        %add3A_1023 = arith.constant 6 : i32
        %add3A_1024 = arith.addi %mul3A_326, %add3A_1023 : i32
        %swap3A_1025 = arith.index_cast %add3A_1024 : i32 to index
        %swap3A_1026 = arith.constant 0 : index
        %swap3A_1027 = tpu.vector_load %arg16[%swap3A_1025, %swap3A_1026] {strides = array<i32>} : memref<256x128xf32, #tpu.memory_space<vmem>>, vector<1x16xf32>,
        %swap3A_1028 = vector.shape_cast %swap3A_1027 : vector<1x16xf32> to vector<16xf32>
        %swap3A_1029 = vector.shape_cast %mul3A_1022 : vector<16xf32> to vector<1x16xf32>
        tpu.vector_store %arg16[%swap3A_1025, %swap3A_1026], %swap3A_1029 {strides = array<i32>} : memref<256x128xf32, #tpu.memory_space<vmem>>, vector<1x16xf32>,
        %add3A_1030 = arith.constant 6 : i32
        %add3A_1031 = arith.addi %mul3A_326, %add3A_1030 : i32
        %get3A_1032 = arith.index_cast %add3A_1031 : i32 to index
        %get3A_1033 = arith.constant 16 : index
        %get3A_1034 = tpu.vector_load %arg16[%get3A_1032, %get3A_1033] {strides = array<i32>} : memref<256x128xf32, #tpu.memory_space<vmem>>, vector<1x16xf32>,
        %get3A_1035 = vector.shape_cast %get3A_1034 : vector<1x16xf32> to vector<16xf32>
        %mul3A_1036 = arith.mulf %get3A_1035, %broadcast_in_dim3A_1015 : vector<16xf32>
        %add3A_1037 = arith.constant 6 : i32
        %add3A_1038 = arith.addi %mul3A_326, %add3A_1037 : i32
        %swap3A_1039 = arith.index_cast %add3A_1038 : i32 to index
        %swap3A_1040 = arith.constant 16 : index
        %swap3A_1041 = tpu.vector_load %arg16[%swap3A_1039, %swap3A_1040] {strides = array<i32>} : memref<256x128xf32, #tpu.memory_space<vmem>>, vector<1x16xf32>,
        %swap3A_1042 = vector.shape_cast %swap3A_1041 : vector<1x16xf32> to vector<16xf32>
        %swap3A_1043 = vector.shape_cast %mul3A_1036 : vector<16xf32> to vector<1x16xf32>
        tpu.vector_store %arg16[%swap3A_1039, %swap3A_1040], %swap3A_1043 {strides = array<i32>} : memref<256x128xf32, #tpu.memory_space<vmem>>, vector<1x16xf32>,
        %add3A_1044 = arith.constant 6 : i32
        %add3A_1045 = arith.addi %mul3A_326, %add3A_1044 : i32
        %get3A_1046 = arith.index_cast %add3A_1045 : i32 to index
        %get3A_1047 = arith.constant 32 : index
        %get3A_1048 = tpu.vector_load %arg16[%get3A_1046, %get3A_1047] {strides = array<i32>} : memref<256x128xf32, #tpu.memory_space<vmem>>, vector<1x16xf32>,
        %get3A_1049 = vector.shape_cast %get3A_1048 : vector<1x16xf32> to vector<16xf32>
        %mul3A_1050 = arith.mulf %get3A_1049, %broadcast_in_dim3A_1015 : vector<16xf32>
        %add3A_1051 = arith.constant 6 : i32
        %add3A_1052 = arith.addi %mul3A_326, %add3A_1051 : i32
        %swap3A_1053 = arith.index_cast %add3A_1052 : i32 to index
        %swap3A_1054 = arith.constant 32 : index
        %swap3A_1055 = tpu.vector_load %arg16[%swap3A_1053, %swap3A_1054] {strides = array<i32>} : memref<256x128xf32, #tpu.memory_space<vmem>>, vector<1x16xf32>,
        %swap3A_1056 = vector.shape_cast %swap3A_1055 : vector<1x16xf32> to vector<16xf32>
        %swap3A_1057 = vector.shape_cast %mul3A_1050 : vector<16xf32> to vector<1x16xf32>
        tpu.vector_store %arg16[%swap3A_1053, %swap3A_1054], %swap3A_1057 {strides = array<i32>} : memref<256x128xf32, #tpu.memory_space<vmem>>, vector<1x16xf32>,
        %add3A_1058 = arith.constant 6 : i32
        %add3A_1059 = arith.addi %mul3A_326, %add3A_1058 : i32
        %get3A_1060 = arith.index_cast %add3A_1059 : i32 to index
        %get3A_1061 = arith.constant 48 : index
        %get3A_1062 = tpu.vector_load %arg16[%get3A_1060, %get3A_1061] {strides = array<i32>} : memref<256x128xf32, #tpu.memory_space<vmem>>, vector<1x16xf32>,
        %get3A_1063 = vector.shape_cast %get3A_1062 : vector<1x16xf32> to vector<16xf32>
        %mul3A_1064 = arith.mulf %get3A_1063, %broadcast_in_dim3A_1015 : vector<16xf32>
        %add3A_1065 = arith.constant 6 : i32
        %add3A_1066 = arith.addi %mul3A_326, %add3A_1065 : i32
        %swap3A_1067 = arith.index_cast %add3A_1066 : i32 to index
        %swap3A_1068 = arith.constant 48 : index
        %swap3A_1069 = tpu.vector_load %arg16[%swap3A_1067, %swap3A_1068] {strides = array<i32>} : memref<256x128xf32, #tpu.memory_space<vmem>>, vector<1x16xf32>,
        %swap3A_1070 = vector.shape_cast %swap3A_1069 : vector<1x16xf32> to vector<16xf32>
        %swap3A_1071 = vector.shape_cast %mul3A_1064 : vector<16xf32> to vector<1x16xf32>
        tpu.vector_store %arg16[%swap3A_1067, %swap3A_1068], %swap3A_1071 {strides = array<i32>} : memref<256x128xf32, #tpu.memory_space<vmem>>, vector<1x16xf32>,
        %add3A_1072 = arith.constant 6 : i32
        %add3A_1073 = arith.addi %mul3A_326, %add3A_1072 : i32
        %get3A_1074 = arith.index_cast %add3A_1073 : i32 to index
        %get3A_1075 = arith.constant 64 : index
        %get3A_1076 = tpu.vector_load %arg16[%get3A_1074, %get3A_1075] {strides = array<i32>} : memref<256x128xf32, #tpu.memory_space<vmem>>, vector<1x16xf32>,
        %get3A_1077 = vector.shape_cast %get3A_1076 : vector<1x16xf32> to vector<16xf32>
        %mul3A_1078 = arith.mulf %get3A_1077, %broadcast_in_dim3A_1015 : vector<16xf32>
        %add3A_1079 = arith.constant 6 : i32
        %add3A_1080 = arith.addi %mul3A_326, %add3A_1079 : i32
        %swap3A_1081 = arith.index_cast %add3A_1080 : i32 to index
        %swap3A_1082 = arith.constant 64 : index
        %swap3A_1083 = tpu.vector_load %arg16[%swap3A_1081, %swap3A_1082] {strides = array<i32>} : memref<256x128xf32, #tpu.memory_space<vmem>>, vector<1x16xf32>,
        %swap3A_1084 = vector.shape_cast %swap3A_1083 : vector<1x16xf32> to vector<16xf32>
        %swap3A_1085 = vector.shape_cast %mul3A_1078 : vector<16xf32> to vector<1x16xf32>
        tpu.vector_store %arg16[%swap3A_1081, %swap3A_1082], %swap3A_1085 {strides = array<i32>} : memref<256x128xf32, #tpu.memory_space<vmem>>, vector<1x16xf32>,
        %add3A_1086 = arith.constant 6 : i32
        %add3A_1087 = arith.addi %mul3A_326, %add3A_1086 : i32
        %get3A_1088 = arith.index_cast %add3A_1087 : i32 to index
        %get3A_1089 = arith.constant 80 : index
        %get3A_1090 = tpu.vector_load %arg16[%get3A_1088, %get3A_1089] {strides = array<i32>} : memref<256x128xf32, #tpu.memory_space<vmem>>, vector<1x16xf32>,
        %get3A_1091 = vector.shape_cast %get3A_1090 : vector<1x16xf32> to vector<16xf32>
        %mul3A_1092 = arith.mulf %get3A_1091, %broadcast_in_dim3A_1015 : vector<16xf32>
        %add3A_1093 = arith.constant 6 : i32
        %add3A_1094 = arith.addi %mul3A_326, %add3A_1093 : i32
        %swap3A_1095 = arith.index_cast %add3A_1094 : i32 to index
        %swap3A_1096 = arith.constant 80 : index
        %swap3A_1097 = tpu.vector_load %arg16[%swap3A_1095, %swap3A_1096] {strides = array<i32>} : memref<256x128xf32, #tpu.memory_space<vmem>>, vector<1x16xf32>,
        %swap3A_1098 = vector.shape_cast %swap3A_1097 : vector<1x16xf32> to vector<16xf32>
        %swap3A_1099 = vector.shape_cast %mul3A_1092 : vector<16xf32> to vector<1x16xf32>
        tpu.vector_store %arg16[%swap3A_1095, %swap3A_1096], %swap3A_1099 {strides = array<i32>} : memref<256x128xf32, #tpu.memory_space<vmem>>, vector<1x16xf32>,
        %add3A_1100 = arith.constant 6 : i32
        %add3A_1101 = arith.addi %mul3A_326, %add3A_1100 : i32
        %get3A_1102 = arith.index_cast %add3A_1101 : i32 to index
        %get3A_1103 = arith.constant 96 : index
        %get3A_1104 = tpu.vector_load %arg16[%get3A_1102, %get3A_1103] {strides = array<i32>} : memref<256x128xf32, #tpu.memory_space<vmem>>, vector<1x16xf32>,
        %get3A_1105 = vector.shape_cast %get3A_1104 : vector<1x16xf32> to vector<16xf32>
        %mul3A_1106 = arith.mulf %get3A_1105, %broadcast_in_dim3A_1015 : vector<16xf32>
        %add3A_1107 = arith.constant 6 : i32
        %add3A_1108 = arith.addi %mul3A_326, %add3A_1107 : i32
        %swap3A_1109 = arith.index_cast %add3A_1108 : i32 to index
        %swap3A_1110 = arith.constant 96 : index
        %swap3A_1111 = tpu.vector_load %arg16[%swap3A_1109, %swap3A_1110] {strides = array<i32>} : memref<256x128xf32, #tpu.memory_space<vmem>>, vector<1x16xf32>,
        %swap3A_1112 = vector.shape_cast %swap3A_1111 : vector<1x16xf32> to vector<16xf32>
        %swap3A_1113 = vector.shape_cast %mul3A_1106 : vector<16xf32> to vector<1x16xf32>
        tpu.vector_store %arg16[%swap3A_1109, %swap3A_1110], %swap3A_1113 {strides = array<i32>} : memref<256x128xf32, #tpu.memory_space<vmem>>, vector<1x16xf32>,
        %add3A_1114 = arith.constant 6 : i32
        %add3A_1115 = arith.addi %mul3A_326, %add3A_1114 : i32
        %get3A_1116 = arith.index_cast %add3A_1115 : i32 to index
        %get3A_1117 = arith.constant 112 : index
        %get3A_1118 = tpu.vector_load %arg16[%get3A_1116, %get3A_1117] {strides = array<i32>} : memref<256x128xf32, #tpu.memory_space<vmem>>, vector<1x16xf32>,
        %get3A_1119 = vector.shape_cast %get3A_1118 : vector<1x16xf32> to vector<16xf32>
        %mul3A_1120 = arith.mulf %get3A_1119, %broadcast_in_dim3A_1015 : vector<16xf32>
        %add3A_1121 = arith.constant 6 : i32
        %add3A_1122 = arith.addi %mul3A_326, %add3A_1121 : i32
        %swap3A_1123 = arith.index_cast %add3A_1122 : i32 to index
        %swap3A_1124 = arith.constant 112 : index
        %swap3A_1125 = tpu.vector_load %arg16[%swap3A_1123, %swap3A_1124] {strides = array<i32>} : memref<256x128xf32, #tpu.memory_space<vmem>>, vector<1x16xf32>,
        %swap3A_1126 = vector.shape_cast %swap3A_1125 : vector<1x16xf32> to vector<16xf32>
        %swap3A_1127 = vector.shape_cast %mul3A_1120 : vector<16xf32> to vector<1x16xf32>
        tpu.vector_store %arg16[%swap3A_1123, %swap3A_1124], %swap3A_1127 {strides = array<i32>} : memref<256x128xf32, #tpu.memory_space<vmem>>, vector<1x16xf32>,
        %slice3A_1128 = vector.extract_strided_slice %get3A_324 {offsets = [7], sizes = [1], strides = [1]} : vector<16xf32> to vector<1xf32>
        %squeeze3A_1129 = vector.extract %slice3A_1128[0] : f32 from vector<1xf32>
        %broadcast_in_dim3A_1130 = vector.broadcast %squeeze3A_1129 : f32 to vector<16xf32>
        %add3A_1131 = arith.constant 7 : i32
        %add3A_1132 = arith.addi %mul3A_326, %add3A_1131 : i32
        %get3A_1133 = arith.index_cast %add3A_1132 : i32 to index
        %get3A_1134 = arith.constant 0 : index
        %get3A_1135 = tpu.vector_load %arg16[%get3A_1133, %get3A_1134] {strides = array<i32>} : memref<256x128xf32, #tpu.memory_space<vmem>>, vector<1x16xf32>,
        %get3A_1136 = vector.shape_cast %get3A_1135 : vector<1x16xf32> to vector<16xf32>
        %mul3A_1137 = arith.mulf %get3A_1136, %broadcast_in_dim3A_1130 : vector<16xf32>
        %add3A_1138 = arith.constant 7 : i32
        %add3A_1139 = arith.addi %mul3A_326, %add3A_1138 : i32
        %swap3A_1140 = arith.index_cast %add3A_1139 : i32 to index
        %swap3A_1141 = arith.constant 0 : index
        %swap3A_1142 = tpu.vector_load %arg16[%swap3A_1140, %swap3A_1141] {strides = array<i32>} : memref<256x128xf32, #tpu.memory_space<vmem>>, vector<1x16xf32>,
        %swap3A_1143 = vector.shape_cast %swap3A_1142 : vector<1x16xf32> to vector<16xf32>
        %swap3A_1144 = vector.shape_cast %mul3A_1137 : vector<16xf32> to vector<1x16xf32>
        tpu.vector_store %arg16[%swap3A_1140, %swap3A_1141], %swap3A_1144 {strides = array<i32>} : memref<256x128xf32, #tpu.memory_space<vmem>>, vector<1x16xf32>,
        %add3A_1145 = arith.constant 7 : i32
        %add3A_1146 = arith.addi %mul3A_326, %add3A_1145 : i32
        %get3A_1147 = arith.index_cast %add3A_1146 : i32 to index
        %get3A_1148 = arith.constant 16 : index
        %get3A_1149 = tpu.vector_load %arg16[%get3A_1147, %get3A_1148] {strides = array<i32>} : memref<256x128xf32, #tpu.memory_space<vmem>>, vector<1x16xf32>,
        %get3A_1150 = vector.shape_cast %get3A_1149 : vector<1x16xf32> to vector<16xf32>
        %mul3A_1151 = arith.mulf %get3A_1150, %broadcast_in_dim3A_1130 : vector<16xf32>
        %add3A_1152 = arith.constant 7 : i32
        %add3A_1153 = arith.addi %mul3A_326, %add3A_1152 : i32
        %swap3A_1154 = arith.index_cast %add3A_1153 : i32 to index
        %swap3A_1155 = arith.constant 16 : index
        %swap3A_1156 = tpu.vector_load %arg16[%swap3A_1154, %swap3A_1155] {strides = array<i32>} : memref<256x128xf32, #tpu.memory_space<vmem>>, vector<1x16xf32>,
        %swap3A_1157 = vector.shape_cast %swap3A_1156 : vector<1x16xf32> to vector<16xf32>
        %swap3A_1158 = vector.shape_cast %mul3A_1151 : vector<16xf32> to vector<1x16xf32>
        tpu.vector_store %arg16[%swap3A_1154, %swap3A_1155], %swap3A_1158 {strides = array<i32>} : memref<256x128xf32, #tpu.memory_space<vmem>>, vector<1x16xf32>,
        %add3A_1159 = arith.constant 7 : i32
        %add3A_1160 = arith.addi %mul3A_326, %add3A_1159 : i32
        %get3A_1161 = arith.index_cast %add3A_1160 : i32 to index
        %get3A_1162 = arith.constant 32 : index
        %get3A_1163 = tpu.vector_load %arg16[%get3A_1161, %get3A_1162] {strides = array<i32>} : memref<256x128xf32, #tpu.memory_space<vmem>>, vector<1x16xf32>,
        %get3A_1164 = vector.shape_cast %get3A_1163 : vector<1x16xf32> to vector<16xf32>
        %mul3A_1165 = arith.mulf %get3A_1164, %broadcast_in_dim3A_1130 : vector<16xf32>
        %add3A_1166 = arith.constant 7 : i32
        %add3A_1167 = arith.addi %mul3A_326, %add3A_1166 : i32
        %swap3A_1168 = arith.index_cast %add3A_1167 : i32 to index
        %swap3A_1169 = arith.constant 32 : index
        %swap3A_1170 = tpu.vector_load %arg16[%swap3A_1168, %swap3A_1169] {strides = array<i32>} : memref<256x128xf32, #tpu.memory_space<vmem>>, vector<1x16xf32>,
        %swap3A_1171 = vector.shape_cast %swap3A_1170 : vector<1x16xf32> to vector<16xf32>
        %swap3A_1172 = vector.shape_cast %mul3A_1165 : vector<16xf32> to vector<1x16xf32>
        tpu.vector_store %arg16[%swap3A_1168, %swap3A_1169], %swap3A_1172 {strides = array<i32>} : memref<256x128xf32, #tpu.memory_space<vmem>>, vector<1x16xf32>,
        %add3A_1173 = arith.constant 7 : i32
        %add3A_1174 = arith.addi %mul3A_326, %add3A_1173 : i32
        %get3A_1175 = arith.index_cast %add3A_1174 : i32 to index
        %get3A_1176 = arith.constant 48 : index
        %get3A_1177 = tpu.vector_load %arg16[%get3A_1175, %get3A_1176] {strides = array<i32>} : memref<256x128xf32, #tpu.memory_space<vmem>>, vector<1x16xf32>,
        %get3A_1178 = vector.shape_cast %get3A_1177 : vector<1x16xf32> to vector<16xf32>
        %mul3A_1179 = arith.mulf %get3A_1178, %broadcast_in_dim3A_1130 : vector<16xf32>
        %add3A_1180 = arith.constant 7 : i32
        %add3A_1181 = arith.addi %mul3A_326, %add3A_1180 : i32
        %swap3A_1182 = arith.index_cast %add3A_1181 : i32 to index
        %swap3A_1183 = arith.constant 48 : index
        %swap3A_1184 = tpu.vector_load %arg16[%swap3A_1182, %swap3A_1183] {strides = array<i32>} : memref<256x128xf32, #tpu.memory_space<vmem>>, vector<1x16xf32>,
        %swap3A_1185 = vector.shape_cast %swap3A_1184 : vector<1x16xf32> to vector<16xf32>
        %swap3A_1186 = vector.shape_cast %mul3A_1179 : vector<16xf32> to vector<1x16xf32>
        tpu.vector_store %arg16[%swap3A_1182, %swap3A_1183], %swap3A_1186 {strides = array<i32>} : memref<256x128xf32, #tpu.memory_space<vmem>>, vector<1x16xf32>,
        %add3A_1187 = arith.constant 7 : i32
        %add3A_1188 = arith.addi %mul3A_326, %add3A_1187 : i32
        %get3A_1189 = arith.index_cast %add3A_1188 : i32 to index
        %get3A_1190 = arith.constant 64 : index
        %get3A_1191 = tpu.vector_load %arg16[%get3A_1189, %get3A_1190] {strides = array<i32>} : memref<256x128xf32, #tpu.memory_space<vmem>>, vector<1x16xf32>,
        %get3A_1192 = vector.shape_cast %get3A_1191 : vector<1x16xf32> to vector<16xf32>
        %mul3A_1193 = arith.mulf %get3A_1192, %broadcast_in_dim3A_1130 : vector<16xf32>
        %add3A_1194 = arith.constant 7 : i32
        %add3A_1195 = arith.addi %mul3A_326, %add3A_1194 : i32
        %swap3A_1196 = arith.index_cast %add3A_1195 : i32 to index
        %swap3A_1197 = arith.constant 64 : index
        %swap3A_1198 = tpu.vector_load %arg16[%swap3A_1196, %swap3A_1197] {strides = array<i32>} : memref<256x128xf32, #tpu.memory_space<vmem>>, vector<1x16xf32>,
        %swap3A_1199 = vector.shape_cast %swap3A_1198 : vector<1x16xf32> to vector<16xf32>
        %swap3A_1200 = vector.shape_cast %mul3A_1193 : vector<16xf32> to vector<1x16xf32>
        tpu.vector_store %arg16[%swap3A_1196, %swap3A_1197], %swap3A_1200 {strides = array<i32>} : memref<256x128xf32, #tpu.memory_space<vmem>>, vector<1x16xf32>,
        %add3A_1201 = arith.constant 7 : i32
        %add3A_1202 = arith.addi %mul3A_326, %add3A_1201 : i32
        %get3A_1203 = arith.index_cast %add3A_1202 : i32 to index
        %get3A_1204 = arith.constant 80 : index
        %get3A_1205 = tpu.vector_load %arg16[%get3A_1203, %get3A_1204] {strides = array<i32>} : memref<256x128xf32, #tpu.memory_space<vmem>>, vector<1x16xf32>,
        %get3A_1206 = vector.shape_cast %get3A_1205 : vector<1x16xf32> to vector<16xf32>
        %mul3A_1207 = arith.mulf %get3A_1206, %broadcast_in_dim3A_1130 : vector<16xf32>
        %add3A_1208 = arith.constant 7 : i32
        %add3A_1209 = arith.addi %mul3A_326, %add3A_1208 : i32
        %swap3A_1210 = arith.index_cast %add3A_1209 : i32 to index
        %swap3A_1211 = arith.constant 80 : index
        %swap3A_1212 = tpu.vector_load %arg16[%swap3A_1210, %swap3A_1211] {strides = array<i32>} : memref<256x128xf32, #tpu.memory_space<vmem>>, vector<1x16xf32>,
        %swap3A_1213 = vector.shape_cast %swap3A_1212 : vector<1x16xf32> to vector<16xf32>
        %swap3A_1214 = vector.shape_cast %mul3A_1207 : vector<16xf32> to vector<1x16xf32>
        tpu.vector_store %arg16[%swap3A_1210, %swap3A_1211], %swap3A_1214 {strides = array<i32>} : memref<256x128xf32, #tpu.memory_space<vmem>>, vector<1x16xf32>,
        %add3A_1215 = arith.constant 7 : i32
        %add3A_1216 = arith.addi %mul3A_326, %add3A_1215 : i32
        %get3A_1217 = arith.index_cast %add3A_1216 : i32 to index
        %get3A_1218 = arith.constant 96 : index
        %get3A_1219 = tpu.vector_load %arg16[%get3A_1217, %get3A_1218] {strides = array<i32>} : memref<256x128xf32, #tpu.memory_space<vmem>>, vector<1x16xf32>,
        %get3A_1220 = vector.shape_cast %get3A_1219 : vector<1x16xf32> to vector<16xf32>
        %mul3A_1221 = arith.mulf %get3A_1220, %broadcast_in_dim3A_1130 : vector<16xf32>
        %add3A_1222 = arith.constant 7 : i32
        %add3A_1223 = arith.addi %mul3A_326, %add3A_1222 : i32
        %swap3A_1224 = arith.index_cast %add3A_1223 : i32 to index
        %swap3A_1225 = arith.constant 96 : index
        %swap3A_1226 = tpu.vector_load %arg16[%swap3A_1224, %swap3A_1225] {strides = array<i32>} : memref<256x128xf32, #tpu.memory_space<vmem>>, vector<1x16xf32>,
        %swap3A_1227 = vector.shape_cast %swap3A_1226 : vector<1x16xf32> to vector<16xf32>
        %swap3A_1228 = vector.shape_cast %mul3A_1221 : vector<16xf32> to vector<1x16xf32>
        tpu.vector_store %arg16[%swap3A_1224, %swap3A_1225], %swap3A_1228 {strides = array<i32>} : memref<256x128xf32, #tpu.memory_space<vmem>>, vector<1x16xf32>,
        %add3A_1229 = arith.constant 7 : i32
        %add3A_1230 = arith.addi %mul3A_326, %add3A_1229 : i32
        %get3A_1231 = arith.index_cast %add3A_1230 : i32 to index
        %get3A_1232 = arith.constant 112 : index
        %get3A_1233 = tpu.vector_load %arg16[%get3A_1231, %get3A_1232] {strides = array<i32>} : memref<256x128xf32, #tpu.memory_space<vmem>>, vector<1x16xf32>,
        %get3A_1234 = vector.shape_cast %get3A_1233 : vector<1x16xf32> to vector<16xf32>
        %mul3A_1235 = arith.mulf %get3A_1234, %broadcast_in_dim3A_1130 : vector<16xf32>
        %add3A_1236 = arith.constant 7 : i32
        %add3A_1237 = arith.addi %mul3A_326, %add3A_1236 : i32
        %swap3A_1238 = arith.index_cast %add3A_1237 : i32 to index
        %swap3A_1239 = arith.constant 112 : index
        %swap3A_1240 = tpu.vector_load %arg16[%swap3A_1238, %swap3A_1239] {strides = array<i32>} : memref<256x128xf32, #tpu.memory_space<vmem>>, vector<1x16xf32>,
        %swap3A_1241 = vector.shape_cast %swap3A_1240 : vector<1x16xf32> to vector<16xf32>
        %swap3A_1242 = vector.shape_cast %mul3A_1235 : vector<16xf32> to vector<1x16xf32>
        tpu.vector_store %arg16[%swap3A_1238, %swap3A_1239], %swap3A_1242 {strides = array<i32>} : memref<256x128xf32, #tpu.memory_space<vmem>>, vector<1x16xf32>,
        %slice3A_1243 = vector.extract_strided_slice %get3A_324 {offsets = [8], sizes = [1], strides = [1]} : vector<16xf32> to vector<1xf32>
        %squeeze3A_1244 = vector.extract %slice3A_1243[0] : f32 from vector<1xf32>
        %broadcast_in_dim3A_1245 = vector.broadcast %squeeze3A_1244 : f32 to vector<16xf32>
        %add3A_1246 = arith.constant 8 : i32
        %add3A_1247 = arith.addi %mul3A_326, %add3A_1246 : i32
        %get3A_1248 = arith.index_cast %add3A_1247 : i32 to index
        %get3A_1249 = arith.constant 0 : index
        %get3A_1250 = tpu.vector_load %arg16[%get3A_1248, %get3A_1249] {strides = array<i32>} : memref<256x128xf32, #tpu.memory_space<vmem>>, vector<1x16xf32>,
        %get3A_1251 = vector.shape_cast %get3A_1250 : vector<1x16xf32> to vector<16xf32>
        %mul3A_1252 = arith.mulf %get3A_1251, %broadcast_in_dim3A_1245 : vector<16xf32>
        %add3A_1253 = arith.constant 8 : i32
        %add3A_1254 = arith.addi %mul3A_326, %add3A_1253 : i32
        %swap3A_1255 = arith.index_cast %add3A_1254 : i32 to index
        %swap3A_1256 = arith.constant 0 : index
        %swap3A_1257 = tpu.vector_load %arg16[%swap3A_1255, %swap3A_1256] {strides = array<i32>} : memref<256x128xf32, #tpu.memory_space<vmem>>, vector<1x16xf32>,
        %swap3A_1258 = vector.shape_cast %swap3A_1257 : vector<1x16xf32> to vector<16xf32>
        %swap3A_1259 = vector.shape_cast %mul3A_1252 : vector<16xf32> to vector<1x16xf32>
        tpu.vector_store %arg16[%swap3A_1255, %swap3A_1256], %swap3A_1259 {strides = array<i32>} : memref<256x128xf32, #tpu.memory_space<vmem>>, vector<1x16xf32>,
        %add3A_1260 = arith.constant 8 : i32
        %add3A_1261 = arith.addi %mul3A_326, %add3A_1260 : i32
        %get3A_1262 = arith.index_cast %add3A_1261 : i32 to index
        %get3A_1263 = arith.constant 16 : index
        %get3A_1264 = tpu.vector_load %arg16[%get3A_1262, %get3A_1263] {strides = array<i32>} : memref<256x128xf32, #tpu.memory_space<vmem>>, vector<1x16xf32>,
        %get3A_1265 = vector.shape_cast %get3A_1264 : vector<1x16xf32> to vector<16xf32>
        %mul3A_1266 = arith.mulf %get3A_1265, %broadcast_in_dim3A_1245 : vector<16xf32>
        %add3A_1267 = arith.constant 8 : i32
        %add3A_1268 = arith.addi %mul3A_326, %add3A_1267 : i32
        %swap3A_1269 = arith.index_cast %add3A_1268 : i32 to index
        %swap3A_1270 = arith.constant 16 : index
        %swap3A_1271 = tpu.vector_load %arg16[%swap3A_1269, %swap3A_1270] {strides = array<i32>} : memref<256x128xf32, #tpu.memory_space<vmem>>, vector<1x16xf32>,
        %swap3A_1272 = vector.shape_cast %swap3A_1271 : vector<1x16xf32> to vector<16xf32>
        %swap3A_1273 = vector.shape_cast %mul3A_1266 : vector<16xf32> to vector<1x16xf32>
        tpu.vector_store %arg16[%swap3A_1269, %swap3A_1270], %swap3A_1273 {strides = array<i32>} : memref<256x128xf32, #tpu.memory_space<vmem>>, vector<1x16xf32>,
        %add3A_1274 = arith.constant 8 : i32
        %add3A_1275 = arith.addi %mul3A_326, %add3A_1274 : i32
        %get3A_1276 = arith.index_cast %add3A_1275 : i32 to index
        %get3A_1277 = arith.constant 32 : index
        %get3A_1278 = tpu.vector_load %arg16[%get3A_1276, %get3A_1277] {strides = array<i32>} : memref<256x128xf32, #tpu.memory_space<vmem>>, vector<1x16xf32>,
        %get3A_1279 = vector.shape_cast %get3A_1278 : vector<1x16xf32> to vector<16xf32>
        %mul3A_1280 = arith.mulf %get3A_1279, %broadcast_in_dim3A_1245 : vector<16xf32>
        %add3A_1281 = arith.constant 8 : i32
        %add3A_1282 = arith.addi %mul3A_326, %add3A_1281 : i32
        %swap3A_1283 = arith.index_cast %add3A_1282 : i32 to index
        %swap3A_1284 = arith.constant 32 : index
        %swap3A_1285 = tpu.vector_load %arg16[%swap3A_1283, %swap3A_1284] {strides = array<i32>} : memref<256x128xf32, #tpu.memory_space<vmem>>, vector<1x16xf32>,
        %swap3A_1286 = vector.shape_cast %swap3A_1285 : vector<1x16xf32> to vector<16xf32>
        %swap3A_1287 = vector.shape_cast %mul3A_1280 : vector<16xf32> to vector<1x16xf32>
        tpu.vector_store %arg16[%swap3A_1283, %swap3A_1284], %swap3A_1287 {strides = array<i32>} : memref<256x128xf32, #tpu.memory_space<vmem>>, vector<1x16xf32>,
        %add3A_1288 = arith.constant 8 : i32
        %add3A_1289 = arith.addi %mul3A_326, %add3A_1288 : i32
        %get3A_1290 = arith.index_cast %add3A_1289 : i32 to index
        %get3A_1291 = arith.constant 48 : index
        %get3A_1292 = tpu.vector_load %arg16[%get3A_1290, %get3A_1291] {strides = array<i32>} : memref<256x128xf32, #tpu.memory_space<vmem>>, vector<1x16xf32>,
        %get3A_1293 = vector.shape_cast %get3A_1292 : vector<1x16xf32> to vector<16xf32>
        %mul3A_1294 = arith.mulf %get3A_1293, %broadcast_in_dim3A_1245 : vector<16xf32>
        %add3A_1295 = arith.constant 8 : i32
        %add3A_1296 = arith.addi %mul3A_326, %add3A_1295 : i32
        %swap3A_1297 = arith.index_cast %add3A_1296 : i32 to index
        %swap3A_1298 = arith.constant 48 : index
        %swap3A_1299 = tpu.vector_load %arg16[%swap3A_1297, %swap3A_1298] {strides = array<i32>} : memref<256x128xf32, #tpu.memory_space<vmem>>, vector<1x16xf32>,
        %swap3A_1300 = vector.shape_cast %swap3A_1299 : vector<1x16xf32> to vector<16xf32>
        %swap3A_1301 = vector.shape_cast %mul3A_1294 : vector<16xf32> to vector<1x16xf32>
        tpu.vector_store %arg16[%swap3A_1297, %swap3A_1298], %swap3A_1301 {strides = array<i32>} : memref<256x128xf32, #tpu.memory_space<vmem>>, vector<1x16xf32>,
        %add3A_1302 = arith.constant 8 : i32
        %add3A_1303 = arith.addi %mul3A_326, %add3A_1302 : i32
        %get3A_1304 = arith.index_cast %add3A_1303 : i32 to index
        %get3A_1305 = arith.constant 64 : index
        %get3A_1306 = tpu.vector_load %arg16[%get3A_1304, %get3A_1305] {strides = array<i32>} : memref<256x128xf32, #tpu.memory_space<vmem>>, vector<1x16xf32>,
        %get3A_1307 = vector.shape_cast %get3A_1306 : vector<1x16xf32> to vector<16xf32>
        %mul3A_1308 = arith.mulf %get3A_1307, %broadcast_in_dim3A_1245 : vector<16xf32>
        %add3A_1309 = arith.constant 8 : i32
        %add3A_1310 = arith.addi %mul3A_326, %add3A_1309 : i32
        %swap3A_1311 = arith.index_cast %add3A_1310 : i32 to index
        %swap3A_1312 = arith.constant 64 : index
        %swap3A_1313 = tpu.vector_load %arg16[%swap3A_1311, %swap3A_1312] {strides = array<i32>} : memref<256x128xf32, #tpu.memory_space<vmem>>, vector<1x16xf32>,
        %swap3A_1314 = vector.shape_cast %swap3A_1313 : vector<1x16xf32> to vector<16xf32>
        %swap3A_1315 = vector.shape_cast %mul3A_1308 : vector<16xf32> to vector<1x16xf32>
        tpu.vector_store %arg16[%swap3A_1311, %swap3A_1312], %swap3A_1315 {strides = array<i32>} : memref<256x128xf32, #tpu.memory_space<vmem>>, vector<1x16xf32>,
        %add3A_1316 = arith.constant 8 : i32
        %add3A_1317 = arith.addi %mul3A_326, %add3A_1316 : i32
        %get3A_1318 = arith.index_cast %add3A_1317 : i32 to index
        %get3A_1319 = arith.constant 80 : index
        %get3A_1320 = tpu.vector_load %arg16[%get3A_1318, %get3A_1319] {strides = array<i32>} : memref<256x128xf32, #tpu.memory_space<vmem>>, vector<1x16xf32>,
        %get3A_1321 = vector.shape_cast %get3A_1320 : vector<1x16xf32> to vector<16xf32>
        %mul3A_1322 = arith.mulf %get3A_1321, %broadcast_in_dim3A_1245 : vector<16xf32>
        %add3A_1323 = arith.constant 8 : i32
        %add3A_1324 = arith.addi %mul3A_326, %add3A_1323 : i32
        %swap3A_1325 = arith.index_cast %add3A_1324 : i32 to index
        %swap3A_1326 = arith.constant 80 : index
        %swap3A_1327 = tpu.vector_load %arg16[%swap3A_1325, %swap3A_1326] {strides = array<i32>} : memref<256x128xf32, #tpu.memory_space<vmem>>, vector<1x16xf32>,
        %swap3A_1328 = vector.shape_cast %swap3A_1327 : vector<1x16xf32> to vector<16xf32>
        %swap3A_1329 = vector.shape_cast %mul3A_1322 : vector<16xf32> to vector<1x16xf32>
        tpu.vector_store %arg16[%swap3A_1325, %swap3A_1326], %swap3A_1329 {strides = array<i32>} : memref<256x128xf32, #tpu.memory_space<vmem>>, vector<1x16xf32>,
        %add3A_1330 = arith.constant 8 : i32
        %add3A_1331 = arith.addi %mul3A_326, %add3A_1330 : i32
        %get3A_1332 = arith.index_cast %add3A_1331 : i32 to index
        %get3A_1333 = arith.constant 96 : index
        %get3A_1334 = tpu.vector_load %arg16[%get3A_1332, %get3A_1333] {strides = array<i32>} : memref<256x128xf32, #tpu.memory_space<vmem>>, vector<1x16xf32>,
        %get3A_1335 = vector.shape_cast %get3A_1334 : vector<1x16xf32> to vector<16xf32>
        %mul3A_1336 = arith.mulf %get3A_1335, %broadcast_in_dim3A_1245 : vector<16xf32>
        %add3A_1337 = arith.constant 8 : i32
        %add3A_1338 = arith.addi %mul3A_326, %add3A_1337 : i32
        %swap3A_1339 = arith.index_cast %add3A_1338 : i32 to index
        %swap3A_1340 = arith.constant 96 : index
        %swap3A_1341 = tpu.vector_load %arg16[%swap3A_1339, %swap3A_1340] {strides = array<i32>} : memref<256x128xf32, #tpu.memory_space<vmem>>, vector<1x16xf32>,
        %swap3A_1342 = vector.shape_cast %swap3A_1341 : vector<1x16xf32> to vector<16xf32>
        %swap3A_1343 = vector.shape_cast %mul3A_1336 : vector<16xf32> to vector<1x16xf32>
        tpu.vector_store %arg16[%swap3A_1339, %swap3A_1340], %swap3A_1343 {strides = array<i32>} : memref<256x128xf32, #tpu.memory_space<vmem>>, vector<1x16xf32>,
        %add3A_1344 = arith.constant 8 : i32
        %add3A_1345 = arith.addi %mul3A_326, %add3A_1344 : i32
        %get3A_1346 = arith.index_cast %add3A_1345 : i32 to index
        %get3A_1347 = arith.constant 112 : index
        %get3A_1348 = tpu.vector_load %arg16[%get3A_1346, %get3A_1347] {strides = array<i32>} : memref<256x128xf32, #tpu.memory_space<vmem>>, vector<1x16xf32>,
        %get3A_1349 = vector.shape_cast %get3A_1348 : vector<1x16xf32> to vector<16xf32>
        %mul3A_1350 = arith.mulf %get3A_1349, %broadcast_in_dim3A_1245 : vector<16xf32>
        %add3A_1351 = arith.constant 8 : i32
        %add3A_1352 = arith.addi %mul3A_326, %add3A_1351 : i32
        %swap3A_1353 = arith.index_cast %add3A_1352 : i32 to index
        %swap3A_1354 = arith.constant 112 : index
        %swap3A_1355 = tpu.vector_load %arg16[%swap3A_1353, %swap3A_1354] {strides = array<i32>} : memref<256x128xf32, #tpu.memory_space<vmem>>, vector<1x16xf32>,
        %swap3A_1356 = vector.shape_cast %swap3A_1355 : vector<1x16xf32> to vector<16xf32>
        %swap3A_1357 = vector.shape_cast %mul3A_1350 : vector<16xf32> to vector<1x16xf32>
        tpu.vector_store %arg16[%swap3A_1353, %swap3A_1354], %swap3A_1357 {strides = array<i32>} : memref<256x128xf32, #tpu.memory_space<vmem>>, vector<1x16xf32>,
        %slice3A_1358 = vector.extract_strided_slice %get3A_324 {offsets = [9], sizes = [1], strides = [1]} : vector<16xf32> to vector<1xf32>
        %squeeze3A_1359 = vector.extract %slice3A_1358[0] : f32 from vector<1xf32>
        %broadcast_in_dim3A_1360 = vector.broadcast %squeeze3A_1359 : f32 to vector<16xf32>
        %add3A_1361 = arith.constant 9 : i32
        %add3A_1362 = arith.addi %mul3A_326, %add3A_1361 : i32
        %get3A_1363 = arith.index_cast %add3A_1362 : i32 to index
        %get3A_1364 = arith.constant 0 : index
        %get3A_1365 = tpu.vector_load %arg16[%get3A_1363, %get3A_1364] {strides = array<i32>} : memref<256x128xf32, #tpu.memory_space<vmem>>, vector<1x16xf32>,
        %get3A_1366 = vector.shape_cast %get3A_1365 : vector<1x16xf32> to vector<16xf32>
        %mul3A_1367 = arith.mulf %get3A_1366, %broadcast_in_dim3A_1360 : vector<16xf32>
        %add3A_1368 = arith.constant 9 : i32
        %add3A_1369 = arith.addi %mul3A_326, %add3A_1368 : i32
        %swap3A_1370 = arith.index_cast %add3A_1369 : i32 to index
        %swap3A_1371 = arith.constant 0 : index
        %swap3A_1372 = tpu.vector_load %arg16[%swap3A_1370, %swap3A_1371] {strides = array<i32>} : memref<256x128xf32, #tpu.memory_space<vmem>>, vector<1x16xf32>,
        %swap3A_1373 = vector.shape_cast %swap3A_1372 : vector<1x16xf32> to vector<16xf32>
        %swap3A_1374 = vector.shape_cast %mul3A_1367 : vector<16xf32> to vector<1x16xf32>
        tpu.vector_store %arg16[%swap3A_1370, %swap3A_1371], %swap3A_1374 {strides = array<i32>} : memref<256x128xf32, #tpu.memory_space<vmem>>, vector<1x16xf32>,
        %add3A_1375 = arith.constant 9 : i32
        %add3A_1376 = arith.addi %mul3A_326, %add3A_1375 : i32
        %get3A_1377 = arith.index_cast %add3A_1376 : i32 to index
        %get3A_1378 = arith.constant 16 : index
        %get3A_1379 = tpu.vector_load %arg16[%get3A_1377, %get3A_1378] {strides = array<i32>} : memref<256x128xf32, #tpu.memory_space<vmem>>, vector<1x16xf32>,
        %get3A_1380 = vector.shape_cast %get3A_1379 : vector<1x16xf32> to vector<16xf32>
        %mul3A_1381 = arith.mulf %get3A_1380, %broadcast_in_dim3A_1360 : vector<16xf32>
        %add3A_1382 = arith.constant 9 : i32
        %add3A_1383 = arith.addi %mul3A_326, %add3A_1382 : i32
        %swap3A_1384 = arith.index_cast %add3A_1383 : i32 to index
        %swap3A_1385 = arith.constant 16 : index
        %swap3A_1386 = tpu.vector_load %arg16[%swap3A_1384, %swap3A_1385] {strides = array<i32>} : memref<256x128xf32, #tpu.memory_space<vmem>>, vector<1x16xf32>,
        %swap3A_1387 = vector.shape_cast %swap3A_1386 : vector<1x16xf32> to vector<16xf32>
        %swap3A_1388 = vector.shape_cast %mul3A_1381 : vector<16xf32> to vector<1x16xf32>
        tpu.vector_store %arg16[%swap3A_1384, %swap3A_1385], %swap3A_1388 {strides = array<i32>} : memref<256x128xf32, #tpu.memory_space<vmem>>, vector<1x16xf32>,
        %add3A_1389 = arith.constant 9 : i32
        %add3A_1390 = arith.addi %mul3A_326, %add3A_1389 : i32
        %get3A_1391 = arith.index_cast %add3A_1390 : i32 to index
        %get3A_1392 = arith.constant 32 : index
        %get3A_1393 = tpu.vector_load %arg16[%get3A_1391, %get3A_1392] {strides = array<i32>} : memref<256x128xf32, #tpu.memory_space<vmem>>, vector<1x16xf32>,
        %get3A_1394 = vector.shape_cast %get3A_1393 : vector<1x16xf32> to vector<16xf32>
        %mul3A_1395 = arith.mulf %get3A_1394, %broadcast_in_dim3A_1360 : vector<16xf32>
        %add3A_1396 = arith.constant 9 : i32
        %add3A_1397 = arith.addi %mul3A_326, %add3A_1396 : i32
        %swap3A_1398 = arith.index_cast %add3A_1397 : i32 to index
        %swap3A_1399 = arith.constant 32 : index
        %swap3A_1400 = tpu.vector_load %arg16[%swap3A_1398, %swap3A_1399] {strides = array<i32>} : memref<256x128xf32, #tpu.memory_space<vmem>>, vector<1x16xf32>,
        %swap3A_1401 = vector.shape_cast %swap3A_1400 : vector<1x16xf32> to vector<16xf32>
        %swap3A_1402 = vector.shape_cast %mul3A_1395 : vector<16xf32> to vector<1x16xf32>
        tpu.vector_store %arg16[%swap3A_1398, %swap3A_1399], %swap3A_1402 {strides = array<i32>} : memref<256x128xf32, #tpu.memory_space<vmem>>, vector<1x16xf32>,
        %add3A_1403 = arith.constant 9 : i32
        %add3A_1404 = arith.addi %mul3A_326, %add3A_1403 : i32
        %get3A_1405 = arith.index_cast %add3A_1404 : i32 to index
        %get3A_1406 = arith.constant 48 : index
        %get3A_1407 = tpu.vector_load %arg16[%get3A_1405, %get3A_1406] {strides = array<i32>} : memref<256x128xf32, #tpu.memory_space<vmem>>, vector<1x16xf32>,
        %get3A_1408 = vector.shape_cast %get3A_1407 : vector<1x16xf32> to vector<16xf32>
        %mul3A_1409 = arith.mulf %get3A_1408, %broadcast_in_dim3A_1360 : vector<16xf32>
        %add3A_1410 = arith.constant 9 : i32
        %add3A_1411 = arith.addi %mul3A_326, %add3A_1410 : i32
        %swap3A_1412 = arith.index_cast %add3A_1411 : i32 to index
        %swap3A_1413 = arith.constant 48 : index
        %swap3A_1414 = tpu.vector_load %arg16[%swap3A_1412, %swap3A_1413] {strides = array<i32>} : memref<256x128xf32, #tpu.memory_space<vmem>>, vector<1x16xf32>,
        %swap3A_1415 = vector.shape_cast %swap3A_1414 : vector<1x16xf32> to vector<16xf32>
        %swap3A_1416 = vector.shape_cast %mul3A_1409 : vector<16xf32> to vector<1x16xf32>
        tpu.vector_store %arg16[%swap3A_1412, %swap3A_1413], %swap3A_1416 {strides = array<i32>} : memref<256x128xf32, #tpu.memory_space<vmem>>, vector<1x16xf32>,
        %add3A_1417 = arith.constant 9 : i32
        %add3A_1418 = arith.addi %mul3A_326, %add3A_1417 : i32
        %get3A_1419 = arith.index_cast %add3A_1418 : i32 to index
        %get3A_1420 = arith.constant 64 : index
        %get3A_1421 = tpu.vector_load %arg16[%get3A_1419, %get3A_1420] {strides = array<i32>} : memref<256x128xf32, #tpu.memory_space<vmem>>, vector<1x16xf32>,
        %get3A_1422 = vector.shape_cast %get3A_1421 : vector<1x16xf32> to vector<16xf32>
        %mul3A_1423 = arith.mulf %get3A_1422, %broadcast_in_dim3A_1360 : vector<16xf32>
        %add3A_1424 = arith.constant 9 : i32
        %add3A_1425 = arith.addi %mul3A_326, %add3A_1424 : i32
        %swap3A_1426 = arith.index_cast %add3A_1425 : i32 to index
        %swap3A_1427 = arith.constant 64 : index
        %swap3A_1428 = tpu.vector_load %arg16[%swap3A_1426, %swap3A_1427] {strides = array<i32>} : memref<256x128xf32, #tpu.memory_space<vmem>>, vector<1x16xf32>,
        %swap3A_1429 = vector.shape_cast %swap3A_1428 : vector<1x16xf32> to vector<16xf32>
        %swap3A_1430 = vector.shape_cast %mul3A_1423 : vector<16xf32> to vector<1x16xf32>
        tpu.vector_store %arg16[%swap3A_1426, %swap3A_1427], %swap3A_1430 {strides = array<i32>} : memref<256x128xf32, #tpu.memory_space<vmem>>, vector<1x16xf32>,
        %add3A_1431 = arith.constant 9 : i32
        %add3A_1432 = arith.addi %mul3A_326, %add3A_1431 : i32
        %get3A_1433 = arith.index_cast %add3A_1432 : i32 to index
        %get3A_1434 = arith.constant 80 : index
        %get3A_1435 = tpu.vector_load %arg16[%get3A_1433, %get3A_1434] {strides = array<i32>} : memref<256x128xf32, #tpu.memory_space<vmem>>, vector<1x16xf32>,
        %get3A_1436 = vector.shape_cast %get3A_1435 : vector<1x16xf32> to vector<16xf32>
        %mul3A_1437 = arith.mulf %get3A_1436, %broadcast_in_dim3A_1360 : vector<16xf32>
        %add3A_1438 = arith.constant 9 : i32
        %add3A_1439 = arith.addi %mul3A_326, %add3A_1438 : i32
        %swap3A_1440 = arith.index_cast %add3A_1439 : i32 to index
        %swap3A_1441 = arith.constant 80 : index
        %swap3A_1442 = tpu.vector_load %arg16[%swap3A_1440, %swap3A_1441] {strides = array<i32>} : memref<256x128xf32, #tpu.memory_space<vmem>>, vector<1x16xf32>,
        %swap3A_1443 = vector.shape_cast %swap3A_1442 : vector<1x16xf32> to vector<16xf32>
        %swap3A_1444 = vector.shape_cast %mul3A_1437 : vector<16xf32> to vector<1x16xf32>
        tpu.vector_store %arg16[%swap3A_1440, %swap3A_1441], %swap3A_1444 {strides = array<i32>} : memref<256x128xf32, #tpu.memory_space<vmem>>, vector<1x16xf32>,
        %add3A_1445 = arith.constant 9 : i32
        %add3A_1446 = arith.addi %mul3A_326, %add3A_1445 : i32
        %get3A_1447 = arith.index_cast %add3A_1446 : i32 to index
        %get3A_1448 = arith.constant 96 : index
        %get3A_1449 = tpu.vector_load %arg16[%get3A_1447, %get3A_1448] {strides = array<i32>} : memref<256x128xf32, #tpu.memory_space<vmem>>, vector<1x16xf32>,
        %get3A_1450 = vector.shape_cast %get3A_1449 : vector<1x16xf32> to vector<16xf32>
        %mul3A_1451 = arith.mulf %get3A_1450, %broadcast_in_dim3A_1360 : vector<16xf32>
        %add3A_1452 = arith.constant 9 : i32
        %add3A_1453 = arith.addi %mul3A_326, %add3A_1452 : i32
        %swap3A_1454 = arith.index_cast %add3A_1453 : i32 to index
        %swap3A_1455 = arith.constant 96 : index
        %swap3A_1456 = tpu.vector_load %arg16[%swap3A_1454, %swap3A_1455] {strides = array<i32>} : memref<256x128xf32, #tpu.memory_space<vmem>>, vector<1x16xf32>,
        %swap3A_1457 = vector.shape_cast %swap3A_1456 : vector<1x16xf32> to vector<16xf32>
        %swap3A_1458 = vector.shape_cast %mul3A_1451 : vector<16xf32> to vector<1x16xf32>
        tpu.vector_store %arg16[%swap3A_1454, %swap3A_1455], %swap3A_1458 {strides = array<i32>} : memref<256x128xf32, #tpu.memory_space<vmem>>, vector<1x16xf32>,
        %add3A_1459 = arith.constant 9 : i32
        %add3A_1460 = arith.addi %mul3A_326, %add3A_1459 : i32
        %get3A_1461 = arith.index_cast %add3A_1460 : i32 to index
        %get3A_1462 = arith.constant 112 : index
        %get3A_1463 = tpu.vector_load %arg16[%get3A_1461, %get3A_1462] {strides = array<i32>} : memref<256x128xf32, #tpu.memory_space<vmem>>, vector<1x16xf32>,
        %get3A_1464 = vector.shape_cast %get3A_1463 : vector<1x16xf32> to vector<16xf32>
        %mul3A_1465 = arith.mulf %get3A_1464, %broadcast_in_dim3A_1360 : vector<16xf32>
        %add3A_1466 = arith.constant 9 : i32
        %add3A_1467 = arith.addi %mul3A_326, %add3A_1466 : i32
        %swap3A_1468 = arith.index_cast %add3A_1467 : i32 to index
        %swap3A_1469 = arith.constant 112 : index
        %swap3A_1470 = tpu.vector_load %arg16[%swap3A_1468, %swap3A_1469] {strides = array<i32>} : memref<256x128xf32, #tpu.memory_space<vmem>>, vector<1x16xf32>,
        %swap3A_1471 = vector.shape_cast %swap3A_1470 : vector<1x16xf32> to vector<16xf32>
        %swap3A_1472 = vector.shape_cast %mul3A_1465 : vector<16xf32> to vector<1x16xf32>
        tpu.vector_store %arg16[%swap3A_1468, %swap3A_1469], %swap3A_1472 {strides = array<i32>} : memref<256x128xf32, #tpu.memory_space<vmem>>, vector<1x16xf32>,
        %slice3A_1473 = vector.extract_strided_slice %get3A_324 {offsets = [10], sizes = [1], strides = [1]} : vector<16xf32> to vector<1xf32>
        %squeeze3A_1474 = vector.extract %slice3A_1473[0] : f32 from vector<1xf32>
        %broadcast_in_dim3A_1475 = vector.broadcast %squeeze3A_1474 : f32 to vector<16xf32>
        %add3A_1476 = arith.constant 10 : i32
        %add3A_1477 = arith.addi %mul3A_326, %add3A_1476 : i32
        %get3A_1478 = arith.index_cast %add3A_1477 : i32 to index
        %get3A_1479 = arith.constant 0 : index
        %get3A_1480 = tpu.vector_load %arg16[%get3A_1478, %get3A_1479] {strides = array<i32>} : memref<256x128xf32, #tpu.memory_space<vmem>>, vector<1x16xf32>,
        %get3A_1481 = vector.shape_cast %get3A_1480 : vector<1x16xf32> to vector<16xf32>
        %mul3A_1482 = arith.mulf %get3A_1481, %broadcast_in_dim3A_1475 : vector<16xf32>
        %add3A_1483 = arith.constant 10 : i32
        %add3A_1484 = arith.addi %mul3A_326, %add3A_1483 : i32
        %swap3A_1485 = arith.index_cast %add3A_1484 : i32 to index
        %swap3A_1486 = arith.constant 0 : index
        %swap3A_1487 = tpu.vector_load %arg16[%swap3A_1485, %swap3A_1486] {strides = array<i32>} : memref<256x128xf32, #tpu.memory_space<vmem>>, vector<1x16xf32>,
        %swap3A_1488 = vector.shape_cast %swap3A_1487 : vector<1x16xf32> to vector<16xf32>
        %swap3A_1489 = vector.shape_cast %mul3A_1482 : vector<16xf32> to vector<1x16xf32>
        tpu.vector_store %arg16[%swap3A_1485, %swap3A_1486], %swap3A_1489 {strides = array<i32>} : memref<256x128xf32, #tpu.memory_space<vmem>>, vector<1x16xf32>,
        %add3A_1490 = arith.constant 10 : i32
        %add3A_1491 = arith.addi %mul3A_326, %add3A_1490 : i32
        %get3A_1492 = arith.index_cast %add3A_1491 : i32 to index
        %get3A_1493 = arith.constant 16 : index
        %get3A_1494 = tpu.vector_load %arg16[%get3A_1492, %get3A_1493] {strides = array<i32>} : memref<256x128xf32, #tpu.memory_space<vmem>>, vector<1x16xf32>,
        %get3A_1495 = vector.shape_cast %get3A_1494 : vector<1x16xf32> to vector<16xf32>
        %mul3A_1496 = arith.mulf %get3A_1495, %broadcast_in_dim3A_1475 : vector<16xf32>
        %add3A_1497 = arith.constant 10 : i32
        %add3A_1498 = arith.addi %mul3A_326, %add3A_1497 : i32
        %swap3A_1499 = arith.index_cast %add3A_1498 : i32 to index
        %swap3A_1500 = arith.constant 16 : index
        %swap3A_1501 = tpu.vector_load %arg16[%swap3A_1499, %swap3A_1500] {strides = array<i32>} : memref<256x128xf32, #tpu.memory_space<vmem>>, vector<1x16xf32>,
        %swap3A_1502 = vector.shape_cast %swap3A_1501 : vector<1x16xf32> to vector<16xf32>
        %swap3A_1503 = vector.shape_cast %mul3A_1496 : vector<16xf32> to vector<1x16xf32>
        tpu.vector_store %arg16[%swap3A_1499, %swap3A_1500], %swap3A_1503 {strides = array<i32>} : memref<256x128xf32, #tpu.memory_space<vmem>>, vector<1x16xf32>,
        %add3A_1504 = arith.constant 10 : i32
        %add3A_1505 = arith.addi %mul3A_326, %add3A_1504 : i32
        %get3A_1506 = arith.index_cast %add3A_1505 : i32 to index
        %get3A_1507 = arith.constant 32 : index
        %get3A_1508 = tpu.vector_load %arg16[%get3A_1506, %get3A_1507] {strides = array<i32>} : memref<256x128xf32, #tpu.memory_space<vmem>>, vector<1x16xf32>,
        %get3A_1509 = vector.shape_cast %get3A_1508 : vector<1x16xf32> to vector<16xf32>
        %mul3A_1510 = arith.mulf %get3A_1509, %broadcast_in_dim3A_1475 : vector<16xf32>
        %add3A_1511 = arith.constant 10 : i32
        %add3A_1512 = arith.addi %mul3A_326, %add3A_1511 : i32
        %swap3A_1513 = arith.index_cast %add3A_1512 : i32 to index
        %swap3A_1514 = arith.constant 32 : index
        %swap3A_1515 = tpu.vector_load %arg16[%swap3A_1513, %swap3A_1514] {strides = array<i32>} : memref<256x128xf32, #tpu.memory_space<vmem>>, vector<1x16xf32>,
        %swap3A_1516 = vector.shape_cast %swap3A_1515 : vector<1x16xf32> to vector<16xf32>
        %swap3A_1517 = vector.shape_cast %mul3A_1510 : vector<16xf32> to vector<1x16xf32>
        tpu.vector_store %arg16[%swap3A_1513, %swap3A_1514], %swap3A_1517 {strides = array<i32>} : memref<256x128xf32, #tpu.memory_space<vmem>>, vector<1x16xf32>,
        %add3A_1518 = arith.constant 10 : i32
        %add3A_1519 = arith.addi %mul3A_326, %add3A_1518 : i32
        %get3A_1520 = arith.index_cast %add3A_1519 : i32 to index
        %get3A_1521 = arith.constant 48 : index
        %get3A_1522 = tpu.vector_load %arg16[%get3A_1520, %get3A_1521] {strides = array<i32>} : memref<256x128xf32, #tpu.memory_space<vmem>>, vector<1x16xf32>,
        %get3A_1523 = vector.shape_cast %get3A_1522 : vector<1x16xf32> to vector<16xf32>
        %mul3A_1524 = arith.mulf %get3A_1523, %broadcast_in_dim3A_1475 : vector<16xf32>
        %add3A_1525 = arith.constant 10 : i32
        %add3A_1526 = arith.addi %mul3A_326, %add3A_1525 : i32
        %swap3A_1527 = arith.index_cast %add3A_1526 : i32 to index
        %swap3A_1528 = arith.constant 48 : index
        %swap3A_1529 = tpu.vector_load %arg16[%swap3A_1527, %swap3A_1528] {strides = array<i32>} : memref<256x128xf32, #tpu.memory_space<vmem>>, vector<1x16xf32>,
        %swap3A_1530 = vector.shape_cast %swap3A_1529 : vector<1x16xf32> to vector<16xf32>
        %swap3A_1531 = vector.shape_cast %mul3A_1524 : vector<16xf32> to vector<1x16xf32>
        tpu.vector_store %arg16[%swap3A_1527, %swap3A_1528], %swap3A_1531 {strides = array<i32>} : memref<256x128xf32, #tpu.memory_space<vmem>>, vector<1x16xf32>,
        %add3A_1532 = arith.constant 10 : i32
        %add3A_1533 = arith.addi %mul3A_326, %add3A_1532 : i32
        %get3A_1534 = arith.index_cast %add3A_1533 : i32 to index
        %get3A_1535 = arith.constant 64 : index
        %get3A_1536 = tpu.vector_load %arg16[%get3A_1534, %get3A_1535] {strides = array<i32>} : memref<256x128xf32, #tpu.memory_space<vmem>>, vector<1x16xf32>,
        %get3A_1537 = vector.shape_cast %get3A_1536 : vector<1x16xf32> to vector<16xf32>
        %mul3A_1538 = arith.mulf %get3A_1537, %broadcast_in_dim3A_1475 : vector<16xf32>
        %add3A_1539 = arith.constant 10 : i32
        %add3A_1540 = arith.addi %mul3A_326, %add3A_1539 : i32
        %swap3A_1541 = arith.index_cast %add3A_1540 : i32 to index
        %swap3A_1542 = arith.constant 64 : index
        %swap3A_1543 = tpu.vector_load %arg16[%swap3A_1541, %swap3A_1542] {strides = array<i32>} : memref<256x128xf32, #tpu.memory_space<vmem>>, vector<1x16xf32>,
        %swap3A_1544 = vector.shape_cast %swap3A_1543 : vector<1x16xf32> to vector<16xf32>
        %swap3A_1545 = vector.shape_cast %mul3A_1538 : vector<16xf32> to vector<1x16xf32>
        tpu.vector_store %arg16[%swap3A_1541, %swap3A_1542], %swap3A_1545 {strides = array<i32>} : memref<256x128xf32, #tpu.memory_space<vmem>>, vector<1x16xf32>,
        %add3A_1546 = arith.constant 10 : i32
        %add3A_1547 = arith.addi %mul3A_326, %add3A_1546 : i32
        %get3A_1548 = arith.index_cast %add3A_1547 : i32 to index
        %get3A_1549 = arith.constant 80 : index
        %get3A_1550 = tpu.vector_load %arg16[%get3A_1548, %get3A_1549] {strides = array<i32>} : memref<256x128xf32, #tpu.memory_space<vmem>>, vector<1x16xf32>,
        %get3A_1551 = vector.shape_cast %get3A_1550 : vector<1x16xf32> to vector<16xf32>
        %mul3A_1552 = arith.mulf %get3A_1551, %broadcast_in_dim3A_1475 : vector<16xf32>
        %add3A_1553 = arith.constant 10 : i32
        %add3A_1554 = arith.addi %mul3A_326, %add3A_1553 : i32
        %swap3A_1555 = arith.index_cast %add3A_1554 : i32 to index
        %swap3A_1556 = arith.constant 80 : index
        %swap3A_1557 = tpu.vector_load %arg16[%swap3A_1555, %swap3A_1556] {strides = array<i32>} : memref<256x128xf32, #tpu.memory_space<vmem>>, vector<1x16xf32>,
        %swap3A_1558 = vector.shape_cast %swap3A_1557 : vector<1x16xf32> to vector<16xf32>
        %swap3A_1559 = vector.shape_cast %mul3A_1552 : vector<16xf32> to vector<1x16xf32>
        tpu.vector_store %arg16[%swap3A_1555, %swap3A_1556], %swap3A_1559 {strides = array<i32>} : memref<256x128xf32, #tpu.memory_space<vmem>>, vector<1x16xf32>,
        %add3A_1560 = arith.constant 10 : i32
        %add3A_1561 = arith.addi %mul3A_326, %add3A_1560 : i32
        %get3A_1562 = arith.index_cast %add3A_1561 : i32 to index
        %get3A_1563 = arith.constant 96 : index
        %get3A_1564 = tpu.vector_load %arg16[%get3A_1562, %get3A_1563] {strides = array<i32>} : memref<256x128xf32, #tpu.memory_space<vmem>>, vector<1x16xf32>,
        %get3A_1565 = vector.shape_cast %get3A_1564 : vector<1x16xf32> to vector<16xf32>
        %mul3A_1566 = arith.mulf %get3A_1565, %broadcast_in_dim3A_1475 : vector<16xf32>
        %add3A_1567 = arith.constant 10 : i32
        %add3A_1568 = arith.addi %mul3A_326, %add3A_1567 : i32
        %swap3A_1569 = arith.index_cast %add3A_1568 : i32 to index
        %swap3A_1570 = arith.constant 96 : index
        %swap3A_1571 = tpu.vector_load %arg16[%swap3A_1569, %swap3A_1570] {strides = array<i32>} : memref<256x128xf32, #tpu.memory_space<vmem>>, vector<1x16xf32>,
        %swap3A_1572 = vector.shape_cast %swap3A_1571 : vector<1x16xf32> to vector<16xf32>
        %swap3A_1573 = vector.shape_cast %mul3A_1566 : vector<16xf32> to vector<1x16xf32>
        tpu.vector_store %arg16[%swap3A_1569, %swap3A_1570], %swap3A_1573 {strides = array<i32>} : memref<256x128xf32, #tpu.memory_space<vmem>>, vector<1x16xf32>,
        %add3A_1574 = arith.constant 10 : i32
        %add3A_1575 = arith.addi %mul3A_326, %add3A_1574 : i32
        %get3A_1576 = arith.index_cast %add3A_1575 : i32 to index
        %get3A_1577 = arith.constant 112 : index
        %get3A_1578 = tpu.vector_load %arg16[%get3A_1576, %get3A_1577] {strides = array<i32>} : memref<256x128xf32, #tpu.memory_space<vmem>>, vector<1x16xf32>,
        %get3A_1579 = vector.shape_cast %get3A_1578 : vector<1x16xf32> to vector<16xf32>
        %mul3A_1580 = arith.mulf %get3A_1579, %broadcast_in_dim3A_1475 : vector<16xf32>
        %add3A_1581 = arith.constant 10 : i32
        %add3A_1582 = arith.addi %mul3A_326, %add3A_1581 : i32
        %swap3A_1583 = arith.index_cast %add3A_1582 : i32 to index
        %swap3A_1584 = arith.constant 112 : index
        %swap3A_1585 = tpu.vector_load %arg16[%swap3A_1583, %swap3A_1584] {strides = array<i32>} : memref<256x128xf32, #tpu.memory_space<vmem>>, vector<1x16xf32>,
        %swap3A_1586 = vector.shape_cast %swap3A_1585 : vector<1x16xf32> to vector<16xf32>
        %swap3A_1587 = vector.shape_cast %mul3A_1580 : vector<16xf32> to vector<1x16xf32>
        tpu.vector_store %arg16[%swap3A_1583, %swap3A_1584], %swap3A_1587 {strides = array<i32>} : memref<256x128xf32, #tpu.memory_space<vmem>>, vector<1x16xf32>,
        %slice3A_1588 = vector.extract_strided_slice %get3A_324 {offsets = [11], sizes = [1], strides = [1]} : vector<16xf32> to vector<1xf32>
        %squeeze3A_1589 = vector.extract %slice3A_1588[0] : f32 from vector<1xf32>
        %broadcast_in_dim3A_1590 = vector.broadcast %squeeze3A_1589 : f32 to vector<16xf32>
        %add3A_1591 = arith.constant 11 : i32
        %add3A_1592 = arith.addi %mul3A_326, %add3A_1591 : i32
        %get3A_1593 = arith.index_cast %add3A_1592 : i32 to index
        %get3A_1594 = arith.constant 0 : index
        %get3A_1595 = tpu.vector_load %arg16[%get3A_1593, %get3A_1594] {strides = array<i32>} : memref<256x128xf32, #tpu.memory_space<vmem>>, vector<1x16xf32>,
        %get3A_1596 = vector.shape_cast %get3A_1595 : vector<1x16xf32> to vector<16xf32>
        %mul3A_1597 = arith.mulf %get3A_1596, %broadcast_in_dim3A_1590 : vector<16xf32>
        %add3A_1598 = arith.constant 11 : i32
        %add3A_1599 = arith.addi %mul3A_326, %add3A_1598 : i32
        %swap3A_1600 = arith.index_cast %add3A_1599 : i32 to index
        %swap3A_1601 = arith.constant 0 : index
        %swap3A_1602 = tpu.vector_load %arg16[%swap3A_1600, %swap3A_1601] {strides = array<i32>} : memref<256x128xf32, #tpu.memory_space<vmem>>, vector<1x16xf32>,
        %swap3A_1603 = vector.shape_cast %swap3A_1602 : vector<1x16xf32> to vector<16xf32>
        %swap3A_1604 = vector.shape_cast %mul3A_1597 : vector<16xf32> to vector<1x16xf32>
        tpu.vector_store %arg16[%swap3A_1600, %swap3A_1601], %swap3A_1604 {strides = array<i32>} : memref<256x128xf32, #tpu.memory_space<vmem>>, vector<1x16xf32>,
        %add3A_1605 = arith.constant 11 : i32
        %add3A_1606 = arith.addi %mul3A_326, %add3A_1605 : i32
        %get3A_1607 = arith.index_cast %add3A_1606 : i32 to index
        %get3A_1608 = arith.constant 16 : index
        %get3A_1609 = tpu.vector_load %arg16[%get3A_1607, %get3A_1608] {strides = array<i32>} : memref<256x128xf32, #tpu.memory_space<vmem>>, vector<1x16xf32>,
        %get3A_1610 = vector.shape_cast %get3A_1609 : vector<1x16xf32> to vector<16xf32>
        %mul3A_1611 = arith.mulf %get3A_1610, %broadcast_in_dim3A_1590 : vector<16xf32>
        %add3A_1612 = arith.constant 11 : i32
        %add3A_1613 = arith.addi %mul3A_326, %add3A_1612 : i32
        %swap3A_1614 = arith.index_cast %add3A_1613 : i32 to index
        %swap3A_1615 = arith.constant 16 : index
        %swap3A_1616 = tpu.vector_load %arg16[%swap3A_1614, %swap3A_1615] {strides = array<i32>} : memref<256x128xf32, #tpu.memory_space<vmem>>, vector<1x16xf32>,
        %swap3A_1617 = vector.shape_cast %swap3A_1616 : vector<1x16xf32> to vector<16xf32>
        %swap3A_1618 = vector.shape_cast %mul3A_1611 : vector<16xf32> to vector<1x16xf32>
        tpu.vector_store %arg16[%swap3A_1614, %swap3A_1615], %swap3A_1618 {strides = array<i32>} : memref<256x128xf32, #tpu.memory_space<vmem>>, vector<1x16xf32>,
        %add3A_1619 = arith.constant 11 : i32
        %add3A_1620 = arith.addi %mul3A_326, %add3A_1619 : i32
        %get3A_1621 = arith.index_cast %add3A_1620 : i32 to index
        %get3A_1622 = arith.constant 32 : index
        %get3A_1623 = tpu.vector_load %arg16[%get3A_1621, %get3A_1622] {strides = array<i32>} : memref<256x128xf32, #tpu.memory_space<vmem>>, vector<1x16xf32>,
        %get3A_1624 = vector.shape_cast %get3A_1623 : vector<1x16xf32> to vector<16xf32>
        %mul3A_1625 = arith.mulf %get3A_1624, %broadcast_in_dim3A_1590 : vector<16xf32>
        %add3A_1626 = arith.constant 11 : i32
        %add3A_1627 = arith.addi %mul3A_326, %add3A_1626 : i32
        %swap3A_1628 = arith.index_cast %add3A_1627 : i32 to index
        %swap3A_1629 = arith.constant 32 : index
        %swap3A_1630 = tpu.vector_load %arg16[%swap3A_1628, %swap3A_1629] {strides = array<i32>} : memref<256x128xf32, #tpu.memory_space<vmem>>, vector<1x16xf32>,
        %swap3A_1631 = vector.shape_cast %swap3A_1630 : vector<1x16xf32> to vector<16xf32>
        %swap3A_1632 = vector.shape_cast %mul3A_1625 : vector<16xf32> to vector<1x16xf32>
        tpu.vector_store %arg16[%swap3A_1628, %swap3A_1629], %swap3A_1632 {strides = array<i32>} : memref<256x128xf32, #tpu.memory_space<vmem>>, vector<1x16xf32>,
        %add3A_1633 = arith.constant 11 : i32
        %add3A_1634 = arith.addi %mul3A_326, %add3A_1633 : i32
        %get3A_1635 = arith.index_cast %add3A_1634 : i32 to index
        %get3A_1636 = arith.constant 48 : index
        %get3A_1637 = tpu.vector_load %arg16[%get3A_1635, %get3A_1636] {strides = array<i32>} : memref<256x128xf32, #tpu.memory_space<vmem>>, vector<1x16xf32>,
        %get3A_1638 = vector.shape_cast %get3A_1637 : vector<1x16xf32> to vector<16xf32>
        %mul3A_1639 = arith.mulf %get3A_1638, %broadcast_in_dim3A_1590 : vector<16xf32>
        %add3A_1640 = arith.constant 11 : i32
        %add3A_1641 = arith.addi %mul3A_326, %add3A_1640 : i32
        %swap3A_1642 = arith.index_cast %add3A_1641 : i32 to index
        %swap3A_1643 = arith.constant 48 : index
        %swap3A_1644 = tpu.vector_load %arg16[%swap3A_1642, %swap3A_1643] {strides = array<i32>} : memref<256x128xf32, #tpu.memory_space<vmem>>, vector<1x16xf32>,
        %swap3A_1645 = vector.shape_cast %swap3A_1644 : vector<1x16xf32> to vector<16xf32>
        %swap3A_1646 = vector.shape_cast %mul3A_1639 : vector<16xf32> to vector<1x16xf32>
        tpu.vector_store %arg16[%swap3A_1642, %swap3A_1643], %swap3A_1646 {strides = array<i32>} : memref<256x128xf32, #tpu.memory_space<vmem>>, vector<1x16xf32>,
        %add3A_1647 = arith.constant 11 : i32
        %add3A_1648 = arith.addi %mul3A_326, %add3A_1647 : i32
        %get3A_1649 = arith.index_cast %add3A_1648 : i32 to index
        %get3A_1650 = arith.constant 64 : index
        %get3A_1651 = tpu.vector_load %arg16[%get3A_1649, %get3A_1650] {strides = array<i32>} : memref<256x128xf32, #tpu.memory_space<vmem>>, vector<1x16xf32>,
        %get3A_1652 = vector.shape_cast %get3A_1651 : vector<1x16xf32> to vector<16xf32>
        %mul3A_1653 = arith.mulf %get3A_1652, %broadcast_in_dim3A_1590 : vector<16xf32>
        %add3A_1654 = arith.constant 11 : i32
        %add3A_1655 = arith.addi %mul3A_326, %add3A_1654 : i32
        %swap3A_1656 = arith.index_cast %add3A_1655 : i32 to index
        %swap3A_1657 = arith.constant 64 : index
        %swap3A_1658 = tpu.vector_load %arg16[%swap3A_1656, %swap3A_1657] {strides = array<i32>} : memref<256x128xf32, #tpu.memory_space<vmem>>, vector<1x16xf32>,
        %swap3A_1659 = vector.shape_cast %swap3A_1658 : vector<1x16xf32> to vector<16xf32>
        %swap3A_1660 = vector.shape_cast %mul3A_1653 : vector<16xf32> to vector<1x16xf32>
        tpu.vector_store %arg16[%swap3A_1656, %swap3A_1657], %swap3A_1660 {strides = array<i32>} : memref<256x128xf32, #tpu.memory_space<vmem>>, vector<1x16xf32>,
        %add3A_1661 = arith.constant 11 : i32
        %add3A_1662 = arith.addi %mul3A_326, %add3A_1661 : i32
        %get3A_1663 = arith.index_cast %add3A_1662 : i32 to index
        %get3A_1664 = arith.constant 80 : index
        %get3A_1665 = tpu.vector_load %arg16[%get3A_1663, %get3A_1664] {strides = array<i32>} : memref<256x128xf32, #tpu.memory_space<vmem>>, vector<1x16xf32>,
        %get3A_1666 = vector.shape_cast %get3A_1665 : vector<1x16xf32> to vector<16xf32>
        %mul3A_1667 = arith.mulf %get3A_1666, %broadcast_in_dim3A_1590 : vector<16xf32>
        %add3A_1668 = arith.constant 11 : i32
        %add3A_1669 = arith.addi %mul3A_326, %add3A_1668 : i32
        %swap3A_1670 = arith.index_cast %add3A_1669 : i32 to index
        %swap3A_1671 = arith.constant 80 : index
        %swap3A_1672 = tpu.vector_load %arg16[%swap3A_1670, %swap3A_1671] {strides = array<i32>} : memref<256x128xf32, #tpu.memory_space<vmem>>, vector<1x16xf32>,
        %swap3A_1673 = vector.shape_cast %swap3A_1672 : vector<1x16xf32> to vector<16xf32>
        %swap3A_1674 = vector.shape_cast %mul3A_1667 : vector<16xf32> to vector<1x16xf32>
        tpu.vector_store %arg16[%swap3A_1670, %swap3A_1671], %swap3A_1674 {strides = array<i32>} : memref<256x128xf32, #tpu.memory_space<vmem>>, vector<1x16xf32>,
        %add3A_1675 = arith.constant 11 : i32
        %add3A_1676 = arith.addi %mul3A_326, %add3A_1675 : i32
        %get3A_1677 = arith.index_cast %add3A_1676 : i32 to index
        %get3A_1678 = arith.constant 96 : index
        %get3A_1679 = tpu.vector_load %arg16[%get3A_1677, %get3A_1678] {strides = array<i32>} : memref<256x128xf32, #tpu.memory_space<vmem>>, vector<1x16xf32>,
        %get3A_1680 = vector.shape_cast %get3A_1679 : vector<1x16xf32> to vector<16xf32>
        %mul3A_1681 = arith.mulf %get3A_1680, %broadcast_in_dim3A_1590 : vector<16xf32>
        %add3A_1682 = arith.constant 11 : i32
        %add3A_1683 = arith.addi %mul3A_326, %add3A_1682 : i32
        %swap3A_1684 = arith.index_cast %add3A_1683 : i32 to index
        %swap3A_1685 = arith.constant 96 : index
        %swap3A_1686 = tpu.vector_load %arg16[%swap3A_1684, %swap3A_1685] {strides = array<i32>} : memref<256x128xf32, #tpu.memory_space<vmem>>, vector<1x16xf32>,
        %swap3A_1687 = vector.shape_cast %swap3A_1686 : vector<1x16xf32> to vector<16xf32>
        %swap3A_1688 = vector.shape_cast %mul3A_1681 : vector<16xf32> to vector<1x16xf32>
        tpu.vector_store %arg16[%swap3A_1684, %swap3A_1685], %swap3A_1688 {strides = array<i32>} : memref<256x128xf32, #tpu.memory_space<vmem>>, vector<1x16xf32>,
        %add3A_1689 = arith.constant 11 : i32
        %add3A_1690 = arith.addi %mul3A_326, %add3A_1689 : i32
        %get3A_1691 = arith.index_cast %add3A_1690 : i32 to index
        %get3A_1692 = arith.constant 112 : index
        %get3A_1693 = tpu.vector_load %arg16[%get3A_1691, %get3A_1692] {strides = array<i32>} : memref<256x128xf32, #tpu.memory_space<vmem>>, vector<1x16xf32>,
        %get3A_1694 = vector.shape_cast %get3A_1693 : vector<1x16xf32> to vector<16xf32>
        %mul3A_1695 = arith.mulf %get3A_1694, %broadcast_in_dim3A_1590 : vector<16xf32>
        %add3A_1696 = arith.constant 11 : i32
        %add3A_1697 = arith.addi %mul3A_326, %add3A_1696 : i32
        %swap3A_1698 = arith.index_cast %add3A_1697 : i32 to index
        %swap3A_1699 = arith.constant 112 : index
        %swap3A_1700 = tpu.vector_load %arg16[%swap3A_1698, %swap3A_1699] {strides = array<i32>} : memref<256x128xf32, #tpu.memory_space<vmem>>, vector<1x16xf32>,
        %swap3A_1701 = vector.shape_cast %swap3A_1700 : vector<1x16xf32> to vector<16xf32>
        %swap3A_1702 = vector.shape_cast %mul3A_1695 : vector<16xf32> to vector<1x16xf32>
        tpu.vector_store %arg16[%swap3A_1698, %swap3A_1699], %swap3A_1702 {strides = array<i32>} : memref<256x128xf32, #tpu.memory_space<vmem>>, vector<1x16xf32>,
        %slice3A_1703 = vector.extract_strided_slice %get3A_324 {offsets = [12], sizes = [1], strides = [1]} : vector<16xf32> to vector<1xf32>
        %squeeze3A_1704 = vector.extract %slice3A_1703[0] : f32 from vector<1xf32>
        %broadcast_in_dim3A_1705 = vector.broadcast %squeeze3A_1704 : f32 to vector<16xf32>
        %add3A_1706 = arith.constant 12 : i32
        %add3A_1707 = arith.addi %mul3A_326, %add3A_1706 : i32
        %get3A_1708 = arith.index_cast %add3A_1707 : i32 to index
        %get3A_1709 = arith.constant 0 : index
        %get3A_1710 = tpu.vector_load %arg16[%get3A_1708, %get3A_1709] {strides = array<i32>} : memref<256x128xf32, #tpu.memory_space<vmem>>, vector<1x16xf32>,
        %get3A_1711 = vector.shape_cast %get3A_1710 : vector<1x16xf32> to vector<16xf32>
        %mul3A_1712 = arith.mulf %get3A_1711, %broadcast_in_dim3A_1705 : vector<16xf32>
        %add3A_1713 = arith.constant 12 : i32
        %add3A_1714 = arith.addi %mul3A_326, %add3A_1713 : i32
        %swap3A_1715 = arith.index_cast %add3A_1714 : i32 to index
        %swap3A_1716 = arith.constant 0 : index
        %swap3A_1717 = tpu.vector_load %arg16[%swap3A_1715, %swap3A_1716] {strides = array<i32>} : memref<256x128xf32, #tpu.memory_space<vmem>>, vector<1x16xf32>,
        %swap3A_1718 = vector.shape_cast %swap3A_1717 : vector<1x16xf32> to vector<16xf32>
        %swap3A_1719 = vector.shape_cast %mul3A_1712 : vector<16xf32> to vector<1x16xf32>
        tpu.vector_store %arg16[%swap3A_1715, %swap3A_1716], %swap3A_1719 {strides = array<i32>} : memref<256x128xf32, #tpu.memory_space<vmem>>, vector<1x16xf32>,
        %add3A_1720 = arith.constant 12 : i32
        %add3A_1721 = arith.addi %mul3A_326, %add3A_1720 : i32
        %get3A_1722 = arith.index_cast %add3A_1721 : i32 to index
        %get3A_1723 = arith.constant 16 : index
        %get3A_1724 = tpu.vector_load %arg16[%get3A_1722, %get3A_1723] {strides = array<i32>} : memref<256x128xf32, #tpu.memory_space<vmem>>, vector<1x16xf32>,
        %get3A_1725 = vector.shape_cast %get3A_1724 : vector<1x16xf32> to vector<16xf32>
        %mul3A_1726 = arith.mulf %get3A_1725, %broadcast_in_dim3A_1705 : vector<16xf32>
        %add3A_1727 = arith.constant 12 : i32
        %add3A_1728 = arith.addi %mul3A_326, %add3A_1727 : i32
        %swap3A_1729 = arith.index_cast %add3A_1728 : i32 to index
        %swap3A_1730 = arith.constant 16 : index
        %swap3A_1731 = tpu.vector_load %arg16[%swap3A_1729, %swap3A_1730] {strides = array<i32>} : memref<256x128xf32, #tpu.memory_space<vmem>>, vector<1x16xf32>,
        %swap3A_1732 = vector.shape_cast %swap3A_1731 : vector<1x16xf32> to vector<16xf32>
        %swap3A_1733 = vector.shape_cast %mul3A_1726 : vector<16xf32> to vector<1x16xf32>
        tpu.vector_store %arg16[%swap3A_1729, %swap3A_1730], %swap3A_1733 {strides = array<i32>} : memref<256x128xf32, #tpu.memory_space<vmem>>, vector<1x16xf32>,
        %add3A_1734 = arith.constant 12 : i32
        %add3A_1735 = arith.addi %mul3A_326, %add3A_1734 : i32
        %get3A_1736 = arith.index_cast %add3A_1735 : i32 to index
        %get3A_1737 = arith.constant 32 : index
        %get3A_1738 = tpu.vector_load %arg16[%get3A_1736, %get3A_1737] {strides = array<i32>} : memref<256x128xf32, #tpu.memory_space<vmem>>, vector<1x16xf32>,
        %get3A_1739 = vector.shape_cast %get3A_1738 : vector<1x16xf32> to vector<16xf32>
        %mul3A_1740 = arith.mulf %get3A_1739, %broadcast_in_dim3A_1705 : vector<16xf32>
        %add3A_1741 = arith.constant 12 : i32
        %add3A_1742 = arith.addi %mul3A_326, %add3A_1741 : i32
        %swap3A_1743 = arith.index_cast %add3A_1742 : i32 to index
        %swap3A_1744 = arith.constant 32 : index
        %swap3A_1745 = tpu.vector_load %arg16[%swap3A_1743, %swap3A_1744] {strides = array<i32>} : memref<256x128xf32, #tpu.memory_space<vmem>>, vector<1x16xf32>,
        %swap3A_1746 = vector.shape_cast %swap3A_1745 : vector<1x16xf32> to vector<16xf32>
        %swap3A_1747 = vector.shape_cast %mul3A_1740 : vector<16xf32> to vector<1x16xf32>
        tpu.vector_store %arg16[%swap3A_1743, %swap3A_1744], %swap3A_1747 {strides = array<i32>} : memref<256x128xf32, #tpu.memory_space<vmem>>, vector<1x16xf32>,
        %add3A_1748 = arith.constant 12 : i32
        %add3A_1749 = arith.addi %mul3A_326, %add3A_1748 : i32
        %get3A_1750 = arith.index_cast %add3A_1749 : i32 to index
        %get3A_1751 = arith.constant 48 : index
        %get3A_1752 = tpu.vector_load %arg16[%get3A_1750, %get3A_1751] {strides = array<i32>} : memref<256x128xf32, #tpu.memory_space<vmem>>, vector<1x16xf32>,
        %get3A_1753 = vector.shape_cast %get3A_1752 : vector<1x16xf32> to vector<16xf32>
        %mul3A_1754 = arith.mulf %get3A_1753, %broadcast_in_dim3A_1705 : vector<16xf32>
        %add3A_1755 = arith.constant 12 : i32
        %add3A_1756 = arith.addi %mul3A_326, %add3A_1755 : i32
        %swap3A_1757 = arith.index_cast %add3A_1756 : i32 to index
        %swap3A_1758 = arith.constant 48 : index
        %swap3A_1759 = tpu.vector_load %arg16[%swap3A_1757, %swap3A_1758] {strides = array<i32>} : memref<256x128xf32, #tpu.memory_space<vmem>>, vector<1x16xf32>,
        %swap3A_1760 = vector.shape_cast %swap3A_1759 : vector<1x16xf32> to vector<16xf32>
        %swap3A_1761 = vector.shape_cast %mul3A_1754 : vector<16xf32> to vector<1x16xf32>
        tpu.vector_store %arg16[%swap3A_1757, %swap3A_1758], %swap3A_1761 {strides = array<i32>} : memref<256x128xf32, #tpu.memory_space<vmem>>, vector<1x16xf32>,
        %add3A_1762 = arith.constant 12 : i32
        %add3A_1763 = arith.addi %mul3A_326, %add3A_1762 : i32
        %get3A_1764 = arith.index_cast %add3A_1763 : i32 to index
        %get3A_1765 = arith.constant 64 : index
        %get3A_1766 = tpu.vector_load %arg16[%get3A_1764, %get3A_1765] {strides = array<i32>} : memref<256x128xf32, #tpu.memory_space<vmem>>, vector<1x16xf32>,
        %get3A_1767 = vector.shape_cast %get3A_1766 : vector<1x16xf32> to vector<16xf32>
        %mul3A_1768 = arith.mulf %get3A_1767, %broadcast_in_dim3A_1705 : vector<16xf32>
        %add3A_1769 = arith.constant 12 : i32
        %add3A_1770 = arith.addi %mul3A_326, %add3A_1769 : i32
        %swap3A_1771 = arith.index_cast %add3A_1770 : i32 to index
        %swap3A_1772 = arith.constant 64 : index
        %swap3A_1773 = tpu.vector_load %arg16[%swap3A_1771, %swap3A_1772] {strides = array<i32>} : memref<256x128xf32, #tpu.memory_space<vmem>>, vector<1x16xf32>,
        %swap3A_1774 = vector.shape_cast %swap3A_1773 : vector<1x16xf32> to vector<16xf32>
        %swap3A_1775 = vector.shape_cast %mul3A_1768 : vector<16xf32> to vector<1x16xf32>
        tpu.vector_store %arg16[%swap3A_1771, %swap3A_1772], %swap3A_1775 {strides = array<i32>} : memref<256x128xf32, #tpu.memory_space<vmem>>, vector<1x16xf32>,
        %add3A_1776 = arith.constant 12 : i32
        %add3A_1777 = arith.addi %mul3A_326, %add3A_1776 : i32
        %get3A_1778 = arith.index_cast %add3A_1777 : i32 to index
        %get3A_1779 = arith.constant 80 : index
        %get3A_1780 = tpu.vector_load %arg16[%get3A_1778, %get3A_1779] {strides = array<i32>} : memref<256x128xf32, #tpu.memory_space<vmem>>, vector<1x16xf32>,
        %get3A_1781 = vector.shape_cast %get3A_1780 : vector<1x16xf32> to vector<16xf32>
        %mul3A_1782 = arith.mulf %get3A_1781, %broadcast_in_dim3A_1705 : vector<16xf32>
        %add3A_1783 = arith.constant 12 : i32
        %add3A_1784 = arith.addi %mul3A_326, %add3A_1783 : i32
        %swap3A_1785 = arith.index_cast %add3A_1784 : i32 to index
        %swap3A_1786 = arith.constant 80 : index
        %swap3A_1787 = tpu.vector_load %arg16[%swap3A_1785, %swap3A_1786] {strides = array<i32>} : memref<256x128xf32, #tpu.memory_space<vmem>>, vector<1x16xf32>,
        %swap3A_1788 = vector.shape_cast %swap3A_1787 : vector<1x16xf32> to vector<16xf32>
        %swap3A_1789 = vector.shape_cast %mul3A_1782 : vector<16xf32> to vector<1x16xf32>
        tpu.vector_store %arg16[%swap3A_1785, %swap3A_1786], %swap3A_1789 {strides = array<i32>} : memref<256x128xf32, #tpu.memory_space<vmem>>, vector<1x16xf32>,
        %add3A_1790 = arith.constant 12 : i32
        %add3A_1791 = arith.addi %mul3A_326, %add3A_1790 : i32
        %get3A_1792 = arith.index_cast %add3A_1791 : i32 to index
        %get3A_1793 = arith.constant 96 : index
        %get3A_1794 = tpu.vector_load %arg16[%get3A_1792, %get3A_1793] {strides = array<i32>} : memref<256x128xf32, #tpu.memory_space<vmem>>, vector<1x16xf32>,
        %get3A_1795 = vector.shape_cast %get3A_1794 : vector<1x16xf32> to vector<16xf32>
        %mul3A_1796 = arith.mulf %get3A_1795, %broadcast_in_dim3A_1705 : vector<16xf32>
        %add3A_1797 = arith.constant 12 : i32
        %add3A_1798 = arith.addi %mul3A_326, %add3A_1797 : i32
        %swap3A_1799 = arith.index_cast %add3A_1798 : i32 to index
        %swap3A_1800 = arith.constant 96 : index
        %swap3A_1801 = tpu.vector_load %arg16[%swap3A_1799, %swap3A_1800] {strides = array<i32>} : memref<256x128xf32, #tpu.memory_space<vmem>>, vector<1x16xf32>,
        %swap3A_1802 = vector.shape_cast %swap3A_1801 : vector<1x16xf32> to vector<16xf32>
        %swap3A_1803 = vector.shape_cast %mul3A_1796 : vector<16xf32> to vector<1x16xf32>
        tpu.vector_store %arg16[%swap3A_1799, %swap3A_1800], %swap3A_1803 {strides = array<i32>} : memref<256x128xf32, #tpu.memory_space<vmem>>, vector<1x16xf32>,
        %add3A_1804 = arith.constant 12 : i32
        %add3A_1805 = arith.addi %mul3A_326, %add3A_1804 : i32
        %get3A_1806 = arith.index_cast %add3A_1805 : i32 to index
        %get3A_1807 = arith.constant 112 : index
        %get3A_1808 = tpu.vector_load %arg16[%get3A_1806, %get3A_1807] {strides = array<i32>} : memref<256x128xf32, #tpu.memory_space<vmem>>, vector<1x16xf32>,
        %get3A_1809 = vector.shape_cast %get3A_1808 : vector<1x16xf32> to vector<16xf32>
        %mul3A_1810 = arith.mulf %get3A_1809, %broadcast_in_dim3A_1705 : vector<16xf32>
        %add3A_1811 = arith.constant 12 : i32
        %add3A_1812 = arith.addi %mul3A_326, %add3A_1811 : i32
        %swap3A_1813 = arith.index_cast %add3A_1812 : i32 to index
        %swap3A_1814 = arith.constant 112 : index
        %swap3A_1815 = tpu.vector_load %arg16[%swap3A_1813, %swap3A_1814] {strides = array<i32>} : memref<256x128xf32, #tpu.memory_space<vmem>>, vector<1x16xf32>,
        %swap3A_1816 = vector.shape_cast %swap3A_1815 : vector<1x16xf32> to vector<16xf32>
        %swap3A_1817 = vector.shape_cast %mul3A_1810 : vector<16xf32> to vector<1x16xf32>
        tpu.vector_store %arg16[%swap3A_1813, %swap3A_1814], %swap3A_1817 {strides = array<i32>} : memref<256x128xf32, #tpu.memory_space<vmem>>, vector<1x16xf32>,
        %slice3A_1818 = vector.extract_strided_slice %get3A_324 {offsets = [13], sizes = [1], strides = [1]} : vector<16xf32> to vector<1xf32>
        %squeeze3A_1819 = vector.extract %slice3A_1818[0] : f32 from vector<1xf32>
        %broadcast_in_dim3A_1820 = vector.broadcast %squeeze3A_1819 : f32 to vector<16xf32>
        %add3A_1821 = arith.constant 13 : i32
        %add3A_1822 = arith.addi %mul3A_326, %add3A_1821 : i32
        %get3A_1823 = arith.index_cast %add3A_1822 : i32 to index
        %get3A_1824 = arith.constant 0 : index
        %get3A_1825 = tpu.vector_load %arg16[%get3A_1823, %get3A_1824] {strides = array<i32>} : memref<256x128xf32, #tpu.memory_space<vmem>>, vector<1x16xf32>,
        %get3A_1826 = vector.shape_cast %get3A_1825 : vector<1x16xf32> to vector<16xf32>
        %mul3A_1827 = arith.mulf %get3A_1826, %broadcast_in_dim3A_1820 : vector<16xf32>
        %add3A_1828 = arith.constant 13 : i32
        %add3A_1829 = arith.addi %mul3A_326, %add3A_1828 : i32
        %swap3A_1830 = arith.index_cast %add3A_1829 : i32 to index
        %swap3A_1831 = arith.constant 0 : index
        %swap3A_1832 = tpu.vector_load %arg16[%swap3A_1830, %swap3A_1831] {strides = array<i32>} : memref<256x128xf32, #tpu.memory_space<vmem>>, vector<1x16xf32>,
        %swap3A_1833 = vector.shape_cast %swap3A_1832 : vector<1x16xf32> to vector<16xf32>
        %swap3A_1834 = vector.shape_cast %mul3A_1827 : vector<16xf32> to vector<1x16xf32>
        tpu.vector_store %arg16[%swap3A_1830, %swap3A_1831], %swap3A_1834 {strides = array<i32>} : memref<256x128xf32, #tpu.memory_space<vmem>>, vector<1x16xf32>,
        %add3A_1835 = arith.constant 13 : i32
        %add3A_1836 = arith.addi %mul3A_326, %add3A_1835 : i32
        %get3A_1837 = arith.index_cast %add3A_1836 : i32 to index
        %get3A_1838 = arith.constant 16 : index
        %get3A_1839 = tpu.vector_load %arg16[%get3A_1837, %get3A_1838] {strides = array<i32>} : memref<256x128xf32, #tpu.memory_space<vmem>>, vector<1x16xf32>,
        %get3A_1840 = vector.shape_cast %get3A_1839 : vector<1x16xf32> to vector<16xf32>
        %mul3A_1841 = arith.mulf %get3A_1840, %broadcast_in_dim3A_1820 : vector<16xf32>
        %add3A_1842 = arith.constant 13 : i32
        %add3A_1843 = arith.addi %mul3A_326, %add3A_1842 : i32
        %swap3A_1844 = arith.index_cast %add3A_1843 : i32 to index
        %swap3A_1845 = arith.constant 16 : index
        %swap3A_1846 = tpu.vector_load %arg16[%swap3A_1844, %swap3A_1845] {strides = array<i32>} : memref<256x128xf32, #tpu.memory_space<vmem>>, vector<1x16xf32>,
        %swap3A_1847 = vector.shape_cast %swap3A_1846 : vector<1x16xf32> to vector<16xf32>
        %swap3A_1848 = vector.shape_cast %mul3A_1841 : vector<16xf32> to vector<1x16xf32>
        tpu.vector_store %arg16[%swap3A_1844, %swap3A_1845], %swap3A_1848 {strides = array<i32>} : memref<256x128xf32, #tpu.memory_space<vmem>>, vector<1x16xf32>,
        %add3A_1849 = arith.constant 13 : i32
        %add3A_1850 = arith.addi %mul3A_326, %add3A_1849 : i32
        %get3A_1851 = arith.index_cast %add3A_1850 : i32 to index
        %get3A_1852 = arith.constant 32 : index
        %get3A_1853 = tpu.vector_load %arg16[%get3A_1851, %get3A_1852] {strides = array<i32>} : memref<256x128xf32, #tpu.memory_space<vmem>>, vector<1x16xf32>,
        %get3A_1854 = vector.shape_cast %get3A_1853 : vector<1x16xf32> to vector<16xf32>
        %mul3A_1855 = arith.mulf %get3A_1854, %broadcast_in_dim3A_1820 : vector<16xf32>
        %add3A_1856 = arith.constant 13 : i32
        %add3A_1857 = arith.addi %mul3A_326, %add3A_1856 : i32
        %swap3A_1858 = arith.index_cast %add3A_1857 : i32 to index
        %swap3A_1859 = arith.constant 32 : index
        %swap3A_1860 = tpu.vector_load %arg16[%swap3A_1858, %swap3A_1859] {strides = array<i32>} : memref<256x128xf32, #tpu.memory_space<vmem>>, vector<1x16xf32>,
        %swap3A_1861 = vector.shape_cast %swap3A_1860 : vector<1x16xf32> to vector<16xf32>
        %swap3A_1862 = vector.shape_cast %mul3A_1855 : vector<16xf32> to vector<1x16xf32>
        tpu.vector_store %arg16[%swap3A_1858, %swap3A_1859], %swap3A_1862 {strides = array<i32>} : memref<256x128xf32, #tpu.memory_space<vmem>>, vector<1x16xf32>,
        %add3A_1863 = arith.constant 13 : i32
        %add3A_1864 = arith.addi %mul3A_326, %add3A_1863 : i32
        %get3A_1865 = arith.index_cast %add3A_1864 : i32 to index
        %get3A_1866 = arith.constant 48 : index
        %get3A_1867 = tpu.vector_load %arg16[%get3A_1865, %get3A_1866] {strides = array<i32>} : memref<256x128xf32, #tpu.memory_space<vmem>>, vector<1x16xf32>,
        %get3A_1868 = vector.shape_cast %get3A_1867 : vector<1x16xf32> to vector<16xf32>
        %mul3A_1869 = arith.mulf %get3A_1868, %broadcast_in_dim3A_1820 : vector<16xf32>
        %add3A_1870 = arith.constant 13 : i32
        %add3A_1871 = arith.addi %mul3A_326, %add3A_1870 : i32
        %swap3A_1872 = arith.index_cast %add3A_1871 : i32 to index
        %swap3A_1873 = arith.constant 48 : index
        %swap3A_1874 = tpu.vector_load %arg16[%swap3A_1872, %swap3A_1873] {strides = array<i32>} : memref<256x128xf32, #tpu.memory_space<vmem>>, vector<1x16xf32>,
        %swap3A_1875 = vector.shape_cast %swap3A_1874 : vector<1x16xf32> to vector<16xf32>
        %swap3A_1876 = vector.shape_cast %mul3A_1869 : vector<16xf32> to vector<1x16xf32>
        tpu.vector_store %arg16[%swap3A_1872, %swap3A_1873], %swap3A_1876 {strides = array<i32>} : memref<256x128xf32, #tpu.memory_space<vmem>>, vector<1x16xf32>,
        %add3A_1877 = arith.constant 13 : i32
        %add3A_1878 = arith.addi %mul3A_326, %add3A_1877 : i32
        %get3A_1879 = arith.index_cast %add3A_1878 : i32 to index
        %get3A_1880 = arith.constant 64 : index
        %get3A_1881 = tpu.vector_load %arg16[%get3A_1879, %get3A_1880] {strides = array<i32>} : memref<256x128xf32, #tpu.memory_space<vmem>>, vector<1x16xf32>,
        %get3A_1882 = vector.shape_cast %get3A_1881 : vector<1x16xf32> to vector<16xf32>
        %mul3A_1883 = arith.mulf %get3A_1882, %broadcast_in_dim3A_1820 : vector<16xf32>
        %add3A_1884 = arith.constant 13 : i32
        %add3A_1885 = arith.addi %mul3A_326, %add3A_1884 : i32
        %swap3A_1886 = arith.index_cast %add3A_1885 : i32 to index
        %swap3A_1887 = arith.constant 64 : index
        %swap3A_1888 = tpu.vector_load %arg16[%swap3A_1886, %swap3A_1887] {strides = array<i32>} : memref<256x128xf32, #tpu.memory_space<vmem>>, vector<1x16xf32>,
        %swap3A_1889 = vector.shape_cast %swap3A_1888 : vector<1x16xf32> to vector<16xf32>
        %swap3A_1890 = vector.shape_cast %mul3A_1883 : vector<16xf32> to vector<1x16xf32>
        tpu.vector_store %arg16[%swap3A_1886, %swap3A_1887], %swap3A_1890 {strides = array<i32>} : memref<256x128xf32, #tpu.memory_space<vmem>>, vector<1x16xf32>,
        %add3A_1891 = arith.constant 13 : i32
        %add3A_1892 = arith.addi %mul3A_326, %add3A_1891 : i32
        %get3A_1893 = arith.index_cast %add3A_1892 : i32 to index
        %get3A_1894 = arith.constant 80 : index
        %get3A_1895 = tpu.vector_load %arg16[%get3A_1893, %get3A_1894] {strides = array<i32>} : memref<256x128xf32, #tpu.memory_space<vmem>>, vector<1x16xf32>,
        %get3A_1896 = vector.shape_cast %get3A_1895 : vector<1x16xf32> to vector<16xf32>
        %mul3A_1897 = arith.mulf %get3A_1896, %broadcast_in_dim3A_1820 : vector<16xf32>
        %add3A_1898 = arith.constant 13 : i32
        %add3A_1899 = arith.addi %mul3A_326, %add3A_1898 : i32
        %swap3A_1900 = arith.index_cast %add3A_1899 : i32 to index
        %swap3A_1901 = arith.constant 80 : index
        %swap3A_1902 = tpu.vector_load %arg16[%swap3A_1900, %swap3A_1901] {strides = array<i32>} : memref<256x128xf32, #tpu.memory_space<vmem>>, vector<1x16xf32>,
        %swap3A_1903 = vector.shape_cast %swap3A_1902 : vector<1x16xf32> to vector<16xf32>
        %swap3A_1904 = vector.shape_cast %mul3A_1897 : vector<16xf32> to vector<1x16xf32>
        tpu.vector_store %arg16[%swap3A_1900, %swap3A_1901], %swap3A_1904 {strides = array<i32>} : memref<256x128xf32, #tpu.memory_space<vmem>>, vector<1x16xf32>,
        %add3A_1905 = arith.constant 13 : i32
        %add3A_1906 = arith.addi %mul3A_326, %add3A_1905 : i32
        %get3A_1907 = arith.index_cast %add3A_1906 : i32 to index
        %get3A_1908 = arith.constant 96 : index
        %get3A_1909 = tpu.vector_load %arg16[%get3A_1907, %get3A_1908] {strides = array<i32>} : memref<256x128xf32, #tpu.memory_space<vmem>>, vector<1x16xf32>,
        %get3A_1910 = vector.shape_cast %get3A_1909 : vector<1x16xf32> to vector<16xf32>
        %mul3A_1911 = arith.mulf %get3A_1910, %broadcast_in_dim3A_1820 : vector<16xf32>
        %add3A_1912 = arith.constant 13 : i32
        %add3A_1913 = arith.addi %mul3A_326, %add3A_1912 : i32
        %swap3A_1914 = arith.index_cast %add3A_1913 : i32 to index
        %swap3A_1915 = arith.constant 96 : index
        %swap3A_1916 = tpu.vector_load %arg16[%swap3A_1914, %swap3A_1915] {strides = array<i32>} : memref<256x128xf32, #tpu.memory_space<vmem>>, vector<1x16xf32>,
        %swap3A_1917 = vector.shape_cast %swap3A_1916 : vector<1x16xf32> to vector<16xf32>
        %swap3A_1918 = vector.shape_cast %mul3A_1911 : vector<16xf32> to vector<1x16xf32>
        tpu.vector_store %arg16[%swap3A_1914, %swap3A_1915], %swap3A_1918 {strides = array<i32>} : memref<256x128xf32, #tpu.memory_space<vmem>>, vector<1x16xf32>,
        %add3A_1919 = arith.constant 13 : i32
        %add3A_1920 = arith.addi %mul3A_326, %add3A_1919 : i32
        %get3A_1921 = arith.index_cast %add3A_1920 : i32 to index
        %get3A_1922 = arith.constant 112 : index
        %get3A_1923 = tpu.vector_load %arg16[%get3A_1921, %get3A_1922] {strides = array<i32>} : memref<256x128xf32, #tpu.memory_space<vmem>>, vector<1x16xf32>,
        %get3A_1924 = vector.shape_cast %get3A_1923 : vector<1x16xf32> to vector<16xf32>
        %mul3A_1925 = arith.mulf %get3A_1924, %broadcast_in_dim3A_1820 : vector<16xf32>
        %add3A_1926 = arith.constant 13 : i32
        %add3A_1927 = arith.addi %mul3A_326, %add3A_1926 : i32
        %swap3A_1928 = arith.index_cast %add3A_1927 : i32 to index
        %swap3A_1929 = arith.constant 112 : index
        %swap3A_1930 = tpu.vector_load %arg16[%swap3A_1928, %swap3A_1929] {strides = array<i32>} : memref<256x128xf32, #tpu.memory_space<vmem>>, vector<1x16xf32>,
        %swap3A_1931 = vector.shape_cast %swap3A_1930 : vector<1x16xf32> to vector<16xf32>
        %swap3A_1932 = vector.shape_cast %mul3A_1925 : vector<16xf32> to vector<1x16xf32>
        tpu.vector_store %arg16[%swap3A_1928, %swap3A_1929], %swap3A_1932 {strides = array<i32>} : memref<256x128xf32, #tpu.memory_space<vmem>>, vector<1x16xf32>,
        %slice3A_1933 = vector.extract_strided_slice %get3A_324 {offsets = [14], sizes = [1], strides = [1]} : vector<16xf32> to vector<1xf32>
        %squeeze3A_1934 = vector.extract %slice3A_1933[0] : f32 from vector<1xf32>
        %broadcast_in_dim3A_1935 = vector.broadcast %squeeze3A_1934 : f32 to vector<16xf32>
        %add3A_1936 = arith.constant 14 : i32
        %add3A_1937 = arith.addi %mul3A_326, %add3A_1936 : i32
        %get3A_1938 = arith.index_cast %add3A_1937 : i32 to index
        %get3A_1939 = arith.constant 0 : index
        %get3A_1940 = tpu.vector_load %arg16[%get3A_1938, %get3A_1939] {strides = array<i32>} : memref<256x128xf32, #tpu.memory_space<vmem>>, vector<1x16xf32>,
        %get3A_1941 = vector.shape_cast %get3A_1940 : vector<1x16xf32> to vector<16xf32>
        %mul3A_1942 = arith.mulf %get3A_1941, %broadcast_in_dim3A_1935 : vector<16xf32>
        %add3A_1943 = arith.constant 14 : i32
        %add3A_1944 = arith.addi %mul3A_326, %add3A_1943 : i32
        %swap3A_1945 = arith.index_cast %add3A_1944 : i32 to index
        %swap3A_1946 = arith.constant 0 : index
        %swap3A_1947 = tpu.vector_load %arg16[%swap3A_1945, %swap3A_1946] {strides = array<i32>} : memref<256x128xf32, #tpu.memory_space<vmem>>, vector<1x16xf32>,
        %swap3A_1948 = vector.shape_cast %swap3A_1947 : vector<1x16xf32> to vector<16xf32>
        %swap3A_1949 = vector.shape_cast %mul3A_1942 : vector<16xf32> to vector<1x16xf32>
        tpu.vector_store %arg16[%swap3A_1945, %swap3A_1946], %swap3A_1949 {strides = array<i32>} : memref<256x128xf32, #tpu.memory_space<vmem>>, vector<1x16xf32>,
        %add3A_1950 = arith.constant 14 : i32
        %add3A_1951 = arith.addi %mul3A_326, %add3A_1950 : i32
        %get3A_1952 = arith.index_cast %add3A_1951 : i32 to index
        %get3A_1953 = arith.constant 16 : index
        %get3A_1954 = tpu.vector_load %arg16[%get3A_1952, %get3A_1953] {strides = array<i32>} : memref<256x128xf32, #tpu.memory_space<vmem>>, vector<1x16xf32>,
        %get3A_1955 = vector.shape_cast %get3A_1954 : vector<1x16xf32> to vector<16xf32>
        %mul3A_1956 = arith.mulf %get3A_1955, %broadcast_in_dim3A_1935 : vector<16xf32>
        %add3A_1957 = arith.constant 14 : i32
        %add3A_1958 = arith.addi %mul3A_326, %add3A_1957 : i32
        %swap3A_1959 = arith.index_cast %add3A_1958 : i32 to index
        %swap3A_1960 = arith.constant 16 : index
        %swap3A_1961 = tpu.vector_load %arg16[%swap3A_1959, %swap3A_1960] {strides = array<i32>} : memref<256x128xf32, #tpu.memory_space<vmem>>, vector<1x16xf32>,
        %swap3A_1962 = vector.shape_cast %swap3A_1961 : vector<1x16xf32> to vector<16xf32>
        %swap3A_1963 = vector.shape_cast %mul3A_1956 : vector<16xf32> to vector<1x16xf32>
        tpu.vector_store %arg16[%swap3A_1959, %swap3A_1960], %swap3A_1963 {strides = array<i32>} : memref<256x128xf32, #tpu.memory_space<vmem>>, vector<1x16xf32>,
        %add3A_1964 = arith.constant 14 : i32
        %add3A_1965 = arith.addi %mul3A_326, %add3A_1964 : i32
        %get3A_1966 = arith.index_cast %add3A_1965 : i32 to index
        %get3A_1967 = arith.constant 32 : index
        %get3A_1968 = tpu.vector_load %arg16[%get3A_1966, %get3A_1967] {strides = array<i32>} : memref<256x128xf32, #tpu.memory_space<vmem>>, vector<1x16xf32>,
        %get3A_1969 = vector.shape_cast %get3A_1968 : vector<1x16xf32> to vector<16xf32>
        %mul3A_1970 = arith.mulf %get3A_1969, %broadcast_in_dim3A_1935 : vector<16xf32>
        %add3A_1971 = arith.constant 14 : i32
        %add3A_1972 = arith.addi %mul3A_326, %add3A_1971 : i32
        %swap3A_1973 = arith.index_cast %add3A_1972 : i32 to index
        %swap3A_1974 = arith.constant 32 : index
        %swap3A_1975 = tpu.vector_load %arg16[%swap3A_1973, %swap3A_1974] {strides = array<i32>} : memref<256x128xf32, #tpu.memory_space<vmem>>, vector<1x16xf32>,
        %swap3A_1976 = vector.shape_cast %swap3A_1975 : vector<1x16xf32> to vector<16xf32>
        %swap3A_1977 = vector.shape_cast %mul3A_1970 : vector<16xf32> to vector<1x16xf32>
        tpu.vector_store %arg16[%swap3A_1973, %swap3A_1974], %swap3A_1977 {strides = array<i32>} : memref<256x128xf32, #tpu.memory_space<vmem>>, vector<1x16xf32>,
        %add3A_1978 = arith.constant 14 : i32
        %add3A_1979 = arith.addi %mul3A_326, %add3A_1978 : i32
        %get3A_1980 = arith.index_cast %add3A_1979 : i32 to index
        %get3A_1981 = arith.constant 48 : index
        %get3A_1982 = tpu.vector_load %arg16[%get3A_1980, %get3A_1981] {strides = array<i32>} : memref<256x128xf32, #tpu.memory_space<vmem>>, vector<1x16xf32>,
        %get3A_1983 = vector.shape_cast %get3A_1982 : vector<1x16xf32> to vector<16xf32>
        %mul3A_1984 = arith.mulf %get3A_1983, %broadcast_in_dim3A_1935 : vector<16xf32>
        %add3A_1985 = arith.constant 14 : i32
        %add3A_1986 = arith.addi %mul3A_326, %add3A_1985 : i32
        %swap3A_1987 = arith.index_cast %add3A_1986 : i32 to index
        %swap3A_1988 = arith.constant 48 : index
        %swap3A_1989 = tpu.vector_load %arg16[%swap3A_1987, %swap3A_1988] {strides = array<i32>} : memref<256x128xf32, #tpu.memory_space<vmem>>, vector<1x16xf32>,
        %swap3A_1990 = vector.shape_cast %swap3A_1989 : vector<1x16xf32> to vector<16xf32>
        %swap3A_1991 = vector.shape_cast %mul3A_1984 : vector<16xf32> to vector<1x16xf32>
        tpu.vector_store %arg16[%swap3A_1987, %swap3A_1988], %swap3A_1991 {strides = array<i32>} : memref<256x128xf32, #tpu.memory_space<vmem>>, vector<1x16xf32>,
        %add3A_1992 = arith.constant 14 : i32
        %add3A_1993 = arith.addi %mul3A_326, %add3A_1992 : i32
        %get3A_1994 = arith.index_cast %add3A_1993 : i32 to index
        %get3A_1995 = arith.constant 64 : index
        %get3A_1996 = tpu.vector_load %arg16[%get3A_1994, %get3A_1995] {strides = array<i32>} : memref<256x128xf32, #tpu.memory_space<vmem>>, vector<1x16xf32>,
        %get3A_1997 = vector.shape_cast %get3A_1996 : vector<1x16xf32> to vector<16xf32>
        %mul3A_1998 = arith.mulf %get3A_1997, %broadcast_in_dim3A_1935 : vector<16xf32>
        %add3A_1999 = arith.constant 14 : i32
        %add3A_2000 = arith.addi %mul3A_326, %add3A_1999 : i32
        %swap3A_2001 = arith.index_cast %add3A_2000 : i32 to index
        %swap3A_2002 = arith.constant 64 : index
        %swap3A_2003 = tpu.vector_load %arg16[%swap3A_2001, %swap3A_2002] {strides = array<i32>} : memref<256x128xf32, #tpu.memory_space<vmem>>, vector<1x16xf32>,
        %swap3A_2004 = vector.shape_cast %swap3A_2003 : vector<1x16xf32> to vector<16xf32>
        %swap3A_2005 = vector.shape_cast %mul3A_1998 : vector<16xf32> to vector<1x16xf32>
        tpu.vector_store %arg16[%swap3A_2001, %swap3A_2002], %swap3A_2005 {strides = array<i32>} : memref<256x128xf32, #tpu.memory_space<vmem>>, vector<1x16xf32>,
        %add3A_2006 = arith.constant 14 : i32
        %add3A_2007 = arith.addi %mul3A_326, %add3A_2006 : i32
        %get3A_2008 = arith.index_cast %add3A_2007 : i32 to index
        %get3A_2009 = arith.constant 80 : index
        %get3A_2010 = tpu.vector_load %arg16[%get3A_2008, %get3A_2009] {strides = array<i32>} : memref<256x128xf32, #tpu.memory_space<vmem>>, vector<1x16xf32>,
        %get3A_2011 = vector.shape_cast %get3A_2010 : vector<1x16xf32> to vector<16xf32>
        %mul3A_2012 = arith.mulf %get3A_2011, %broadcast_in_dim3A_1935 : vector<16xf32>
        %add3A_2013 = arith.constant 14 : i32
        %add3A_2014 = arith.addi %mul3A_326, %add3A_2013 : i32
        %swap3A_2015 = arith.index_cast %add3A_2014 : i32 to index
        %swap3A_2016 = arith.constant 80 : index
        %swap3A_2017 = tpu.vector_load %arg16[%swap3A_2015, %swap3A_2016] {strides = array<i32>} : memref<256x128xf32, #tpu.memory_space<vmem>>, vector<1x16xf32>,
        %swap3A_2018 = vector.shape_cast %swap3A_2017 : vector<1x16xf32> to vector<16xf32>
        %swap3A_2019 = vector.shape_cast %mul3A_2012 : vector<16xf32> to vector<1x16xf32>
        tpu.vector_store %arg16[%swap3A_2015, %swap3A_2016], %swap3A_2019 {strides = array<i32>} : memref<256x128xf32, #tpu.memory_space<vmem>>, vector<1x16xf32>,
        %add3A_2020 = arith.constant 14 : i32
        %add3A_2021 = arith.addi %mul3A_326, %add3A_2020 : i32
        %get3A_2022 = arith.index_cast %add3A_2021 : i32 to index
        %get3A_2023 = arith.constant 96 : index
        %get3A_2024 = tpu.vector_load %arg16[%get3A_2022, %get3A_2023] {strides = array<i32>} : memref<256x128xf32, #tpu.memory_space<vmem>>, vector<1x16xf32>,
        %get3A_2025 = vector.shape_cast %get3A_2024 : vector<1x16xf32> to vector<16xf32>
        %mul3A_2026 = arith.mulf %get3A_2025, %broadcast_in_dim3A_1935 : vector<16xf32>
        %add3A_2027 = arith.constant 14 : i32
        %add3A_2028 = arith.addi %mul3A_326, %add3A_2027 : i32
        %swap3A_2029 = arith.index_cast %add3A_2028 : i32 to index
        %swap3A_2030 = arith.constant 96 : index
        %swap3A_2031 = tpu.vector_load %arg16[%swap3A_2029, %swap3A_2030] {strides = array<i32>} : memref<256x128xf32, #tpu.memory_space<vmem>>, vector<1x16xf32>,
        %swap3A_2032 = vector.shape_cast %swap3A_2031 : vector<1x16xf32> to vector<16xf32>
        %swap3A_2033 = vector.shape_cast %mul3A_2026 : vector<16xf32> to vector<1x16xf32>
        tpu.vector_store %arg16[%swap3A_2029, %swap3A_2030], %swap3A_2033 {strides = array<i32>} : memref<256x128xf32, #tpu.memory_space<vmem>>, vector<1x16xf32>,
        %add3A_2034 = arith.constant 14 : i32
        %add3A_2035 = arith.addi %mul3A_326, %add3A_2034 : i32
        %get3A_2036 = arith.index_cast %add3A_2035 : i32 to index
        %get3A_2037 = arith.constant 112 : index
        %get3A_2038 = tpu.vector_load %arg16[%get3A_2036, %get3A_2037] {strides = array<i32>} : memref<256x128xf32, #tpu.memory_space<vmem>>, vector<1x16xf32>,
        %get3A_2039 = vector.shape_cast %get3A_2038 : vector<1x16xf32> to vector<16xf32>
        %mul3A_2040 = arith.mulf %get3A_2039, %broadcast_in_dim3A_1935 : vector<16xf32>
        %add3A_2041 = arith.constant 14 : i32
        %add3A_2042 = arith.addi %mul3A_326, %add3A_2041 : i32
        %swap3A_2043 = arith.index_cast %add3A_2042 : i32 to index
        %swap3A_2044 = arith.constant 112 : index
        %swap3A_2045 = tpu.vector_load %arg16[%swap3A_2043, %swap3A_2044] {strides = array<i32>} : memref<256x128xf32, #tpu.memory_space<vmem>>, vector<1x16xf32>,
        %swap3A_2046 = vector.shape_cast %swap3A_2045 : vector<1x16xf32> to vector<16xf32>
        %swap3A_2047 = vector.shape_cast %mul3A_2040 : vector<16xf32> to vector<1x16xf32>
        tpu.vector_store %arg16[%swap3A_2043, %swap3A_2044], %swap3A_2047 {strides = array<i32>} : memref<256x128xf32, #tpu.memory_space<vmem>>, vector<1x16xf32>,
        %slice3A_2048 = vector.extract_strided_slice %get3A_324 {offsets = [15], sizes = [1], strides = [1]} : vector<16xf32> to vector<1xf32>
        %squeeze3A_2049 = vector.extract %slice3A_2048[0] : f32 from vector<1xf32>
        %broadcast_in_dim3A_2050 = vector.broadcast %squeeze3A_2049 : f32 to vector<16xf32>
        %add3A_2051 = arith.constant 15 : i32
        %add3A_2052 = arith.addi %mul3A_326, %add3A_2051 : i32
        %get3A_2053 = arith.index_cast %add3A_2052 : i32 to index
        %get3A_2054 = arith.constant 0 : index
        %get3A_2055 = tpu.vector_load %arg16[%get3A_2053, %get3A_2054] {strides = array<i32>} : memref<256x128xf32, #tpu.memory_space<vmem>>, vector<1x16xf32>,
        %get3A_2056 = vector.shape_cast %get3A_2055 : vector<1x16xf32> to vector<16xf32>
        %mul3A_2057 = arith.mulf %get3A_2056, %broadcast_in_dim3A_2050 : vector<16xf32>
        %add3A_2058 = arith.constant 15 : i32
        %add3A_2059 = arith.addi %mul3A_326, %add3A_2058 : i32
        %swap3A_2060 = arith.index_cast %add3A_2059 : i32 to index
        %swap3A_2061 = arith.constant 0 : index
        %swap3A_2062 = tpu.vector_load %arg16[%swap3A_2060, %swap3A_2061] {strides = array<i32>} : memref<256x128xf32, #tpu.memory_space<vmem>>, vector<1x16xf32>,
        %swap3A_2063 = vector.shape_cast %swap3A_2062 : vector<1x16xf32> to vector<16xf32>
        %swap3A_2064 = vector.shape_cast %mul3A_2057 : vector<16xf32> to vector<1x16xf32>
        tpu.vector_store %arg16[%swap3A_2060, %swap3A_2061], %swap3A_2064 {strides = array<i32>} : memref<256x128xf32, #tpu.memory_space<vmem>>, vector<1x16xf32>,
        %add3A_2065 = arith.constant 15 : i32
        %add3A_2066 = arith.addi %mul3A_326, %add3A_2065 : i32
        %get3A_2067 = arith.index_cast %add3A_2066 : i32 to index
        %get3A_2068 = arith.constant 16 : index
        %get3A_2069 = tpu.vector_load %arg16[%get3A_2067, %get3A_2068] {strides = array<i32>} : memref<256x128xf32, #tpu.memory_space<vmem>>, vector<1x16xf32>,
        %get3A_2070 = vector.shape_cast %get3A_2069 : vector<1x16xf32> to vector<16xf32>
        %mul3A_2071 = arith.mulf %get3A_2070, %broadcast_in_dim3A_2050 : vector<16xf32>
        %add3A_2072 = arith.constant 15 : i32
        %add3A_2073 = arith.addi %mul3A_326, %add3A_2072 : i32
        %swap3A_2074 = arith.index_cast %add3A_2073 : i32 to index
        %swap3A_2075 = arith.constant 16 : index
        %swap3A_2076 = tpu.vector_load %arg16[%swap3A_2074, %swap3A_2075] {strides = array<i32>} : memref<256x128xf32, #tpu.memory_space<vmem>>, vector<1x16xf32>,
        %swap3A_2077 = vector.shape_cast %swap3A_2076 : vector<1x16xf32> to vector<16xf32>
        %swap3A_2078 = vector.shape_cast %mul3A_2071 : vector<16xf32> to vector<1x16xf32>
        tpu.vector_store %arg16[%swap3A_2074, %swap3A_2075], %swap3A_2078 {strides = array<i32>} : memref<256x128xf32, #tpu.memory_space<vmem>>, vector<1x16xf32>,
        %add3A_2079 = arith.constant 15 : i32
        %add3A_2080 = arith.addi %mul3A_326, %add3A_2079 : i32
        %get3A_2081 = arith.index_cast %add3A_2080 : i32 to index
        %get3A_2082 = arith.constant 32 : index
        %get3A_2083 = tpu.vector_load %arg16[%get3A_2081, %get3A_2082] {strides = array<i32>} : memref<256x128xf32, #tpu.memory_space<vmem>>, vector<1x16xf32>,
        %get3A_2084 = vector.shape_cast %get3A_2083 : vector<1x16xf32> to vector<16xf32>
        %mul3A_2085 = arith.mulf %get3A_2084, %broadcast_in_dim3A_2050 : vector<16xf32>
        %add3A_2086 = arith.constant 15 : i32
        %add3A_2087 = arith.addi %mul3A_326, %add3A_2086 : i32
        %swap3A_2088 = arith.index_cast %add3A_2087 : i32 to index
        %swap3A_2089 = arith.constant 32 : index
        %swap3A_2090 = tpu.vector_load %arg16[%swap3A_2088, %swap3A_2089] {strides = array<i32>} : memref<256x128xf32, #tpu.memory_space<vmem>>, vector<1x16xf32>,
        %swap3A_2091 = vector.shape_cast %swap3A_2090 : vector<1x16xf32> to vector<16xf32>
        %swap3A_2092 = vector.shape_cast %mul3A_2085 : vector<16xf32> to vector<1x16xf32>
        tpu.vector_store %arg16[%swap3A_2088, %swap3A_2089], %swap3A_2092 {strides = array<i32>} : memref<256x128xf32, #tpu.memory_space<vmem>>, vector<1x16xf32>,
        %add3A_2093 = arith.constant 15 : i32
        %add3A_2094 = arith.addi %mul3A_326, %add3A_2093 : i32
        %get3A_2095 = arith.index_cast %add3A_2094 : i32 to index
        %get3A_2096 = arith.constant 48 : index
        %get3A_2097 = tpu.vector_load %arg16[%get3A_2095, %get3A_2096] {strides = array<i32>} : memref<256x128xf32, #tpu.memory_space<vmem>>, vector<1x16xf32>,
        %get3A_2098 = vector.shape_cast %get3A_2097 : vector<1x16xf32> to vector<16xf32>
        %mul3A_2099 = arith.mulf %get3A_2098, %broadcast_in_dim3A_2050 : vector<16xf32>
        %add3A_2100 = arith.constant 15 : i32
        %add3A_2101 = arith.addi %mul3A_326, %add3A_2100 : i32
        %swap3A_2102 = arith.index_cast %add3A_2101 : i32 to index
        %swap3A_2103 = arith.constant 48 : index
        %swap3A_2104 = tpu.vector_load %arg16[%swap3A_2102, %swap3A_2103] {strides = array<i32>} : memref<256x128xf32, #tpu.memory_space<vmem>>, vector<1x16xf32>,
        %swap3A_2105 = vector.shape_cast %swap3A_2104 : vector<1x16xf32> to vector<16xf32>
        %swap3A_2106 = vector.shape_cast %mul3A_2099 : vector<16xf32> to vector<1x16xf32>
        tpu.vector_store %arg16[%swap3A_2102, %swap3A_2103], %swap3A_2106 {strides = array<i32>} : memref<256x128xf32, #tpu.memory_space<vmem>>, vector<1x16xf32>,
        %add3A_2107 = arith.constant 15 : i32
        %add3A_2108 = arith.addi %mul3A_326, %add3A_2107 : i32
        %get3A_2109 = arith.index_cast %add3A_2108 : i32 to index
        %get3A_2110 = arith.constant 64 : index
        %get3A_2111 = tpu.vector_load %arg16[%get3A_2109, %get3A_2110] {strides = array<i32>} : memref<256x128xf32, #tpu.memory_space<vmem>>, vector<1x16xf32>,
        %get3A_2112 = vector.shape_cast %get3A_2111 : vector<1x16xf32> to vector<16xf32>
        %mul3A_2113 = arith.mulf %get3A_2112, %broadcast_in_dim3A_2050 : vector<16xf32>
        %add3A_2114 = arith.constant 15 : i32
        %add3A_2115 = arith.addi %mul3A_326, %add3A_2114 : i32
        %swap3A_2116 = arith.index_cast %add3A_2115 : i32 to index
        %swap3A_2117 = arith.constant 64 : index
        %swap3A_2118 = tpu.vector_load %arg16[%swap3A_2116, %swap3A_2117] {strides = array<i32>} : memref<256x128xf32, #tpu.memory_space<vmem>>, vector<1x16xf32>,
        %swap3A_2119 = vector.shape_cast %swap3A_2118 : vector<1x16xf32> to vector<16xf32>
        %swap3A_2120 = vector.shape_cast %mul3A_2113 : vector<16xf32> to vector<1x16xf32>
        tpu.vector_store %arg16[%swap3A_2116, %swap3A_2117], %swap3A_2120 {strides = array<i32>} : memref<256x128xf32, #tpu.memory_space<vmem>>, vector<1x16xf32>,
        %add3A_2121 = arith.constant 15 : i32
        %add3A_2122 = arith.addi %mul3A_326, %add3A_2121 : i32
        %get3A_2123 = arith.index_cast %add3A_2122 : i32 to index
        %get3A_2124 = arith.constant 80 : index
        %get3A_2125 = tpu.vector_load %arg16[%get3A_2123, %get3A_2124] {strides = array<i32>} : memref<256x128xf32, #tpu.memory_space<vmem>>, vector<1x16xf32>,
        %get3A_2126 = vector.shape_cast %get3A_2125 : vector<1x16xf32> to vector<16xf32>
        %mul3A_2127 = arith.mulf %get3A_2126, %broadcast_in_dim3A_2050 : vector<16xf32>
        %add3A_2128 = arith.constant 15 : i32
        %add3A_2129 = arith.addi %mul3A_326, %add3A_2128 : i32
        %swap3A_2130 = arith.index_cast %add3A_2129 : i32 to index
        %swap3A_2131 = arith.constant 80 : index
        %swap3A_2132 = tpu.vector_load %arg16[%swap3A_2130, %swap3A_2131] {strides = array<i32>} : memref<256x128xf32, #tpu.memory_space<vmem>>, vector<1x16xf32>,
        %swap3A_2133 = vector.shape_cast %swap3A_2132 : vector<1x16xf32> to vector<16xf32>
        %swap3A_2134 = vector.shape_cast %mul3A_2127 : vector<16xf32> to vector<1x16xf32>
        tpu.vector_store %arg16[%swap3A_2130, %swap3A_2131], %swap3A_2134 {strides = array<i32>} : memref<256x128xf32, #tpu.memory_space<vmem>>, vector<1x16xf32>,
        %add3A_2135 = arith.constant 15 : i32
        %add3A_2136 = arith.addi %mul3A_326, %add3A_2135 : i32
        %get3A_2137 = arith.index_cast %add3A_2136 : i32 to index
        %get3A_2138 = arith.constant 96 : index
        %get3A_2139 = tpu.vector_load %arg16[%get3A_2137, %get3A_2138] {strides = array<i32>} : memref<256x128xf32, #tpu.memory_space<vmem>>, vector<1x16xf32>,
        %get3A_2140 = vector.shape_cast %get3A_2139 : vector<1x16xf32> to vector<16xf32>
        %mul3A_2141 = arith.mulf %get3A_2140, %broadcast_in_dim3A_2050 : vector<16xf32>
        %add3A_2142 = arith.constant 15 : i32
        %add3A_2143 = arith.addi %mul3A_326, %add3A_2142 : i32
        %swap3A_2144 = arith.index_cast %add3A_2143 : i32 to index
        %swap3A_2145 = arith.constant 96 : index
        %swap3A_2146 = tpu.vector_load %arg16[%swap3A_2144, %swap3A_2145] {strides = array<i32>} : memref<256x128xf32, #tpu.memory_space<vmem>>, vector<1x16xf32>,
        %swap3A_2147 = vector.shape_cast %swap3A_2146 : vector<1x16xf32> to vector<16xf32>
        %swap3A_2148 = vector.shape_cast %mul3A_2141 : vector<16xf32> to vector<1x16xf32>
        tpu.vector_store %arg16[%swap3A_2144, %swap3A_2145], %swap3A_2148 {strides = array<i32>} : memref<256x128xf32, #tpu.memory_space<vmem>>, vector<1x16xf32>,
        %add3A_2149 = arith.constant 15 : i32
        %add3A_2150 = arith.addi %mul3A_326, %add3A_2149 : i32
        %get3A_2151 = arith.index_cast %add3A_2150 : i32 to index
        %get3A_2152 = arith.constant 112 : index
        %get3A_2153 = tpu.vector_load %arg16[%get3A_2151, %get3A_2152] {strides = array<i32>} : memref<256x128xf32, #tpu.memory_space<vmem>>, vector<1x16xf32>,
        %get3A_2154 = vector.shape_cast %get3A_2153 : vector<1x16xf32> to vector<16xf32>
        %mul3A_2155 = arith.mulf %get3A_2154, %broadcast_in_dim3A_2050 : vector<16xf32>
        %add3A_2156 = arith.constant 15 : i32
        %add3A_2157 = arith.addi %mul3A_326, %add3A_2156 : i32
        %swap3A_2158 = arith.index_cast %add3A_2157 : i32 to index
        %swap3A_2159 = arith.constant 112 : index
        %swap3A_2160 = tpu.vector_load %arg16[%swap3A_2158, %swap3A_2159] {strides = array<i32>} : memref<256x128xf32, #tpu.memory_space<vmem>>, vector<1x16xf32>,
        %swap3A_2161 = vector.shape_cast %swap3A_2160 : vector<1x16xf32> to vector<16xf32>
        %swap3A_2162 = vector.shape_cast %mul3A_2155 : vector<16xf32> to vector<1x16xf32>
        tpu.vector_store %arg16[%swap3A_2158, %swap3A_2159], %swap3A_2162 {strides = array<i32>} : memref<256x128xf32, #tpu.memory_space<vmem>>, vector<1x16xf32>,
        %scan3A_2163 = arith.constant 0 : i32
        scf.yield %scan3A_2163 : i32
      }
      %scan3A_238 = arith.constant 16 : i32
      %dma_start3A_239 = arith.constant 0 : i32
      %dma_start3A_240 = arith.constant 0 : i32
      %dma_start3A_241 = arith.constant 0 : i32
      %dma_start3A_242 = tpu.memref_slice %arg16[%dma_start3A_240, %dma_start3A_241] : memref<256x128xf32, #tpu.memory_space<vmem>> -> memref<64x128xf32, #tpu.memory_space<vmem>>
      %dma_start3A_243 = arith.constant 0 : i32
      %dma_start3A_244 = tpu.memref_slice %arg10[%dma_start3A_239, %dma_start3A_243] : memref<4x64xi32, #tpu.memory_space<vmem>> -> memref<1x64xi32, #tpu.memory_space<vmem>>
      %dma_start3A_245 = tpu.memref_squeeze %dma_start3A_244 : memref<1x64xi32, #tpu.memory_space<vmem>> -> memref<64xi32, #tpu.memory_space<vmem>>
      %dma_start3A_246 = arith.constant 0 : i32
      %dma_start3A_247 = arith.constant 0 : i32
      %dma_start3A_248 = tpu.memref_slice %arg9[%dma_start3A_246, %dma_start3A_247] : memref<10000x128xf32, #tpu.memory_space<vmem_shared>> -> memref<10000x128xf32, #tpu.memory_space<vmem_shared>>
      tpu.enqueue_indirect_dma source(%dma_start3A_242 : memref<64x128xf32, #tpu.memory_space<vmem>>) target(%dma_start3A_248 : memref<10000x128xf32, #tpu.memory_space<vmem_shared>>) offsets(%dma_start3A_245 : memref<64xi32, #tpu.memory_space<vmem>>) semaphore(%arg18 : memref<!tpu.dma_semaphore, #tpu.memory_space<semaphore_mem>>) {add = true}
      %dma_start3A_249 = arith.constant 1 : i32
      %dma_start3A_250 = arith.constant 64 : i32
      %dma_start3A_251 = arith.constant 0 : i32
      %dma_start3A_252 = tpu.memref_slice %arg16[%dma_start3A_250, %dma_start3A_251] : memref<256x128xf32, #tpu.memory_space<vmem>> -> memref<64x128xf32, #tpu.memory_space<vmem>>
      %dma_start3A_253 = arith.constant 0 : i32
      %dma_start3A_254 = tpu.memref_slice %arg10[%dma_start3A_249, %dma_start3A_253] : memref<4x64xi32, #tpu.memory_space<vmem>> -> memref<1x64xi32, #tpu.memory_space<vmem>>
      %dma_start3A_255 = tpu.memref_squeeze %dma_start3A_254 : memref<1x64xi32, #tpu.memory_space<vmem>> -> memref<64xi32, #tpu.memory_space<vmem>>
      %dma_start3A_256 = arith.constant 0 : i32
      %dma_start3A_257 = arith.constant 0 : i32
      %dma_start3A_258 = tpu.memref_slice %arg9[%dma_start3A_256, %dma_start3A_257] : memref<10000x128xf32, #tpu.memory_space<vmem_shared>> -> memref<10000x128xf32, #tpu.memory_space<vmem_shared>>
      tpu.enqueue_indirect_dma source(%dma_start3A_252 : memref<64x128xf32, #tpu.memory_space<vmem>>) target(%dma_start3A_258 : memref<10000x128xf32, #tpu.memory_space<vmem_shared>>) offsets(%dma_start3A_255 : memref<64xi32, #tpu.memory_space<vmem>>) semaphore(%arg18 : memref<!tpu.dma_semaphore, #tpu.memory_space<semaphore_mem>>) {add = true}
      %dma_start3A_259 = arith.constant 2 : i32
      %dma_start3A_260 = arith.constant 128 : i32
      %dma_start3A_261 = arith.constant 0 : i32
      %dma_start3A_262 = tpu.memref_slice %arg16[%dma_start3A_260, %dma_start3A_261] : memref<256x128xf32, #tpu.memory_space<vmem>> -> memref<64x128xf32, #tpu.memory_space<vmem>>
      %dma_start3A_263 = arith.constant 0 : i32
      %dma_start3A_264 = tpu.memref_slice %arg10[%dma_start3A_259, %dma_start3A_263] : memref<4x64xi32, #tpu.memory_space<vmem>> -> memref<1x64xi32, #tpu.memory_space<vmem>>
      %dma_start3A_265 = tpu.memref_squeeze %dma_start3A_264 : memref<1x64xi32, #tpu.memory_space<vmem>> -> memref<64xi32, #tpu.memory_space<vmem>>
      %dma_start3A_266 = arith.constant 0 : i32
      %dma_start3A_267 = arith.constant 0 : i32
      %dma_start3A_268 = tpu.memref_slice %arg9[%dma_start3A_266, %dma_start3A_267] : memref<10000x128xf32, #tpu.memory_space<vmem_shared>> -> memref<10000x128xf32, #tpu.memory_space<vmem_shared>>
      tpu.enqueue_indirect_dma source(%dma_start3A_262 : memref<64x128xf32, #tpu.memory_space<vmem>>) target(%dma_start3A_268 : memref<10000x128xf32, #tpu.memory_space<vmem_shared>>) offsets(%dma_start3A_265 : memref<64xi32, #tpu.memory_space<vmem>>) semaphore(%arg18 : memref<!tpu.dma_semaphore, #tpu.memory_space<semaphore_mem>>) {add = true}
      %dma_start3A_269 = arith.constant 3 : i32
      %dma_start3A_270 = arith.constant 192 : i32
      %dma_start3A_271 = arith.constant 0 : i32
      %dma_start3A_272 = tpu.memref_slice %arg16[%dma_start3A_270, %dma_start3A_271] : memref<256x128xf32, #tpu.memory_space<vmem>> -> memref<64x128xf32, #tpu.memory_space<vmem>>
      %dma_start3A_273 = arith.constant 0 : i32
      %dma_start3A_274 = tpu.memref_slice %arg10[%dma_start3A_269, %dma_start3A_273] : memref<4x64xi32, #tpu.memory_space<vmem>> -> memref<1x64xi32, #tpu.memory_space<vmem>>
      %dma_start3A_275 = tpu.memref_squeeze %dma_start3A_274 : memref<1x64xi32, #tpu.memory_space<vmem>> -> memref<64xi32, #tpu.memory_space<vmem>>
      %dma_start3A_276 = arith.constant 0 : i32
      %dma_start3A_277 = arith.constant 0 : i32
      %dma_start3A_278 = tpu.memref_slice %arg9[%dma_start3A_276, %dma_start3A_277] : memref<10000x128xf32, #tpu.memory_space<vmem_shared>> -> memref<10000x128xf32, #tpu.memory_space<vmem_shared>>
      tpu.enqueue_indirect_dma source(%dma_start3A_272 : memref<64x128xf32, #tpu.memory_space<vmem>>) target(%dma_start3A_278 : memref<10000x128xf32, #tpu.memory_space<vmem_shared>>) offsets(%dma_start3A_275 : memref<64xi32, #tpu.memory_space<vmem>>) semaphore(%arg18 : memref<!tpu.dma_semaphore, #tpu.memory_space<semaphore_mem>>) {add = true}
      %dma_wait3A_279 = arith.constant 0 : i32
      %dma_wait3A_280 = arith.constant 0 : i32
      %dma_wait3A_281 = arith.constant 0 : i32
      %dma_wait3A_282 = tpu.memref_slice %arg16[%dma_wait3A_280, %dma_wait3A_281] : memref<256x128xf32, #tpu.memory_space<vmem>> -> memref<64x128xf32, #tpu.memory_space<vmem>>
      %dma_wait3A_283 = arith.constant 0 : i32
      %dma_wait3A_284 = tpu.memref_slice %arg10[%dma_wait3A_279, %dma_wait3A_283] : memref<4x64xi32, #tpu.memory_space<vmem>> -> memref<1x64xi32, #tpu.memory_space<vmem>>
      %dma_wait3A_285 = tpu.memref_squeeze %dma_wait3A_284 : memref<1x64xi32, #tpu.memory_space<vmem>> -> memref<64xi32, #tpu.memory_space<vmem>>
      %dma_wait3A_286 = arith.constant 0 : i32
      %dma_wait3A_287 = arith.constant 0 : i32
      %dma_wait3A_288 = tpu.memref_slice %arg9[%dma_wait3A_286, %dma_wait3A_287] : memref<10000x128xf32, #tpu.memory_space<vmem_shared>> -> memref<10000x128xf32, #tpu.memory_space<vmem_shared>>
      tpu.wait_indirect_dma semaphore(%arg18 : memref<!tpu.dma_semaphore, #tpu.memory_space<semaphore_mem>>) src(%dma_wait3A_282 : memref<64x128xf32, #tpu.memory_space<vmem>>) dst(%dma_wait3A_288 : memref<10000x128xf32, #tpu.memory_space<vmem_shared>>)
      %dma_wait3A_289 = arith.constant 1 : i32
      %dma_wait3A_290 = arith.constant 64 : i32
      %dma_wait3A_291 = arith.constant 0 : i32
      %dma_wait3A_292 = tpu.memref_slice %arg16[%dma_wait3A_290, %dma_wait3A_291] : memref<256x128xf32, #tpu.memory_space<vmem>> -> memref<64x128xf32, #tpu.memory_space<vmem>>
      %dma_wait3A_293 = arith.constant 0 : i32
      %dma_wait3A_294 = tpu.memref_slice %arg10[%dma_wait3A_289, %dma_wait3A_293] : memref<4x64xi32, #tpu.memory_space<vmem>> -> memref<1x64xi32, #tpu.memory_space<vmem>>
      %dma_wait3A_295 = tpu.memref_squeeze %dma_wait3A_294 : memref<1x64xi32, #tpu.memory_space<vmem>> -> memref<64xi32, #tpu.memory_space<vmem>>
      %dma_wait3A_296 = arith.constant 0 : i32
      %dma_wait3A_297 = arith.constant 0 : i32
      %dma_wait3A_298 = tpu.memref_slice %arg9[%dma_wait3A_296, %dma_wait3A_297] : memref<10000x128xf32, #tpu.memory_space<vmem_shared>> -> memref<10000x128xf32, #tpu.memory_space<vmem_shared>>
      tpu.wait_indirect_dma semaphore(%arg18 : memref<!tpu.dma_semaphore, #tpu.memory_space<semaphore_mem>>) src(%dma_wait3A_292 : memref<64x128xf32, #tpu.memory_space<vmem>>) dst(%dma_wait3A_298 : memref<10000x128xf32, #tpu.memory_space<vmem_shared>>)
      %dma_wait3A_299 = arith.constant 2 : i32
      %dma_wait3A_300 = arith.constant 128 : i32
      %dma_wait3A_301 = arith.constant 0 : i32
      %dma_wait3A_302 = tpu.memref_slice %arg16[%dma_wait3A_300, %dma_wait3A_301] : memref<256x128xf32, #tpu.memory_space<vmem>> -> memref<64x128xf32, #tpu.memory_space<vmem>>
      %dma_wait3A_303 = arith.constant 0 : i32
      %dma_wait3A_304 = tpu.memref_slice %arg10[%dma_wait3A_299, %dma_wait3A_303] : memref<4x64xi32, #tpu.memory_space<vmem>> -> memref<1x64xi32, #tpu.memory_space<vmem>>
      %dma_wait3A_305 = tpu.memref_squeeze %dma_wait3A_304 : memref<1x64xi32, #tpu.memory_space<vmem>> -> memref<64xi32, #tpu.memory_space<vmem>>
      %dma_wait3A_306 = arith.constant 0 : i32
      %dma_wait3A_307 = arith.constant 0 : i32
      %dma_wait3A_308 = tpu.memref_slice %arg9[%dma_wait3A_306, %dma_wait3A_307] : memref<10000x128xf32, #tpu.memory_space<vmem_shared>> -> memref<10000x128xf32, #tpu.memory_space<vmem_shared>>
      tpu.wait_indirect_dma semaphore(%arg18 : memref<!tpu.dma_semaphore, #tpu.memory_space<semaphore_mem>>) src(%dma_wait3A_302 : memref<64x128xf32, #tpu.memory_space<vmem>>) dst(%dma_wait3A_308 : memref<10000x128xf32, #tpu.memory_space<vmem_shared>>)
      %dma_wait3A_309 = arith.constant 3 : i32
      %dma_wait3A_310 = arith.constant 192 : i32
      %dma_wait3A_311 = arith.constant 0 : i32
      %dma_wait3A_312 = tpu.memref_slice %arg16[%dma_wait3A_310, %dma_wait3A_311] : memref<256x128xf32, #tpu.memory_space<vmem>> -> memref<64x128xf32, #tpu.memory_space<vmem>>
      %dma_wait3A_313 = arith.constant 0 : i32
      %dma_wait3A_314 = tpu.memref_slice %arg10[%dma_wait3A_309, %dma_wait3A_313] : memref<4x64xi32, #tpu.memory_space<vmem>> -> memref<1x64xi32, #tpu.memory_space<vmem>>
      %dma_wait3A_315 = tpu.memref_squeeze %dma_wait3A_314 : memref<1x64xi32, #tpu.memory_space<vmem>> -> memref<64xi32, #tpu.memory_space<vmem>>
      %dma_wait3A_316 = arith.constant 0 : i32
      %dma_wait3A_317 = arith.constant 0 : i32
      %dma_wait3A_318 = tpu.memref_slice %arg9[%dma_wait3A_316, %dma_wait3A_317] : memref<10000x128xf32, #tpu.memory_space<vmem_shared>> -> memref<10000x128xf32, #tpu.memory_space<vmem_shared>>
      tpu.wait_indirect_dma semaphore(%arg18 : memref<!tpu.dma_semaphore, #tpu.memory_space<semaphore_mem>>) src(%dma_wait3A_312 : memref<64x128xf32, #tpu.memory_space<vmem>>) dst(%dma_wait3A_318 : memref<10000x128xf32, #tpu.memory_space<vmem_shared>>)
    }
    %scan3A_5 = arith.constant 40 : i32
    %barrier3A_6 = arith.constant 0 : index
    tpu.barrier barrier_id(%barrier3A_6)
    %mul3A_7 = arith.constant 625 : i32
    %mul3A_8 = arith.muli %arg1, %mul3A_7 : i32
    %mul3A_9 = arith.constant 16 : i32
    %mul3A_10 = arith.muli %arg0, %mul3A_9 : i32
    %add3A = arith.addi %mul3A_10, %arg1 : i32
    "tpu.region"() ({
      %run_scoped3A = tpu.sem_alloc : memref<!tpu.dma_semaphore, #tpu.memory_space<semaphore_mem>>
      %dma_start3A = arith.constant 0 : i32
      %dma_start3A_11 = arith.constant 0 : i32
      %dma_start3A_12 = tpu.memref_slice %arg8[%add3A, %dma_start3A, %dma_start3A_11] : memref<32x625x128xf32, #tpu.memory_space<hbm>> -> memref<1x625x128xf32, #tpu.memory_space<hbm>>
      %dma_start3A_13 = tpu.memref_squeeze %dma_start3A_12 : memref<1x625x128xf32, #tpu.memory_space<hbm>> -> memref<625x128xf32, #tpu.memory_space<hbm>>
      %dma_start3A_14 = arith.constant 0 : i32
      %dma_start3A_15 = tpu.memref_slice %arg9[%mul3A_8, %dma_start3A_14] : memref<10000x128xf32, #tpu.memory_space<vmem_shared>> -> memref<625x128xf32, #tpu.memory_space<vmem_shared>>
      tpu.enqueue_dma source(%dma_start3A_15 : memref<625x128xf32, #tpu.memory_space<vmem_shared>>) target(%dma_start3A_13 : memref<625x128xf32, #tpu.memory_space<hbm>>) target_semaphore(%run_scoped3A : memref<!tpu.dma_semaphore, #tpu.memory_space<semaphore_mem>>)
      %dma_wait3A = arith.constant 0 : i32
      %dma_wait3A_16 = arith.constant 0 : i32
      %dma_wait3A_17 = tpu.memref_slice %arg8[%add3A, %dma_wait3A, %dma_wait3A_16] : memref<32x625x128xf32, #tpu.memory_space<hbm>> -> memref<1x625x128xf32, #tpu.memory_space<hbm>>
      %dma_wait3A_18 = tpu.memref_squeeze %dma_wait3A_17 : memref<1x625x128xf32, #tpu.memory_space<hbm>> -> memref<625x128xf32, #tpu.memory_space<hbm>>
      %dma_wait3A_19 = arith.constant 0 : i32
      %dma_wait3A_20 = tpu.memref_slice %arg9[%mul3A_8, %dma_wait3A_19] : memref<10000x128xf32, #tpu.memory_space<vmem_shared>> -> memref<625x128xf32, #tpu.memory_space<vmem_shared>>
      tpu.wait_dma2 semaphore(%run_scoped3A : memref<!tpu.dma_semaphore, #tpu.memory_space<semaphore_mem>>) src(%dma_wait3A_20 : memref<625x128xf32, #tpu.memory_space<vmem_shared>>) dst(%dma_wait3A_18 : memref<625x128xf32, #tpu.memory_space<hbm>>)
      tpu.yield
    }) : () -> ()
    return
  }
}

module attributes {stable_mosaic.version = 14 : i64} {
  func.func @body(%arg0: i32, %arg1: memref<200x10000xf32, #tpu.memory_space<vmem>>, %arg2: memref<200x10000xf32, #tpu.memory_space<vmem>>, %arg3: memref<10000x128xf32, #tpu.memory_space<vmem>>, %arg4: memref<200x128xf32, #tpu.memory_space<vmem>>, %arg5: memref<1x1xf32, #tpu.memory_space<smem>>, %arg6: memref<1xf32, #tpu.memory_space<smem>>) attributes {dimension_semantics = [#tpu.dimension_semantics<arbitrary>], iteration_bounds = array<i64: 50>, scalar_prefetch = 0 : i64, scratch_operands = 1 : i64, tpu.core_type = #tpu.core_type<tc>, window_params = [{transform_indices = @transform_0, window_bounds = array<i64: 200, 10000>}, {transform_indices = @transform_1, window_bounds = array<i64: 200, 10000>}, {pipeline_mode = #tpu.pipeline_mode<synchronous>, transform_indices = @transform_2, window_bounds = array<i64: 10000, 128>}, {transform_indices = @transform_3, window_bounds = array<i64: 200, 128>}, {transform_indices = @transform_4, window_bounds = array<i64: 1, 1>}]} {
    %eq3A = arith.constant 0 : i32
    %eq3A_0 = arith.cmpi eq, %arg0, %eq3A : i32
    %convert_element_type3A = arith.extui %eq3A_0 : i1 to i32
    %cond3A = arith.constant 0 : i32
    %cond3A_1 = arith.cmpi ne, %convert_element_type3A, %cond3A : i32
    scf.if %cond3A_1 {
      %swap3A_26 = arith.constant 0.000000e+00 : f32
      %swap3A_27 = arith.constant 0 : index
      %swap3A_28 = memref.load %arg6[%swap3A_27] : memref<1xf32, #tpu.memory_space<smem>>
      memref.store %swap3A_26, %arg6[%swap3A_27] : memref<1xf32, #tpu.memory_space<smem>>
    } else {
    }
    %get3A = arith.constant 0 : index
    %get3A_2 = arith.constant 0 : index
    %get3A_3 = vector.load %arg1[%get3A, %get3A_2] : memref<200x10000xf32, #tpu.memory_space<vmem>>, vector<200x10000xf32>
    %get3A_4 = arith.constant 0 : index
    %get3A_5 = arith.constant 0 : index
    %get3A_6 = vector.load %arg3[%get3A_4, %get3A_5] : memref<10000x128xf32, #tpu.memory_space<vmem>>, vector<10000x128xf32>
    %dot_general3A = arith.constant dense<0.000000e+00> : vector<200x128xf32>
    %dot_general3A_7 = tpu.matmul %get3A_3, %get3A_6, %dot_general3A {dimension_numbers = #tpu.dot_dimension_numbers<[1], [0], [0], [1], [0, 0, 1, 1], [], []>, transpose_lhs_hint = false} : vector<200x10000xf32>, vector<10000x128xf32>, vector<200x128xf32> -> vector<200x128xf32>
    %swap3A = arith.constant 0 : index
    %swap3A_8 = arith.constant 0 : index
    %swap3A_9 = vector.load %arg4[%swap3A, %swap3A_8] : memref<200x128xf32, #tpu.memory_space<vmem>>, vector<200x128xf32>
    tpu.vector_store %arg4[%swap3A, %swap3A_8], %dot_general3A_7 {strides = array<i32>} : memref<200x128xf32, #tpu.memory_space<vmem>>, vector<200x128xf32>,
    %get3A_10 = arith.constant 0 : index
    %get3A_11 = arith.constant 0 : index
    %get3A_12 = vector.load %arg2[%get3A_10, %get3A_11] : memref<200x10000xf32, #tpu.memory_space<vmem>>, vector<200x10000xf32>
    %get3A_13 = arith.constant 0 : index
    %get3A_14 = memref.load %arg6[%get3A_13] : memref<1xf32, #tpu.memory_space<smem>>
    %mul3A = arith.mulf %get3A_12, %get3A_12 : vector<200x10000xf32>
    %reduce_sum3A = vector.shape_cast %mul3A : vector<200x10000xf32> to vector<1x200x10000xf32>
    %reduce_sum3A_15 = arith.constant dense<0.000000e+00> : vector<1xf32>
    %reduce_sum3A_16 = vector.multi_reduction <add>, %reduce_sum3A, %reduce_sum3A_15 [1, 2] : vector<1x200x10000xf32> to vector<1xf32>
    %reduce_sum3A_17 = vector.shape_cast %reduce_sum3A_16 : vector<1xf32> to vector<1x1x1xf32>
    %reduce_sum3A_18 = vector.extract %reduce_sum3A_17[0, 0, 0] : f32 from vector<1x1x1xf32>
    %add3A = arith.addf %get3A_14, %reduce_sum3A_18 : f32
    %swap3A_19 = arith.constant 0 : index
    %swap3A_20 = memref.load %arg6[%swap3A_19] : memref<1xf32, #tpu.memory_space<smem>>
    memref.store %add3A, %arg6[%swap3A_19] : memref<1xf32, #tpu.memory_space<smem>>
    %eq3A_21 = arith.constant 49 : i32
    %eq3A_22 = arith.cmpi eq, %arg0, %eq3A_21 : i32
    %convert_element_type3A_23 = arith.extui %eq3A_22 : i1 to i32
    %cond3A_24 = arith.constant 0 : i32
    %cond3A_25 = arith.cmpi ne, %convert_element_type3A_23, %cond3A_24 : i32
    scf.if %cond3A_25 {
      %get3A_26 = arith.constant 0 : index
      %get3A_27 = memref.load %arg6[%get3A_26] : memref<1xf32, #tpu.memory_space<smem>>
      %sqrt3A = math.sqrt %get3A_27 : f32
      %swap3A_28 = arith.constant 0 : index
      %swap3A_29 = arith.constant 0 : index
      %swap3A_30 = memref.load %arg5[%swap3A_28, %swap3A_29] : memref<1x1xf32, #tpu.memory_space<smem>>
      memref.store %sqrt3A, %arg5[%swap3A_28, %swap3A_29] : memref<1x1xf32, #tpu.memory_space<smem>>
    } else {
    }
    return
  }
  func.func @transform_0(%arg0: i32) -> (i32, i32) {
    %c0_i32 = arith.constant 0 : i32
    %c0_i32_0 = arith.constant 0 : i32
    return %arg0, %c0_i32 : i32, i32
  }
  func.func @transform_1(%arg0: i32) -> (i32, i32) {
    %c0_i32 = arith.constant 0 : i32
    %c0_i32_0 = arith.constant 0 : i32
    return %arg0, %c0_i32 : i32, i32
  }
  func.func @transform_2(%arg0: i32) -> (i32, i32) {
    %c0_i32 = arith.constant 0 : i32
    %c0_i32_0 = arith.constant 0 : i32
    %c0_i32_1 = arith.constant 0 : i32
    return %c0_i32, %c0_i32_0 : i32, i32
  }
  func.func @transform_3(%arg0: i32) -> (i32, i32) {
    %c0_i32 = arith.constant 0 : i32
    %c0_i32_0 = arith.constant 0 : i32
    return %arg0, %c0_i32 : i32, i32
  }
  func.func @transform_4(%arg0: i32) -> (i32, i32) {
    %c0_i32 = arith.constant 0 : i32
    %c0_i32_0 = arith.constant 0 : i32
    %c0_i32_1 = arith.constant 0 : i32
    return %c0_i32, %c0_i32_0 : i32, i32
  }
}

module attributes {stable_mosaic.version = 14 : i64} {
  func.func @body(%arg0: i32, %arg1: memref<1000x128xf32, #tpu.memory_space<vmem>>, %arg2: memref<1000x128xf32, #tpu.memory_space<vmem>>, %arg3: memref<1000x128xf32, #tpu.memory_space<vmem>>) attributes {dimension_semantics = [#tpu.dimension_semantics<arbitrary>], iteration_bounds = array<i64: 10>, scalar_prefetch = 0 : i64, scratch_operands = 0 : i64, tpu.core_type = #tpu.core_type<tc>, window_params = [{transform_indices = @transform_0, window_bounds = array<i64: 1000, 128>}, {transform_indices = @transform_1, window_bounds = array<i64: 1000, 128>}, {transform_indices = @transform_2, window_bounds = array<i64: 1000, 128>}]} {
    %get3A = arith.constant 0 : index
    %get3A_0 = arith.constant 0 : index
    %get3A_1 = vector.load %arg1[%get3A, %get3A_0] : memref<1000x128xf32, #tpu.memory_space<vmem>>, vector<1000x128xf32>
    %get3A_2 = arith.constant 0 : index
    %get3A_3 = arith.constant 0 : index
    %get3A_4 = vector.load %arg2[%get3A_2, %get3A_3] : memref<1000x128xf32, #tpu.memory_space<vmem>>, vector<1000x128xf32>
    %add3A = arith.addf %get3A_1, %get3A_4 : vector<1000x128xf32>
    %swap3A = arith.constant 0 : index
    %swap3A_5 = arith.constant 0 : index
    %swap3A_6 = vector.load %arg3[%swap3A, %swap3A_5] : memref<1000x128xf32, #tpu.memory_space<vmem>>, vector<1000x128xf32>
    tpu.vector_store %arg3[%swap3A, %swap3A_5], %add3A {strides = array<i32>} : memref<1000x128xf32, #tpu.memory_space<vmem>>, vector<1000x128xf32>,
    return
  }
  func.func @transform_0(%arg0: i32) -> (i32, i32) {
    %c0_i32 = arith.constant 0 : i32
    %c0_i32_0 = arith.constant 0 : i32
    return %arg0, %c0_i32 : i32, i32
  }
  func.func @transform_1(%arg0: i32) -> (i32, i32) {
    %c0_i32 = arith.constant 0 : i32
    %c0_i32_0 = arith.constant 0 : i32
    return %arg0, %c0_i32 : i32, i32
  }
  func.func @transform_2(%arg0: i32) -> (i32, i32) {
    %c0_i32 = arith.constant 0 : i32
    %c0_i32_0 = arith.constant 0 : i32
    return %arg0, %c0_i32 : i32, i32
  }
}

</mosaic_0001>

<sc_bundles>
// kernel: kernel.5.cloned.1.call-start
scs
__scs_entry_jumppad:
0x0: {  	(pc) =	sbr.rel $0x88, $3  }
0x1: {  	(tag) =	ssettag $0x0;
	lr =	simm.s32 $0x1  }
0x2: {  	[smem:$0x3F9C] =	sst lr;
	_ =	strace $0xD0000000  }
0x3: {  	_ = 	snop  }
0x4: {  	_ = 	snop  }
0x5: {  	_ = 	snop  }
0x6: {  	_ = 	snop  }
0x7: {  	_ = 	snop  }
__scs_overlays_trampoline_lowered:
0x8: {  	[smem:$0x3FAB] =	sst s0  }
0x9: {  	[smem:$0x3FAC] =	sst s1  }
0xa: {  	[smem:$0x3FAD] =	sst s2  }
0xb: {  	[smem:$0x3FAE] =	sst s3  }
0xc: {  	[smem:$0x3FAF] =	sst s4  }
0xd: {  	[smem:$0x3FB0] =	sst s5  }
0xe: {  	[smem:$0x3FB1] =	sst s6  }
0xf: {  	[smem:$0x3FB2] =	sst s7  }
0x10: {  	[smem:$0x3FB3] =	sst s8  }
0x11: {  	[smem:$0x3FB4] =	sst s9;
	s0 =	simm.s32 @!p0 $0x0  }
0x12: {  	s1 =	sld [smem:$0x3F9A];
	s0 =	simm.s32 @p0 $0x1  }
0x13: {  	[smem:$0x3FB5] =	sst s0;
	s0 =	simm.s32 @!p1 $0x0  }
0x14: {  	s2 =	sld [smem:$0x3F99];
	s0 =	simm.s32 @p1 $0x1  }
0x15: {  	[smem:$0x3FB6] =	sst s0;
	s0 =	simm.s32 @!p2 $0x0  }
0x16: {  	s3 =	sld [smem:$0x3FDB];
	s0 =	simm.s32 @p2 $0x1  }
0x17: {  	s4 =	simm.s32 $0x1BF5;
	[smem:$0x3FB8] =	sst s0  }
0x18: {  	s0 =	sld [smem:$0x3F9B];
	_ =	swait.ge [sflag:s4], $0x0  }
0x19: {  	s7 =	sld [smem:$0x3F9C]  }
0x1a: {  	s8 =	sadd.s32 $0xFFFFE003, lr  }
0x1b: {  	s9 =	sadd.s32 $0xFFFFFEF7, lr;
	s5 =	simm.s32 $0xFFFFFFFF;
	p2 =	slt.u32 s8, $0xFFFFF086  }
0x1c: {  	p1 =	slt.u32 s9, $0xF7A;
	s5 =	simm.s32 @!p2 $0x0  }
0x1d: {  	s5 =	simm.s32 @p1 $0x1;
	p0 =	seq.s32 s7, s2  }
0x1e: {  	s7 =	smul.u32 @!p0 $0xF7A, s2;
	p2 =	seq.s32 @!p0 s5, $0x0  }
0x1f: {  	s9 =	smul.u32 $0xF7A, s1;
	s8 =	simm.s32 @!p0 $0x1BF5;
	p2 =	por !p2, p0  }
0x20: {  	[sflag:s8] =	ssyncset.s32 @!p0 $0xFFFFF086;
	s6 =	sadd.s32 @!p0 s3, s7;
	s7 =	simm.s32 @!p0 $0x108  }
0x21: {  	s3 =	sadd.s32 s3, s9;
	s6 =	sadd.s32 @!p0 $0x88, s6;
	s7 =	simm.s32 @p2 $0x1082  }
0x22: {  	[simem:s7], [sflag:s8] =	dma.local @!p0 [hbm:s6], $0xF7A  }
0x23: {  	s9 =	sor.u32 $0xD0000000, s2;
	s6 =	simm.s32 $0x108;
	_ =	swait.ge @!p0 [sflag:s8], $0x0  }
0x24: {  	s3 =	sadd.s32 $0x88, s3;
	s6 =	simm.s32 @!p1 $0x1082;
	[sflag:s4] =	ssyncset.s32 $0xFFFFF086  }
0x25: {  	[simem:s6], [sflag:s4] =	dma.local [hbm:s3], $0xF7A  }
0x26: {  	[smem:$0x3F9C] =	sst s1;
	(tag) =	ssettag s2;
	_ =	strace s9  }
0x27: {  	s1 =	sld [smem:$0x3FAC]  }
0x28: {  	s2 =	sld [smem:$0x3FAD]  }
0x29: {  	s4 =	sld [smem:$0x3FAF]  }
0x2a: {  	p0 =	seq.s32 s5, $0x0;
	s5 =	sld [smem:$0x3FB0]  }
0x2b: {  	s6 =	sld [smem:$0x3FB1]  }
0x2c: {  	s7 =	sld [smem:$0x3FB2]  }
0x2d: {  	s3 =	simm.s32 $0x108;
	s8 =	sld [smem:$0x3FB3]  }
0x2e: {  	s3 =	simm.s32 @!p0 $0x1082;
	s9 =	sld [smem:$0x3FB4]  }
0x2f: {  	lr =	sadd.s32 s0, s3;
	s0 =	sld [smem:$0x3FAB]  }
0x30: {  	s3 =	sld [smem:$0x3FAE]  }
0x31: {  	[smem:$0x3FB7] =	sst s10  }
0x32: {  	s10 =	sld [smem:$0x3FB5];
	_ =	sdelay $0x3  }
0x33: {  	p0 =	seq.s32 s10, $0x1;
	s10 =	sld [smem:$0x3FB7];
	_ =	sdelay $0x3  }
0x34: {  	[smem:$0x3FB7] =	sst s10  }
0x35: {  	s10 =	sld [smem:$0x3FB6];
	_ =	sdelay $0x3  }
0x36: {  	p1 =	seq.s32 s10, $0x1;
	s10 =	sld [smem:$0x3FB7];
	_ =	sdelay $0x3  }
0x37: {  	[smem:$0x3FB7] =	sst s10  }
0x38: {  	s10 =	sld [smem:$0x3FB8]  }
0x39: {  	_ = 	snop;
	(pc) =	sbr.ind lr, $3  }
0x3a: {  	_ = 	snop  }
0x3b: {  	_ = 	snop  }
0x3c: {  	p2 =	seq.s32 s10, $0x1;
	s10 =	sld [smem:$0x3FB7]  }
0x3d: {  	_ =	shalt  }
0x3e: {  	_ =	shalt  }
0x3f: {  	_ =	shalt  }
0x40: {  	_ =	shalt  }
0x41: {  	_ =	shalt  }
0x42: {  	_ =	shalt  }
0x43: {  	_ =	shalt  }
0x44: {  	_ =	shalt  }
0x45: {  	_ =	shalt  }
0x46: {  	_ =	shalt  }
0x47: {  	_ =	shalt  }
0x48: {  	_ =	shalt  }
0x49: {  	_ =	shalt  }
0x4a: {  	_ =	shalt  }
0x4b: {  	_ =	shalt  }
0x4c: {  	_ =	shalt  }
0x4d: {  	_ =	shalt  }
0x4e: {  	_ =	shalt  }
0x4f: {  	_ =	shalt  }
0x50: {  	_ =	shalt  }
0x51: {  	_ =	shalt  }
0x52: {  	_ =	shalt  }
0x53: {  	_ =	shalt  }
0x54: {  	_ =	shalt  }
0x55: {  	_ =	shalt  }
0x56: {  	_ =	shalt  }
0x57: {  	_ =	shalt  }
0x58: {  	_ =	shalt  }
0x59: {  	_ =	shalt  }
0x5a: {  	_ =	shalt  }
0x5b: {  	_ =	shalt  }
0x5c: {  	_ =	shalt  }
0x5d: {  	_ =	shalt  }
0x5e: {  	_ =	shalt  }
0x5f: {  	_ =	shalt  }
0x60: {  	_ =	shalt  }
0x61: {  	_ =	shalt  }
0x62: {  	_ =	shalt  }
0x63: {  	_ =	shalt  }
0x64: {  	_ =	shalt  }
0x65: {  	_ =	shalt  }
0x66: {  	_ =	shalt  }
0x67: {  	_ =	shalt  }
0x68: {  	_ =	shalt  }
0x69: {  	_ =	shalt  }
0x6a: {  	_ =	shalt  }
0x6b: {  	_ =	shalt  }
0x6c: {  	_ =	shalt  }
0x6d: {  	_ =	shalt  }
0x6e: {  	_ =	shalt  }
0x6f: {  	_ =	shalt  }
0x70: {  	_ =	shalt  }
0x71: {  	_ =	shalt  }
0x72: {  	_ =	shalt  }
0x73: {  	_ =	shalt  }
0x74: {  	_ =	shalt  }
0x75: {  	_ =	shalt  }
0x76: {  	_ =	shalt  }
0x77: {  	_ =	shalt  }
0x78: {  	_ =	shalt  }
0x79: {  	_ =	shalt  }
0x7a: {  	_ =	shalt  }
0x7b: {  	_ =	shalt  }
0x7c: {  	_ =	shalt  }
0x7d: {  	_ =	shalt  }
0x7e: {  	_ =	shalt  }
0x7f: {  	_ =	shalt  }
0x80: {  	_ =	shalt  }
0x81: {  	_ =	shalt  }
0x82: {  	_ =	shalt  }
0x83: {  	_ =	shalt  }
0x84: {  	_ =	shalt  }
0x85: {  	_ =	shalt  }
0x86: {  	_ =	shalt  }
0x87: {  	_ =	shalt  }
.Lfunc_end0:
.L_simem_size_0:
called_computation_lowered:
.L_overlay_start_0:
0x88: {  	s2 =	sld [smem:$0x3FD9]  }
0x89: {  	s3 =	sld [smem:$0x3FFE];
	_ =	sdelay $0x1  }
0x8a: {  	s1 =	srdreg.scid  }
0x8b: {  	s0 =	sand.u32 $0x1, s1  }
0x8c: {  	s14 =	sshll.u32 s0, $0xA;
	s2 =	sadd.s32 s3, s2  }
0x8d: {  	s2 =	sadd.s32 s2, s14  }
0x8e: {  	[smem:$0x3FC3] =	sst s2  }
0x8f: {  	_ = 	snop  }
0x90: {  	s2 =	sld [smem:$0x3FD0];
	_ =	sdelay $0x2  }
0x91: {  	s15 =	simm.s32 $0xA;
	s4 =	simm.s32 $0x10  }
0x92: {  	[smem:s4], [sflag:s15] =	dma.local [hbm:s2], $0x1  }
0x93: {  	_ =	swait.eq [sflag:s15], $0x1  }
0x94: {  	[sflag:s15] =	ssyncset.done $0x0  }
0x95: {  	[sflag:s15] =	ssyncadd.s32 $0xFFFFFFFF  }
0x96: {  	s16 =	sld [smem:$0x10];
	(tm) =	ssettm $0x1  }
0x97: {  	s17 =	sld [smem:$0x3FFB];
	_ =	sdelay $0x3  }
0x98: {  	_ =	strace s17  }
0x99: {  	s3 =	sld [smem:$0x3FFC];
	_ =	sdelay $0x3  }
0x9a: {  	_ =	strace s3  }
0x9b: {  	s3 =	sld [smem:$0x3FFD];
	_ =	sdelay $0x3  }
0x9c: {  	_ =	strace s3  }
0x9d: {  	_ =	strace $0x8FFFFFFF  }
0x9e: {  	s18 =	sld [smem:$0x3FDB];
	_ =	sdelay $0x1  }
0x9f: {  	s19 =	simm.s32 $_scs_section_size  }
0xa0: {  	s5 =	simm.s32 $_size__tile_overlayer_lowered;
	s6 =	simm.s32 $_tile_overlayer_lowered  }
0xa1: {  	s22 =	simm.s32 $0x1BFF;
	s21 =	sshll.u32 s6, $0x1;
	s3 =	sadd.s32 s19, s18  }
0xa2: {  	s7 =	simm.s32 $0x0;
	s20 =	sshll.u32 s5, $0x1;
	s5 =	sadd.s32 s21, s3  }
0xa3: {  	[timem:s7], [sflag:s22] =	dma.local [hbm:s5], s20  }
0xa4: {  	_ =	swait.ge [sflag:s22], s20  }
0xa5: {  	s4 =	ssub.s32 $0x0, s20;
	[sflag:s22] =	ssyncset.done $0x0  }
0xa6: {  	[sflag:s22] =	ssyncadd.s32 s4;
	_ =	sdelay $0x1  }
0xa7: {  	s23 =	simm.s32 $0x1B8B  }
0xa8: {  	_ =	swait.ge [sflag:s23], $0x1  }
0xa9: {  	[sflag:s23] =	ssyncset.done $0x0  }
0xaa: {  	s25 =	simm.s32 $0x1B8E;
	s24 =	sld [smem:$0x3FFE];
	[sflag:s23] =	ssyncadd.s32 $0xFFFFFFFF  }
0xab: {  	s26 =	simm.s32 $execute0_lowered;
	[smem:$0x3FD2] =	sst s25  }
0xac: {  	s5 =	sshll.u32 s26, $0x1;
	_ =	strace $0x80000046;
	[dreg:$0x1] =	wrdreg $0xFFFFFFFF  }
0xad: {  	s28 =	simm.s32 $_size_execute0_lowered;
	s3 =	sadd.s32 s3, s5;
	[dreg:$0x0] =	wrdreg $0x0  }
0xae: {  	s5 =	sshll.u32 s28, $0x1;
	[dreg:$0x2] =	wrdreg s3  }
0xaf: {  	[dreg:$0x3] =	wrdreg s5  }
0xb0: {  	[dreg:$0x4] =	wrdreg $0xC0  }
0xb1: {  	_ =	task [dreg:s7], $0x5FFFF  }
0xb2: {  	[dreg:$0x1] =	wrdreg $0xFFFFFFFF  }
0xb3: {  	[dreg:$0x0] =	wrdreg $0x60  }
0xb4: {  	[dreg:$0x2] =	wrdreg s24  }
0xb5: {  	[dreg:$0x3] =	wrdreg s16  }
0xb6: {  	[dreg:$0x4] =	wrdreg $0x0  }
0xb7: {  	[dreg:$0x5] =	wrdreg $0x9  }
0xb8: {  	_ =	task.clear_ibuf [dreg:s7], $0x6FFFF;
	_ =	strace $0x90000046  }
0xb9: {  	s29 =	simm.s32 $0x9;
	_ =	strace $0x80000048  }
0xba: {  	_ =	swait.ge [sflag:s29], $0x1  }
0xbb: {  	[sflag:s29] =	ssyncadd.s32 $0xFFFFFFFF  }
0xbc: {  	_ =	strace $0x90000048  }
0xbd: {  	_ =	sfence  }
0xbe: {  	s30 =	sld [smem:$0x0];
	_ =	sdelay $0x2  }
0xbf: {  	s31 =	sshll.u32 s1, $0xD;
	s1 =	sshrl.u32 s1, $0x2  }
0xc0: {  	s3 =	sand.u32 $0x4000, s31;
	s1 =	sadd.s32 s1, s30  }
0xc1: {  	s0 =	sor.u32 s3, s0;
	s1 =	sshll.u32 s1, $0x11  }
0xc2: {  	s0 =	sor.u32 s1, s0  }
0xc3: {  	s0 =	sadd.s32 $0x8F2B, s0  }
0xc4: {  	[sflag:s0] =	ssyncadd.remote.s32 $0x1  }
0xc5: {  	_ =	sfence.sel $0xFFFF  }
0xc6: {  	[dreg:$0x0] =	wrdreg $0xFFFFFFFF;
	(pc) =	sbr.abs _section_cstart, $3  }
0xc7: {  	[dreg:$0x1] =	wrdreg $0xFFFFFFFF  }
0xc8: {  	_ =	task.clear_ibuf [dreg:s7], $0x2FFFF;
	_ =	strace $0x9FFFFFFF  }
0xc9: {  	(tm) =	ssettm $0x7FFFFFFF  }
tec
execute0_lowered:
.L_overlay_start_1:
0x0: {  	(tag) =	ssettag $0x1  }
0x1: {  	s0 =	rddreg [dreg:$0x0]  }
0x2: {  	s1 =	rddreg [dreg:$0x1]  }
0x3: {  	s2 =	rddreg [dreg:$0x2];
	s3 =	srdreg.scid  }
0x4: {  	s18 =	simm.s32 $0x0;
	s12 =	stileid.u32;
	s22 =	simm.s32 $0x3  }
0x5: {  	s16 =	simm.s32 $0x13880;
	s17 =	simm.s32 $0x13980;
	s19 =	simm.s32 $0x1  }
0x6: {  	s20 =	simm.s32 $0x40;
	s28 =	simm.s32 $0x13C40;
	s29 =	simm.s32 $0x13D40  }
0x7: {  	s30 =	simm.s32 $0x13E80;
	s31 =	simm.s32 $0x139C0;
	s13 =	simm.s32 $0x19E80  }
0x8: {  	s14 =	simm.s32 $0x13900;
	s15 =	simm.s32 $0x13940;
	s3 =	sand.u32 $0x1, s3  }
0x9: {  	[smem:$0x7FF] =	sst s18;
	s5 =	sadd.s32 $0xA600, s0;
	s6 =	sadd.s32 $0x600, s0  }
0xa: {  	s7 =	sadd.s32 $0xC00400, s0;
	s8 =	sadd.s32 $0x14600, s0;
	s23 =	smul.u32 $0x4E200, s12  }
0xb: {  	s9 =	sadd.s32 $0xC0A400, s0;
	s11 =	smul.u32 $0x2800, s12;
	s25 =	sshll.u32 s12, $0x6  }
0xc: {  	s4 =	sshll.u32 s3, $0x4;
	_ =	strace $0x80000047;
	[dreg:$0x5] =	wrdreg s9  }
0xd: {  	s24 =	ssub.s32 $0x2, s3;
	s3 =	smul.u32 $0x28000, s3;
	s21 =	sor.u32 $0x1C03, s25  }
0xe: {  	s25 =	simm.s32 $0x13C00;
	s4 =	sor.u32 s12, s4;
	s10 =	sshrl.u32 s24, $0x1  }
0xf: {  	s9 =	sshrl.u32 s23, $0x2;
	s12 =	simm.s32 $0x13A40;
	[dreg:$0x6] =	wrdreg s21  }
0x10: {  	s4 =	smul.u32 $0x2710, s4;
	s9 =	sadd.s32 s9, s2;
	s11 =	sadd.s32 s11, s3  }
0x11: {  	s3 =	simm.s32 $0x13A00;
	s23 =	sshrl.u32 s9, $0x3;
	s9 =	simm.s32 $0x17E80  }
0x12: {  	s0 =	sadd.s32 s4, s0;
	s4 =	ssub.s32 s24, s10;
	s24 =	simm.s32 $0x13CC0  }
0x13: {  	s10 =	simm.s32 $0x138C0;
	[dreg:$0x9] =	wrdreg s23;
	s0 =	sadd.s32 $0xC0CC00, s0  }
0x14: {  	s26 =	smax.u32 s4, $0x1;
	s4 =	simm.s32 $0x2;
	[dreg:$0x7] =	wrdreg s0  }
0x15: {  	[dreg:$0x8] =	wrdreg s26;
	s26 =	simm.s32 $0x13D00;
	s0 =	simm.s32 $0x15E80  }
.LBB2_1:
0x16: {  	[dreg:$0x4] =	wrdreg s18  }
0x17: {  	s18 =	rddreg [dreg:$0x5]  }
0x18: {  	[spmem:s23], [sflag:s21] =	dma.local [hbm:s18], $0x2710  }
0x19: {  	_ =	swait.ge [sflag:s22], $0x2710  }
0x1a: {  	[sflag:s22] =	ssyncset.done $0x0  }
0x1b: {  	[sflag:s22] =	ssyncadd.s32 $0xFFFFD8F0  }
0x1c: {  	s18 =	simm.s32 $0x0;
	[bflag:$0x0] =	sbarrier.arrive $0xFFFF  }
.LBB2_2:
0x1d: {  	s21 =	sshll.u32 s18, $0x8  }
0x1e: {  	s21 =	sadd.s32 s21, s11  }
0x1f: {  	s21 =	sshrl.u32 s21, $0x3  }
0x20: {  	s23 =	simm.s32 $0x0;
	s22 =	sadd.s32 s5, s21  }
0x21: {  	[tilespmem:s16], [sflag:$0x1] =	stream.linear.gather [hbm4b:s22+s23], $0x100, $0x38;
	[tilespmem:$0x1BE80] =	vst v63  }
0x22: {  	s22 =	sadd.s32 s6, s21  }
0x23: {  	[tilespmem:s17], [sflag:$0x1] =	stream.linear.gather [hbm4b:s22+s23], $0x100, $0x38;
	[tilespmem:$0x1BE80] =	vst v63  }
0x24: {  	s21 =	sadd.s32 s7, s21;
	s22 =	simm.s32 $0x13A80  }
0x25: {  	[tilespmem:s22], [sflag:$0x1] =	stream.linear.gather [hbm4b:s21+s23], $0x100, $0x38;
	[tilespmem:$0x1BE80] =	vst v63  }
0x26: {  	_ =	swait.ge [sflag:s19], $0x100  }
0x27: {  	[sflag:s19] =	ssyncset.done $0x0  }
0x28: {  	[sflag:s19] =	ssyncadd.s32 $0xFFFFFF00  }
0x29: {  	_ =	swait.ge [sflag:s19], $0x100  }
0x2a: {  	[sflag:s19] =	ssyncset.done $0x0  }
0x2b: {  	[sflag:s19] =	ssyncadd.s32 $0xFFFFFF00  }
0x2c: {  	_ =	swait.ge [sflag:s19], $0x100  }
0x2d: {  	[sflag:s19] =	ssyncset.done $0x0  }
0x2e: {  	s21 =	simm.s32 $0x0;
	[sflag:s19] =	ssyncadd.s32 $0xFFFFFF00  }
0x2f: {  	v0 =	vld [tilespmem:s21+$0x13880]  }
0x30: {  	s22 =	simm.s32 $0x40;
	v1 =	vld [tilespmem:s21+$0x13980]  }
.LBB2_3:
0x31: {  	_ = 	snop  }
0x32: {  	p0 =	sne.s32 s22, $0x3C0  }
.Ltmp0:
0x33: {  	_ = 	snop;
	(pc) =	sbr.rel @p0 .LBB2_3-.Ltmp0, $4  }
0x34: {  	v2 =	vmul.u32 $0x2710, v0  }
0x35: {  	s23 =	sshra.s32 s22, $0x2  }
0x36: {  	v0 =	vld [tilespmem:s23+$0x13880];
	v2 =	vadd.s32 v1, v2  }
0x37: {  	s22 =	sadd.s32 $0x40, s22;
	v1 =	vld [tilespmem:s23+$0x13980];
	[tilespmem:s21+$0x13B80] =	vst v2;
	s21 =	smov.u32 s23  }
0x38: {  	_ =	sdelay $0x2  }
0x39: {  	v0 =	vmul.u32 $0x2710, v0;
	_ =	sdelay $0x1  }
0x3a: {  	v0 =	vadd.s32 v1, v0  }
0x3b: {  	s23 =	simm.s32 $0x13B80;
	s22 =	simm.s32 $0x13C80;
	[tilespmem:s21+$0x13B80] =	vst v0  }
0x3c: {  	[tilespmem:s22], [sflag:$0x1] =	stream.indirect.gather [hbm4b:s8+s20], $0x1, s23, s20, $0xb8;
	[tilespmem:$0x1BE80] =	vst v63  }
0x3d: {  	s23 =	simm.s32 $0x13BC0  }
0x3e: {  	[tilespmem:s24], [sflag:$0x1] =	stream.indirect.gather [hbm4b:s8+s20], $0x1, s23, s20, $0xb8;
	[tilespmem:$0x1BE80] =	vst v63  }
0x3f: {  	_ = 	snop  }
0x40: {  	[tilespmem:s26], [sflag:$0x1] =	stream.indirect.gather [hbm4b:s8+s20], $0x1, s25, s20, $0xb8;
	[tilespmem:$0x1BE80] =	vst v63  }
0x41: {  	_ = 	snop  }
0x42: {  	[tilespmem:s29], [sflag:$0x1] =	stream.indirect.gather [hbm4b:s8+s20], $0x1, s28, s20, $0xb8;
	[tilespmem:$0x1BE80] =	vst v63  }
0x43: {  	_ = 	snop  }
0x44: {  	[tilespmem:s30], [sflag:$0x1] =	stream.indirect.gather [hbm4b:s1+s20], $0x80, s17, s20, $0xb8;
	[tilespmem:$0x1BE80] =	vst v63  }
0x45: {  	_ = 	snop  }
0x46: {  	[tilespmem:s0], [sflag:$0x1] =	stream.indirect.gather [hbm4b:s1+s20], $0x80, s31, s20, $0xb8;
	[tilespmem:$0x1BE80] =	vst v63  }
0x47: {  	_ = 	snop  }
0x48: {  	[tilespmem:s9], [sflag:$0x1] =	stream.indirect.gather [hbm4b:s1+s20], $0x80, s3, s20, $0xb8;
	[tilespmem:$0x1BE80] =	vst v63  }
0x49: {  	_ = 	snop  }
0x4a: {  	[tilespmem:s13], [sflag:$0x1] =	stream.indirect.gather [hbm4b:s1+s20], $0x80, s12, s20, $0xb8;
	[tilespmem:$0x1BE80] =	vst v63  }
0x4b: {  	_ =	swait.ge [sflag:s19], $0x40  }
0x4c: {  	[sflag:s19] =	ssyncset.done $0x0  }
0x4d: {  	[sflag:s19] =	ssyncadd.s32 $0xFFFFFFC0  }
0x4e: {  	_ =	swait.ge [sflag:s19], $0x40  }
0x4f: {  	[sflag:s19] =	ssyncset.done $0x0  }
0x50: {  	[sflag:s19] =	ssyncadd.s32 $0xFFFFFFC0  }
0x51: {  	_ =	swait.ge [sflag:s19], $0x40  }
0x52: {  	[sflag:s19] =	ssyncset.done $0x0  }
0x53: {  	[sflag:s19] =	ssyncadd.s32 $0xFFFFFFC0  }
0x54: {  	_ =	swait.ge [sflag:s19], $0x40  }
0x55: {  	[sflag:s19] =	ssyncset.done $0x0  }
0x56: {  	[sflag:s19] =	ssyncadd.s32 $0xFFFFFFC0  }
0x57: {  	_ =	swait.ge [sflag:s19], $0x2000  }
0x58: {  	[sflag:s19] =	ssyncset.done $0x0  }
0x59: {  	[sflag:s19] =	ssyncadd.s32 $0xFFFFE000  }
0x5a: {  	_ =	swait.ge [sflag:s19], $0x2000  }
0x5b: {  	[sflag:s19] =	ssyncset.done $0x0  }
0x5c: {  	[sflag:s19] =	ssyncadd.s32 $0xFFFFE000  }
0x5d: {  	_ =	swait.ge [sflag:s19], $0x2000  }
0x5e: {  	[sflag:s19] =	ssyncset.done $0x0  }
0x5f: {  	[sflag:s19] =	ssyncadd.s32 $0xFFFFE000  }
0x60: {  	_ =	swait.ge [sflag:s19], $0x2000  }
0x61: {  	[sflag:s19] =	ssyncset.done $0x0  }
0x62: {  	[sflag:s19] =	ssyncadd.s32 $0xFFFFE000  }
0x63: {  	v38 =	vld [tilespmem:$0x13A80]  }
0x64: {  	v39 =	vld [tilespmem:$0x13C80]  }
0x65: {  	v2 =	vld [tilespmem:$0x13A90]  }
0x66: {  	v3 =	vld [tilespmem:$0x13C90]  }
0x67: {  	v4 =	vld [tilespmem:$0x13AA0]  }
0x68: {  	v5 =	vld [tilespmem:$0x13CA0]  }
0x69: {  	v6 =	vld [tilespmem:$0x13AB0]  }
0x6a: {  	v7 =	vld [tilespmem:$0x13CB0]  }
0x6b: {  	v8 =	vld [tilespmem:$0x13AC0]  }
0x6c: {  	v9 =	vld [tilespmem:$0x13CC0]  }
0x6d: {  	v10 =	vld [tilespmem:$0x13AD0]  }
0x6e: {  	v11 =	vld [tilespmem:$0x13CD0]  }
0x6f: {  	v12 =	vld [tilespmem:$0x13AE0]  }
0x70: {  	v13 =	vld [tilespmem:$0x13CE0]  }
0x71: {  	v14 =	vld [tilespmem:$0x13AF0]  }
0x72: {  	v15 =	vld [tilespmem:$0x13CF0]  }
0x73: {  	v16 =	vld [tilespmem:$0x13B00]  }
0x74: {  	v17 =	vld [tilespmem:$0x13D00]  }
0x75: {  	v18 =	vld [tilespmem:$0x13B10]  }
0x76: {  	v19 =	vld [tilespmem:$0x13D10]  }
0x77: {  	v20 =	vld [tilespmem:$0x13B20]  }
0x78: {  	v40 =	vld [tilespmem:$0x13D20];
	v0 =	vmul.f32 v39, v38  }
0x79: {  	v41 =	vld [tilespmem:$0x13B30];
	v2 =	vmul.f32 v3, v2  }
0x7a: {  	v43 =	vld [tilespmem:$0x13D30];
	v42 =	vmul.f32 v5, v4;
	[tilespmem:$0x13D80] =	vst v0  }
0x7b: {  	v45 =	vld [tilespmem:$0x13B40];
	v44 =	vmul.f32 v7, v6;
	[tilespmem:$0x13D90] =	vst v2  }
0x7c: {  	v47 =	vld [tilespmem:$0x13D40];
	v46 =	vmul.f32 v9, v8;
	[tilespmem:$0x13DA0] =	vst v42  }
0x7d: {  	v49 =	vld [tilespmem:$0x13B50];
	v48 =	vmul.f32 v11, v10;
	[tilespmem:$0x13DB0] =	vst v44  }
0x7e: {  	v51 =	vld [tilespmem:$0x13D50];
	v50 =	vmul.f32 v13, v12;
	[tilespmem:$0x13DC0] =	vst v46  }
0x7f: {  	v53 =	vld [tilespmem:$0x13B60];
	v52 =	vmul.f32 v15, v14;
	[tilespmem:$0x13DD0] =	vst v48  }
0x80: {  	v55 =	vld [tilespmem:$0x13D60];
	v54 =	vmul.f32 v17, v16;
	[tilespmem:$0x13DE0] =	vst v50  }
0x81: {  	v57 =	vld [tilespmem:$0x13B70];
	v56 =	vmul.f32 v19, v18;
	[tilespmem:$0x13DF0] =	vst v52  }
0x82: {  	v59 =	vld [tilespmem:$0x13D70];
	v58 =	vmul.f32 v40, v20;
	[tilespmem:$0x13E00] =	vst v54  }
0x83: {  	v60 =	vmul.f32 v43, v41;
	[tilespmem:$0x13E10] =	vst v56  }
0x84: {  	v61 =	vmul.f32 v47, v45;
	[tilespmem:$0x13E20] =	vst v58  }
0x85: {  	v62 =	vmul.f32 v51, v49;
	[tilespmem:$0x13E30] =	vst v60  }
0x86: {  	v63 =	vmul.f32 v55, v53;
	[tilespmem:$0x13E40] =	vst v61  }
0x87: {  	v1 =	vmul.f32 v59, v57;
	[tilespmem:$0x13E50] =	vst v62  }
0x88: {  	[tilespmem:$0x13E60] =	vst v63  }
0x89: {  	s21 =	simm.s32 $0x0;
	[tilespmem:$0x13E70] =	vst v1  }
.LBB2_5:
0x8a: {  	s22 =	sshll.u32 s21, $0x4  }
0x8b: {  	s22 =	sand.u32 $0x3FFFFFF0, s22  }
0x8c: {  	s23 =	sshll.u32 s21, $0xB;
	v0 =	vld [tilespmem:s22+$0x13D80]  }
0x8d: {  	s22 =	sand.u32 $0x3FFFF800, s23  }
0x8e: {  	v1 =	vld [tilespmem:s22+$0x13E80]  }
0x8f: {  	v2 =	vld [tilespmem:s22+$0x13E90]  }
0x90: {  	v3 =	vld [tilespmem:s22+$0x13EA0]  }
0x91: {  	v5 =	vld [tilespmem:s22+$0x13EB0];
	v4 =	vbroadcast v0, $0x0  }
0x92: {  	v6 =	vld [tilespmem:s22+$0x13EC0]  }
0x93: {  	v7 =	vld [tilespmem:s22+$0x13ED0];
	v1 =	vmul.f32 v4, v1  }
0x94: {  	v8 =	vld [tilespmem:s22+$0x13EE0];
	v2 =	vmul.f32 v2, v4  }
0x95: {  	v14 =	vld [tilespmem:s22+$0x13EF0];
	v13 =	vmul.f32 v3, v4;
	[tilespmem:s22+$0x13E80] =	vst v1  }
0x96: {  	v16 =	vld [tilespmem:s22+$0x13F00];
	v15 =	vmul.f32 v5, v4;
	[tilespmem:s22+$0x13E90] =	vst v2  }
0x97: {  	v18 =	vld [tilespmem:s22+$0x13F10];
	v17 =	vmul.f32 v6, v4;
	[tilespmem:s22+$0x13EA0] =	vst v13  }
0x98: {  	v20 =	vld [tilespmem:s22+$0x13F20];
	v19 =	vmul.f32 v7, v4;
	[tilespmem:s22+$0x13EB0] =	vst v15  }
0x99: {  	v9 =	vld [tilespmem:s22+$0x13F30];
	v22 =	vbroadcast v0, $0x1;
	v21 =	vmul.f32 v8, v4;
	[tilespmem:s22+$0x13EC0] =	vst v17  }
0x9a: {  	v24 =	vld [tilespmem:s22+$0x13F40];
	v23 =	vmul.f32 v14, v4;
	[tilespmem:s22+$0x13ED0] =	vst v19  }
0x9b: {  	v26 =	vld [tilespmem:s22+$0x13F50];
	v25 =	vmul.f32 v16, v22;
	[tilespmem:s22+$0x13EE0] =	vst v21  }
0x9c: {  	v28 =	vld [tilespmem:s22+$0x13F60];
	v27 =	vmul.f32 v18, v22;
	[tilespmem:s22+$0x13EF0] =	vst v23  }
0x9d: {  	v30 =	vld [tilespmem:s22+$0x13F70];
	v29 =	vmul.f32 v20, v22;
	[tilespmem:s22+$0x13F00] =	vst v25  }
0x9e: {  	v32 =	vld [tilespmem:s22+$0x13F80];
	v31 =	vmul.f32 v9, v22;
	[tilespmem:s22+$0x13F10] =	vst v27  }
0x9f: {  	v34 =	vld [tilespmem:s22+$0x13F90];
	v33 =	vmul.f32 v24, v22;
	[tilespmem:s22+$0x13F20] =	vst v29  }
0xa0: {  	v36 =	vld [tilespmem:s22+$0x13FA0];
	v35 =	vmul.f32 v26, v22;
	[tilespmem:s22+$0x13F30] =	vst v31  }
0xa1: {  	v39 =	vld [tilespmem:s22+$0x13FB0];
	v38 =	vbroadcast v0, $0x2;
	v37 =	vmul.f32 v28, v22;
	[tilespmem:s22+$0x13F40] =	vst v33  }
0xa2: {  	v41 =	vld [tilespmem:s22+$0x13FC0];
	v40 =	vmul.f32 v30, v22;
	[tilespmem:s22+$0x13F50] =	vst v35  }
0xa3: {  	v43 =	vld [tilespmem:s22+$0x13FD0];
	v42 =	vmul.f32 v32, v38;
	[tilespmem:s22+$0x13F60] =	vst v37  }
0xa4: {  	v45 =	vld [tilespmem:s22+$0x13FE0];
	v44 =	vmul.f32 v34, v38;
	[tilespmem:s22+$0x13F70] =	vst v40  }
0xa5: {  	v47 =	vld [tilespmem:s22+$0x13FF0];
	v46 =	vmul.f32 v36, v38;
	[tilespmem:s22+$0x13F80] =	vst v42  }
0xa6: {  	v49 =	vld [tilespmem:s22+$0x14000];
	v48 =	vmul.f32 v39, v38;
	[tilespmem:s22+$0x13F90] =	vst v44  }
0xa7: {  	v51 =	vld [tilespmem:s22+$0x14010];
	v50 =	vmul.f32 v41, v38;
	[tilespmem:s22+$0x13FA0] =	vst v46  }
0xa8: {  	v53 =	vld [tilespmem:s22+$0x14020];
	v52 =	vmul.f32 v43, v38;
	[tilespmem:s22+$0x13FB0] =	vst v48  }
0xa9: {  	v12 =	vld [tilespmem:s22+$0x14070];
	v55 =	vbroadcast v0, $0x3;
	v54 =	vmul.f32 v45, v38;
	[tilespmem:s22+$0x13FC0] =	vst v50  }
0xaa: {  	v56 =	vld [tilespmem:s22+$0x14030];
	v57 =	vmul.f32 v47, v38;
	[tilespmem:s22+$0x13FD0] =	vst v52  }
0xab: {  	v58 =	vld [tilespmem:s22+$0x14040];
	v59 =	vmul.f32 v49, v55;
	[tilespmem:s22+$0x13FE0] =	vst v54  }
0xac: {  	v60 =	vld [tilespmem:s22+$0x14050];
	v61 =	vmul.f32 v51, v55;
	[tilespmem:s22+$0x13FF0] =	vst v57  }
0xad: {  	v62 =	vld [tilespmem:s22+$0x14060];
	v63 =	vmul.f32 v53, v55;
	[tilespmem:s22+$0x14000] =	vst v59  }
0xae: {  	v14 =	vld [tilespmem:s22+$0x14080];
	v22 =	vmul.f32 v12, v55;
	[tilespmem:s22+$0x14010] =	vst v61  }
0xaf: {  	v16 =	vld [tilespmem:s22+$0x14090];
	v13 =	vmul.f32 v56, v55;
	[tilespmem:s22+$0x14020] =	vst v63  }
0xb0: {  	v18 =	vld [tilespmem:s22+$0x140A0];
	v15 =	vmul.f32 v58, v55;
	[tilespmem:s22+$0x14070] =	vst v22  }
0xb1: {  	v20 =	vbroadcast v0, $0x4;
	v38 =	vld [tilespmem:s22+$0x14130];
	v17 =	vmul.f32 v60, v55;
	[tilespmem:s22+$0x14030] =	vst v13  }
0xb2: {  	v19 =	vmul.f32 v62, v55;
	v21 =	vld [tilespmem:s22+$0x140B0];
	[tilespmem:s22+$0x14040] =	vst v15  }
0xb3: {  	v23 =	vld [tilespmem:s22+$0x140C0];
	[tilespmem:s22+$0x14050] =	vst v17;
	v24 =	vmul.f32 v14, v20  }
0xb4: {  	v25 =	vld [tilespmem:s22+$0x140D0];
	v37 =	vbroadcast v0, $0x5;
	[tilespmem:s22+$0x14060] =	vst v19;
	v26 =	vmul.f32 v16, v20  }
0xb5: {  	v27 =	vld [tilespmem:s22+$0x140E0];
	v28 =	vmul.f32 v18, v20;
	[tilespmem:s22+$0x14080] =	vst v24  }
0xb6: {  	v29 =	vld [tilespmem:s22+$0x140F0];
	v47 =	vmul.f32 v38, v37;
	[tilespmem:s22+$0x14090] =	vst v26  }
0xb7: {  	v31 =	vld [tilespmem:s22+$0x14100];
	v30 =	vmul.f32 v21, v20;
	[tilespmem:s22+$0x140A0] =	vst v28  }
0xb8: {  	v33 =	vld [tilespmem:s22+$0x14110];
	v32 =	vmul.f32 v23, v20;
	[tilespmem:s22+$0x14130] =	vst v47  }
0xb9: {  	v35 =	vld [tilespmem:s22+$0x14120];
	v34 =	vmul.f32 v25, v20;
	[tilespmem:s22+$0x140B0] =	vst v30  }
0xba: {  	v40 =	vld [tilespmem:s22+$0x14140];
	v36 =	vmul.f32 v27, v20;
	[tilespmem:s22+$0x140C0] =	vst v32  }
0xbb: {  	v42 =	vld [tilespmem:s22+$0x14150];
	v39 =	vmul.f32 v29, v20;
	[tilespmem:s22+$0x140D0] =	vst v34  }
0xbc: {  	v44 =	vld [tilespmem:s22+$0x14160];
	v41 =	vmul.f32 v31, v37;
	[tilespmem:s22+$0x140E0] =	vst v36  }
0xbd: {  	v46 =	vld [tilespmem:s22+$0x14170];
	v43 =	vmul.f32 v33, v37;
	[tilespmem:s22+$0x140F0] =	vst v39  }
0xbe: {  	v48 =	vld [tilespmem:s22+$0x14180];
	v45 =	vmul.f32 v35, v37;
	[tilespmem:s22+$0x14100] =	vst v41  }
0xbf: {  	v50 =	vld [tilespmem:s22+$0x14190];
	v49 =	vmul.f32 v40, v37;
	[tilespmem:s22+$0x14110] =	vst v43  }
0xc0: {  	v52 =	vld [tilespmem:s22+$0x141A0];
	v51 =	vmul.f32 v42, v37;
	[tilespmem:s22+$0x14120] =	vst v45  }
0xc1: {  	v54 =	vbroadcast v0, $0x6;
	v55 =	vld [tilespmem:s22+$0x141B0];
	v53 =	vmul.f32 v44, v37;
	[tilespmem:s22+$0x14140] =	vst v49  }
0xc2: {  	v57 =	vld [tilespmem:s22+$0x141C0];
	v56 =	vmul.f32 v46, v37;
	[tilespmem:s22+$0x14150] =	vst v51  }
0xc3: {  	v59 =	vld [tilespmem:s22+$0x141D0];
	v58 =	vmul.f32 v48, v54;
	[tilespmem:s22+$0x14160] =	vst v53  }
0xc4: {  	v61 =	vld [tilespmem:s22+$0x141E0];
	v60 =	vmul.f32 v50, v54;
	[tilespmem:s22+$0x14170] =	vst v56  }
0xc5: {  	v63 =	vld [tilespmem:s22+$0x141F0];
	v62 =	vmul.f32 v52, v54;
	[tilespmem:s22+$0x14180] =	vst v58  }
0xc6: {  	v22 =	vld [tilespmem:s22+$0x14240];
	v12 =	vmul.f32 v55, v54;
	[tilespmem:s22+$0x14190] =	vst v60  }
0xc7: {  	v13 =	vld [tilespmem:s22+$0x14200];
	v14 =	vmul.f32 v57, v54;
	[tilespmem:s22+$0x141A0] =	vst v62  }
0xc8: {  	v15 =	vld [tilespmem:s22+$0x14210];
	v16 =	vmul.f32 v59, v54;
	[tilespmem:s22+$0x141B0] =	vst v12  }
0xc9: {  	v17 =	vld [tilespmem:s22+$0x14220];
	v19 =	vbroadcast v0, $0x7;
	v18 =	vmul.f32 v61, v54;
	[tilespmem:s22+$0x141C0] =	vst v14  }
0xca: {  	v20 =	vld [tilespmem:s22+$0x14230];
	v21 =	vmul.f32 v63, v54;
	[tilespmem:s22+$0x141D0] =	vst v16  }
0xcb: {  	v24 =	vld [tilespmem:s22+$0x14250];
	v31 =	vmul.f32 v22, v19;
	[tilespmem:s22+$0x141E0] =	vst v18  }
0xcc: {  	v26 =	vld [tilespmem:s22+$0x14260];
	v23 =	vmul.f32 v13, v19;
	[tilespmem:s22+$0x141F0] =	vst v21  }
0xcd: {  	v28 =	vld [tilespmem:s22+$0x14270];
	v25 =	vmul.f32 v15, v19;
	[tilespmem:s22+$0x14240] =	vst v31  }
0xce: {  	v37 =	vld [tilespmem:s22+$0x142B0];
	v27 =	vmul.f32 v17, v19;
	[tilespmem:s22+$0x14200] =	vst v23  }
0xcf: {  	v47 =	vld [tilespmem:s22+$0x14300];
	[tilespmem:s22+$0x14210] =	vst v25;
	v29 =	vmul.f32 v20, v19  }
0xd0: {  	v54 =	vld [tilespmem:s22+$0x14330];
	[tilespmem:s22+$0x14220] =	vst v27;
	v33 =	vmul.f32 v24, v19  }
0xd1: {  	v30 =	vld [tilespmem:s22+$0x14280];
	v36 =	vbroadcast v0, $0x8;
	v35 =	vmul.f32 v26, v19;
	[tilespmem:s22+$0x14230] =	vst v29  }
0xd2: {  	v32 =	vld [tilespmem:s22+$0x14290];
	v53 =	vbroadcast v0, $0x9;
	v38 =	vmul.f32 v28, v19;
	[tilespmem:s22+$0x14250] =	vst v33  }
0xd3: {  	v34 =	vld [tilespmem:s22+$0x142A0];
	v46 =	vmul.f32 v37, v36;
	[tilespmem:s22+$0x14260] =	vst v35  }
0xd4: {  	v39 =	vld [tilespmem:s22+$0x142C0];
	v57 =	vmul.f32 v47, v53;
	[tilespmem:s22+$0x14270] =	vst v38  }
0xd5: {  	v41 =	vld [tilespmem:s22+$0x142D0];
	v63 =	vmul.f32 v54, v53;
	[tilespmem:s22+$0x142B0] =	vst v46  }
0xd6: {  	v43 =	vld [tilespmem:s22+$0x142E0];
	v40 =	vmul.f32 v30, v36;
	[tilespmem:s22+$0x14300] =	vst v57  }
0xd7: {  	v45 =	vld [tilespmem:s22+$0x142F0];
	v42 =	vmul.f32 v32, v36;
	[tilespmem:s22+$0x14330] =	vst v63  }
0xd8: {  	v49 =	vld [tilespmem:s22+$0x14310];
	v44 =	vmul.f32 v34, v36;
	[tilespmem:s22+$0x14280] =	vst v40  }
0xd9: {  	v51 =	vld [tilespmem:s22+$0x14320];
	v48 =	vmul.f32 v39, v36;
	[tilespmem:s22+$0x14290] =	vst v42  }
0xda: {  	v56 =	vld [tilespmem:s22+$0x14340];
	v50 =	vmul.f32 v41, v36;
	[tilespmem:s22+$0x142A0] =	vst v44  }
0xdb: {  	v58 =	vld [tilespmem:s22+$0x14350];
	v52 =	vmul.f32 v43, v36;
	[tilespmem:s22+$0x142C0] =	vst v48  }
0xdc: {  	v60 =	vld [tilespmem:s22+$0x14360];
	v55 =	vmul.f32 v45, v36;
	[tilespmem:s22+$0x142D0] =	vst v50  }
0xdd: {  	v62 =	vld [tilespmem:s22+$0x14370];
	v59 =	vmul.f32 v49, v53;
	[tilespmem:s22+$0x142E0] =	vst v52  }
0xde: {  	v12 =	vld [tilespmem:s22+$0x14380];
	v61 =	vmul.f32 v51, v53;
	[tilespmem:s22+$0x142F0] =	vst v55  }
0xdf: {  	v14 =	vld [tilespmem:s22+$0x14390];
	v13 =	vmul.f32 v56, v53;
	[tilespmem:s22+$0x14310] =	vst v59  }
0xe0: {  	v16 =	vld [tilespmem:s22+$0x143A0];
	v15 =	vmul.f32 v58, v53;
	[tilespmem:s22+$0x14320] =	vst v61  }
0xe1: {  	v18 =	vbroadcast v0, $0xA;
	v21 =	vld [tilespmem:s22+$0x143C0];
	v17 =	vmul.f32 v60, v53;
	[tilespmem:s22+$0x14340] =	vst v13  }
0xe2: {  	v23 =	vld [tilespmem:s22+$0x143D0];
	v20 =	vmul.f32 v62, v53;
	[tilespmem:s22+$0x14350] =	vst v15  }
0xe3: {  	v25 =	vld [tilespmem:s22+$0x143E0];
	v22 =	vmul.f32 v12, v18;
	[tilespmem:s22+$0x14360] =	vst v17  }
0xe4: {  	v27 =	vld [tilespmem:s22+$0x143F0];
	v24 =	vmul.f32 v14, v18;
	[tilespmem:s22+$0x14370] =	vst v20  }
0xe5: {  	v31 =	vld [tilespmem:s22+$0x14410];
	v26 =	vmul.f32 v16, v18;
	[tilespmem:s22+$0x14380] =	vst v22  }
0xe6: {  	v19 =	vld [tilespmem:s22+$0x143B0];
	v30 =	vmul.f32 v21, v18;
	[tilespmem:s22+$0x14390] =	vst v24  }
0xe7: {  	v29 =	vld [tilespmem:s22+$0x14400];
	[tilespmem:s22+$0x143A0] =	vst v26;
	v32 =	vmul.f32 v23, v18  }
0xe8: {  	v33 =	vld [tilespmem:s22+$0x14420];
	v35 =	vbroadcast v0, $0xB;
	[tilespmem:s22+$0x143C0] =	vst v30;
	v34 =	vmul.f32 v25, v18  }
0xe9: {  	v36 =	vld [tilespmem:s22+$0x14430];
	v37 =	vmul.f32 v27, v18;
	[tilespmem:s22+$0x143D0] =	vst v32  }
0xea: {  	v38 =	vld [tilespmem:s22+$0x14440];
	v41 =	vmul.f32 v31, v35;
	[tilespmem:s22+$0x143E0] =	vst v34  }
0xeb: {  	v46 =	vld [tilespmem:s22+$0x14480];
	v28 =	vmul.f32 v19, v18;
	[tilespmem:s22+$0x143F0] =	vst v37  }
0xec: {  	v53 =	vld [tilespmem:s22+$0x144B0];
	[tilespmem:s22+$0x14410] =	vst v41;
	v39 =	vmul.f32 v29, v35  }
0xed: {  	v57 =	vld [tilespmem:s22+$0x144D0];
	[tilespmem:s22+$0x143B0] =	vst v28;
	v43 =	vmul.f32 v33, v35  }
0xee: {  	v63 =	vld [tilespmem:s22+$0x14500];
	v52 =	vbroadcast v0, $0xC;
	v45 =	vmul.f32 v36, v35;
	[tilespmem:s22+$0x14400] =	vst v39  }
0xef: {  	v40 =	vld [tilespmem:s22+$0x14450];
	v47 =	vmul.f32 v38, v35;
	[tilespmem:s22+$0x14420] =	vst v43  }
0xf0: {  	v42 =	vld [tilespmem:s22+$0x14460];
	v56 =	vmul.f32 v46, v52;
	[tilespmem:s22+$0x14430] =	vst v45  }
0xf1: {  	v44 =	vld [tilespmem:s22+$0x14470];
	v17 =	vbroadcast v0, $0xD;
	v62 =	vmul.f32 v53, v52;
	[tilespmem:s22+$0x14440] =	vst v47  }
0xf2: {  	v48 =	vld [tilespmem:s22+$0x14490];
	v14 =	vmul.f32 v57, v52;
	[tilespmem:s22+$0x14480] =	vst v56  }
0xf3: {  	v50 =	vld [tilespmem:s22+$0x144A0];
	v21 =	vmul.f32 v63, v17;
	[tilespmem:s22+$0x144B0] =	vst v62  }
0xf4: {  	v55 =	vld [tilespmem:s22+$0x144C0];
	v49 =	vmul.f32 v40, v35;
	[tilespmem:s22+$0x144D0] =	vst v14  }
0xf5: {  	v59 =	vld [tilespmem:s22+$0x144E0];
	v51 =	vmul.f32 v42, v35;
	[tilespmem:s22+$0x14500] =	vst v21  }
0xf6: {  	v61 =	vld [tilespmem:s22+$0x144F0];
	v54 =	vmul.f32 v44, v35;
	[tilespmem:s22+$0x14450] =	vst v49  }
0xf7: {  	v13 =	vld [tilespmem:s22+$0x14510];
	v58 =	vmul.f32 v48, v52;
	[tilespmem:s22+$0x14460] =	vst v51  }
0xf8: {  	v15 =	vld [tilespmem:s22+$0x14520];
	v60 =	vmul.f32 v50, v52;
	[tilespmem:s22+$0x14470] =	vst v54  }
0xf9: {  	v20 =	vld [tilespmem:s22+$0x14540];
	v12 =	vmul.f32 v55, v52;
	[tilespmem:s22+$0x14490] =	vst v58  }
0xfa: {  	v22 =	vld [tilespmem:s22+$0x14550];
	v16 =	vmul.f32 v59, v52;
	[tilespmem:s22+$0x144A0] =	vst v60  }
0xfb: {  	v24 =	vld [tilespmem:s22+$0x14560];
	v19 =	vmul.f32 v61, v52;
	[tilespmem:s22+$0x144C0] =	vst v12  }
0xfc: {  	v26 =	vld [tilespmem:s22+$0x14570];
	v23 =	vmul.f32 v13, v17;
	[tilespmem:s22+$0x144E0] =	vst v16  }
0xfd: {  	v30 =	vld [tilespmem:s22+$0x14590];
	v25 =	vmul.f32 v15, v17;
	[tilespmem:s22+$0x144F0] =	vst v19  }
0xfe: {  	v18 =	vld [tilespmem:s22+$0x14530];
	v29 =	vmul.f32 v20, v17;
	[tilespmem:s22+$0x14510] =	vst v23  }
0xff: {  	v32 =	vld [tilespmem:s22+$0x145A0];
	v31 =	vmul.f32 v22, v17;
	[tilespmem:s22+$0x14520] =	vst v25  }
0x100: {  	v34 =	vbroadcast v0, $0xE;
	v37 =	vld [tilespmem:s22+$0x145C0];
	v33 =	vmul.f32 v24, v17;
	[tilespmem:s22+$0x14540] =	vst v29  }
0x101: {  	v41 =	vld [tilespmem:s22+$0x145E0];
	v36 =	vmul.f32 v26, v17;
	[tilespmem:s22+$0x14550] =	vst v31  }
0x102: {  	v28 =	vld [tilespmem:s22+$0x14580];
	v40 =	vmul.f32 v30, v34;
	[tilespmem:s22+$0x14560] =	vst v33  }
0x103: {  	v53 =	vld [tilespmem:s22+$0x14640];
	v27 =	vmul.f32 v18, v17;
	[tilespmem:s22+$0x14570] =	vst v36  }
0x104: {  	v57 =	vld [tilespmem:s22+$0x14660];
	v42 =	vmul.f32 v32, v34;
	[tilespmem:s22+$0x14590] =	vst v40  }
0x105: {  	v35 =	vld [tilespmem:s22+$0x145B0];
	v46 =	vmul.f32 v37, v34;
	[tilespmem:s22+$0x14530] =	vst v27  }
0x106: {  	v0 =	vbroadcast v0, $0xF;
	v39 =	vld [tilespmem:s22+$0x145D0];
	v50 =	vmul.f32 v41, v34;
	[tilespmem:s22+$0x145A0] =	vst v42  }
0x107: {  	v43 =	vld [tilespmem:s22+$0x145F0];
	v38 =	vmul.f32 v28, v34;
	[tilespmem:s22+$0x145C0] =	vst v46  }
0x108: {  	v45 =	vld [tilespmem:s22+$0x14600];
	v61 =	vmul.f32 v53, v0;
	[tilespmem:s22+$0x145E0] =	vst v50  }
0x109: {  	v47 =	vld [tilespmem:s22+$0x14610];
	v63 =	vmul.f32 v57, v0;
	[tilespmem:s22+$0x14580] =	vst v38  }
0x10a: {  	v55 =	vld [tilespmem:s22+$0x14650];
	v44 =	vmul.f32 v35, v34;
	[tilespmem:s22+$0x14640] =	vst v61  }
0x10b: {  	v49 =	vld [tilespmem:s22+$0x14620];
	v48 =	vmul.f32 v39, v34;
	[tilespmem:s22+$0x14660] =	vst v63  }
0x10c: {  	v51 =	vld [tilespmem:s22+$0x14630];
	v52 =	vmul.f32 v43, v34;
	[tilespmem:s22+$0x145B0] =	vst v44  }
0x10d: {  	v59 =	vld [tilespmem:s22+$0x14670];
	v54 =	vmul.f32 v45, v0;
	[tilespmem:s22+$0x145D0] =	vst v48  }
0x10e: {  	v56 =	vmul.f32 v47, v0;
	[tilespmem:s22+$0x145F0] =	vst v52  }
0x10f: {  	p0 =	sne.s32 s21, $0xF;
	v62 =	vmul.f32 v55, v0;
	[tilespmem:s22+$0x14600] =	vst v54  }
.Ltmp1:
0x110: {  	v58 =	vmul.f32 v49, v0;
	[tilespmem:s22+$0x14610] =	vst v56;
	(pc) =	sbr.rel @p0 .LBB2_5-.Ltmp1, $4  }
0x111: {  	v60 =	vmul.f32 v51, v0;
	[tilespmem:s22+$0x14650] =	vst v62  }
0x112: {  	v0 =	vmul.f32 v59, v0;
	[tilespmem:s22+$0x14620] =	vst v58  }
0x113: {  	[tilespmem:s22+$0x14630] =	vst v60  }
0x114: {  	s21 =	sadd.s32 $0x1, s21;
	[tilespmem:s22+$0x14670] =	vst v0  }
0x115: {  	[spmem:s2] =	stream.indirect.scatter.add.f32 [tilespmem:s30], [sflag:$0x2], $0x80, s16, s20, $0xb8;
	[tilespmem:$0x1BE80] =	vst v63  }
0x116: {  	_ = 	snop  }
0x117: {  	[spmem:s2] =	stream.indirect.scatter.add.f32 [tilespmem:s0], [sflag:$0x2], $0x80, s10, s20, $0xb8;
	[tilespmem:$0x1BE80] =	vst v63  }
0x118: {  	_ = 	snop  }
0x119: {  	[spmem:s2] =	stream.indirect.scatter.add.f32 [tilespmem:s9], [sflag:$0x2], $0x80, s14, s20, $0xb8;
	[tilespmem:$0x1BE80] =	vst v63  }
0x11a: {  	_ = 	snop  }
0x11b: {  	[spmem:s2] =	stream.indirect.scatter.add.f32 [tilespmem:s13], [sflag:$0x2], $0x80, s15, s20, $0xb8;
	[tilespmem:$0x1BE80] =	vst v63  }
0x11c: {  	_ =	swait.ge [sflag:s4], $0x2000  }
0x11d: {  	[sflag:s4] =	ssyncset.done $0x0  }
0x11e: {  	[sflag:s4] =	ssyncadd.s32 $0xFFFFE000  }
0x11f: {  	_ =	swait.ge [sflag:s4], $0x2000  }
0x120: {  	[sflag:s4] =	ssyncset.done $0x0  }
0x121: {  	s18 =	sadd.s32 $0x1, s18;
	[sflag:s4] =	ssyncadd.s32 $0xFFFFE000  }
0x122: {  	p0 =	sne.s32 s18, $0x28;
	_ =	swait.ge [sflag:s4], $0x2000  }
.Ltmp2:
0x123: {  	[sflag:s4] =	ssyncset.done $0x0;
	(pc) =	sbr.rel @p0 .LBB2_2-.Ltmp2, $4  }
0x124: {  	[sflag:s4] =	ssyncadd.s32 $0xFFFFE000  }
0x125: {  	_ =	swait.ge [sflag:s4], $0x2000  }
0x126: {  	[sflag:s4] =	ssyncset.done $0x0  }
0x127: {  	[sflag:s4] =	ssyncadd.s32 $0xFFFFE000  }
0x128: {  	[bflag:$0x0] =	sbarrier.arrive $0xFFFF  }
0x129: {  	s21 =	rddreg [dreg:$0x6]  }
0x12a: {  	s18 =	rddreg [dreg:$0x7]  }
0x12b: {  	s22 =	simm.s32 $0x3;
	s23 =	rddreg [dreg:$0x9]  }
0x12c: {  	[hbm:s18], [sflag:s21] =	dma.local [spmem:s23], $0x2710  }
0x12d: {  	_ =	swait.ge [sflag:s22], $0x2710  }
0x12e: {  	s18 =	rddreg [dreg:$0x4]  }
0x12f: {  	[sflag:s22] =	ssyncset.done $0x0;
	s22 =	rddreg [dreg:$0x8];
	s18 =	sadd.s32 $0x1, s18  }
0x130: {  	p0 =	sne.s32 s18, s22  }
.Ltmp3:
0x131: {  	_ = 	snop;
	(pc) =	sbr.rel @p0 .LBB2_1-.Ltmp3, $3  }
0x132: {  	_ =	sdelay $0x1  }
0x133: {  	s22 =	simm.s32 $0x3  }
0x134: {  	[sflag:s22] =	ssyncadd.s32 $0xFFFFD8F0  }
0x135: {  	_ =	sfence.sel $0x180000  }
0x136: {  	[bflag:$0x0] =	sbarrier.arrive $0xFFFF  }
0x137: {  	_ =	strace $0x90000047  }
0x138: {  	s0 =	stileid.u32;
	[bflag:$0x2] =	sbarrier.arrive $0xFFFF  }
0x139: {  	p0 =	sne.s32 s0, $0x0;
	s0 =	rddreg [dreg:$0x3]  }
0x13a: {  	s0 =	sadd.s32 @!p0 $0x100000, s0  }
0x13b: {  	[sflag:s0] =	ssyncadd.tile.s32 @!p0 $0x1;
	_ =	shalt  }
.Lfunc_end2:
_tile_overlayer_lowered:
.L_overlay_start_2:
0x13c: {  	(tag) =	ssettag $0x2  }
0x13d: {  	s0 =	rddreg [dreg:$0x0];
	s2 =	stileid.u32  }
0x13e: {  	s1 =	rddreg [dreg:$0x1];
	p0 =	sne.s32 s2, $0x0  }
0x13f: {  	s3 =	rddreg [dreg:$0x2];
	[bflag:$0x3] =	sbarrier.arrive $0xFFFF;
	s2 =	simm.s32 @!p0 $0x1C03  }
0x140: {  	[timem:s3], [sflag:s2] =	dma.local @!p0 [hbm:s0], s1  }
0x141: {  	s0 =	simm.s32 @!p0 $0x3  }
0x142: {  	_ =	swait.ge @!p0 [sflag:s0], s1  }
0x143: {  	s1 =	ssub.s32 @!p0 $0x0, s1;
	[sflag:s0] =	ssyncset.done @!p0 $0x0  }
0x144: {  	[sflag:s0] =	ssyncadd.s32 @!p0 s1  }
0x145: {  	[bflag:$0x3] =	sbarrier.arrive $0xFFFF  }
0x146: {  	_ =	shalt  }

</sc_bundles>
